<compile_context>
chip_gen: v7x
topology: tpu7x:2x2x1
jax: 0.10.2.dev20260603
libtpu: 0.0.44.dev20260713+nightly
codegen_flags: <defaults>
</compile_context>

<pallas_src>
import functools

import jax
import jax.numpy as jnp
from jax import lax
from jax.experimental import pallas as pl
from jax.experimental.pallas import tpu as pltpu
from jax.experimental.pallas import tpu_sc as plsc

_EPS = 1e-8
_K = 16



def _topk_body(f1n_ref, f2n_ref, idx_ref, s_ref):
    f1n = f1n_ref[0]
    f2n = f2n_ref[0]
    s_ref[...] = lax.dot_general(
        f2n, f1n, (((1,), (1,)), ((), ())),
        preferred_element_type=jnp.float32,
    )
    bm, n = s_ref.shape
    iota = lax.broadcasted_iota(jnp.int32, (bm, n), 1)
    picks = []
    m = jnp.max(s_ref[...], axis=1, keepdims=True)
    for j in range(_K):
        s = s_ref[...]
        pick = jnp.min(jnp.where(s == m, iota, n), axis=1, keepdims=True)
        picks.append(pick)
        if j + 1 < _K:
            s = jnp.where(iota == pick, -2.0, s)
            s_ref[...] = s
            m = jnp.max(s, axis=1, keepdims=True)
    idx_ref[0] = jnp.concatenate(picks, axis=1)



_SC_CHUNK = 8


_SC_DPAD = 128


def _make_sc_pool(total_rows, n_keys, d, batches):
    info = plsc.get_sparse_core_info()
    nc, ns = info.num_cores, info.num_subcores
    nw = nc * ns
    rows_per_w = total_rows // nw
    n_chunks = rows_per_w // _SC_CHUNK
    rows_per_batch = total_rows // batches
    mesh = plsc.VectorSubcoreMesh(core_axis_name="c", subcore_axis_name="s")

    @functools.partial(
        pl.kernel, mesh=mesh,
        out_type=jax.ShapeDtypeStruct((total_rows, 2 * d), jnp.float32),
        scratch_types=[
            pltpu.VMEM((_SC_CHUNK * _K,), jnp.int32),
            pltpu.VMEM((_SC_CHUNK * _K, _SC_DPAD), jnp.float32),
            pltpu.VMEM((_SC_CHUNK, 2 * d), jnp.float32),
            pltpu.SemaphoreType.DMA,
        ],
    )
    def sc_pool(f1_hbm, idx_hbm, out_hbm, idx_v, rows_v, out_v, sem):
        wid = lax.axis_index("s") * nc + lax.axis_index("c")
        row_base = wid * rows_per_w
        f1_off = (row_base // rows_per_batch) * n_keys

        def chunk_body(ci, carry):
            rbase = row_base + ci * _SC_CHUNK
            pltpu.sync_copy(idx_hbm.at[pl.ds(rbase * _K, _SC_CHUNK * _K)],
                            idx_v)
            for i in range(_SC_CHUNK * _K // 16):
                idx_v[pl.ds(i * 16, 16)] = idx_v[pl.ds(i * 16, 16)] + f1_off
            pltpu.async_copy(f1_hbm.at[idx_v], rows_v, sem).wait()
            for r in range(_SC_CHUNK):
                def nb(nn, acc):
                    s0, s1, s2, s3, m0, m1, m2, m3 = acc
                    row = r * _K + nn
                    v0 = rows_v[row, pl.ds(0, 16)]
                    v1 = rows_v[row, pl.ds(16, 16)]
                    v2 = rows_v[row, pl.ds(32, 16)]
                    v3 = rows_v[row, pl.ds(48, 16)]
                    return (s0 + v0, s1 + v1, s2 + v2, s3 + v3,
                            jnp.maximum(m0, v0), jnp.maximum(m1, v1),
                            jnp.maximum(m2, v2), jnp.maximum(m3, v3))

                i0 = (rows_v[r * _K, pl.ds(0, 16)],
                      rows_v[r * _K, pl.ds(16, 16)],
                      rows_v[r * _K, pl.ds(32, 16)],
                      rows_v[r * _K, pl.ds(48, 16)])
                acc = lax.fori_loop(1, _K, nb, i0 + i0)
                scale = jnp.float32(1.0 / _K)
                out_v[r, pl.ds(0, 16)] = acc[0] * scale
                out_v[r, pl.ds(16, 16)] = acc[1] * scale
                out_v[r, pl.ds(32, 16)] = acc[2] * scale
                out_v[r, pl.ds(48, 16)] = acc[3] * scale
                out_v[r, pl.ds(64, 16)] = acc[4]
                out_v[r, pl.ds(80, 16)] = acc[5]
                out_v[r, pl.ds(96, 16)] = acc[6]
                out_v[r, pl.ds(112, 16)] = acc[7]
            pltpu.sync_copy(out_v, out_hbm.at[pl.ds(rbase, _SC_CHUNK)])
            return carry

        lax.fori_loop(0, n_chunks, chunk_body, 0)

    return sc_pool



def kernel(f1, f2, k):
    B, N, d = f1.shape
    M = f2.shape[1]
    BM = 512 if M % 512 == 0 else M
    f1n = (f1 / (jnp.linalg.norm(f1, axis=-1, keepdims=True) + _EPS)).astype(jnp.bfloat16)
    f2n = (f2 / (jnp.linalg.norm(f2, axis=-1, keepdims=True) + _EPS)).astype(jnp.bfloat16)

    topk = pl.pallas_call(
        _topk_body,
        grid=(1, M // BM),
        in_specs=[
            pl.BlockSpec((1, N, d), lambda b, i: (b, 0, 0)),
            pl.BlockSpec((1, BM, d), lambda b, i: (b, i, 0)),
        ],
        out_specs=pl.BlockSpec((1, BM, _K), lambda b, i: (b, i, 0)),
        out_shape=jax.ShapeDtypeStruct((1, M, _K), jnp.int32),
        scratch_shapes=[pltpu.VMEM((BM, N), jnp.float32)],
    )
    sc_pool = _make_sc_pool(M, N, d, batches=1)

    outs, idxs = [], []
    for b in range(B):
        idx_b = topk(f1n[b:b + 1], f2n[b:b + 1])
        f1_pad_b = jnp.pad(f1[b], ((0, 0), (0, _SC_DPAD - d)))
        out_b = sc_pool(f1_pad_b, idx_b.reshape(M * _K))
        outs.append(out_b.reshape(1, M, 2 * d))
        idxs.append(idx_b)
    out = jnp.concatenate(outs, axis=0)
    idx = jnp.concatenate(idxs, axis=0)

    idx = idx + (jnp.asarray(k, jnp.int32) - _K)
    return (out, idx)

# --- scband reference (transcript-rebuilt; emitter-appended) ---
"""Pipeline reference for scband-restore-net-90228672954714 (READ-ONLY COPY).

The authoritative reference and input builder live on the scoring server;
editing this copy changes nothing except your own understanding.
"""

import jax, jax.numpy as jnp
import numpy as np


def setup_inputs(seed: int = 0) -> dict:
    key = jax.random.key(seed)
    k1, k2 = jax.random.split(key)
    f1 = jax.random.normal(k1, (2, 4096, 64), dtype=jnp.float32)
    f2 = jax.random.normal(k2, (2, 4096, 64), dtype=jnp.float32)
    return {"f1": f1, "f2": f2, "k": 16}


def reference(f1, f2, k):
    # Faithful JAX translation of the retrieval core of RestoreNet:
    #   w1 = feature_cosine_similarity(f2, f1)         -> [B, M, N]
    #   idx = w1.topk(k, dim=-1)                       -> [B, M, k]
    #   feature = gather f1 rows by idx                -> [B, M, k, d]
    #   feature = cat(avg_pool_k, max_pool_k)          -> [B, M, 2d]
    eps = 1e-8
    K = 16
    f1n = f1 / (jnp.linalg.norm(f1, axis=-1, keepdims=True) + eps)
    f2n = f2 / (jnp.linalg.norm(f2, axis=-1, keepdims=True) + eps)
    w = jnp.einsum('bmd,bnd->bmn', f2n, f1n)
    _, idx = jax.lax.top_k(w, K)
    idx = idx + (jnp.asarray(k, dtype=idx.dtype) - K)
    # gather: f1[b, idx[b, m, j], :] -> [B, M, k, d]
    feature = jnp.take_along_axis(f1[:, None, :, :], idx[:, :, :, None], axis=2)
    # adaptive_max_pool2d((1, d)) == max over the k neighbor axis
    feature_max = jnp.max(feature, axis=2)
    # adaptive_avg_pool2d((1, d)) == mean over the k neighbor axis
    feature_avg = jnp.mean(feature, axis=2)
    out = jnp.concatenate((feature_avg, feature_max), axis=-1)
    return (out, idx)

if __name__ == "__main__":
    import jax
    _d = setup_inputs()
    print(jax.jit(kernel)(*tuple(_d.values())))

</pallas_src>

<mosaic_0001>
#map = affine_map<(d0, d1) -> (0, 0)>
#map1 = affine_map<(d0, d1) -> (0)>
module attributes {stable_mosaic.version = 14 : i64} {
  func.func @sc_pool(%arg0: i32, %arg1: i32, %arg2: memref<4096x128xf32, #tpu.memory_space<hbm>>, %arg3: memref<65536xi32, #tpu.memory_space<hbm>>, %arg4: memref<4096x128xf32, #tpu.memory_space<hbm>>, %arg5: memref<128xi32, #tpu.memory_space<vmem>>, %arg6: memref<128x128xf32, #tpu.memory_space<vmem>>, %arg7: memref<8x128xf32, #tpu.memory_space<vmem>>, %arg8: memref<!tpu.dma_semaphore, #tpu.memory_space<semaphore_mem>>) attributes {dimension_semantics = [#tpu.dimension_semantics<core_parallel>, #tpu.dimension_semantics<subcore_parallel>], iteration_bounds = array<i64: 2, 16>, scalar_prefetch = 0 : i64, scratch_operands = 4 : i64, tpu.core_type = #tpu.core_type<sc_vector_subcore>, window_params = [{transform_indices = #map}, {transform_indices = #map1}, {transform_indices = #map}]} {
    %mul3A = arith.constant 2 : i32
    %mul3A_0 = arith.muli %arg1, %mul3A : i32
    %add3A = arith.addi %mul3A_0, %arg0 : i32
    %mul3A_1 = arith.constant 128 : i32
    %mul3A_2 = arith.muli %add3A, %mul3A_1 : i32
    %jit3A = arith.constant 4096 : i32
    %div3A = arith.divsi %mul3A_2, %jit3A : i32
    %sign3A = arith.constant 0 : i32
    %sign3A_3 = arith.cmpi sgt, %mul3A_2, %sign3A : i32
    %sign3A_4 = arith.extui %sign3A_3 : i1 to i32
    %sign3A_5 = arith.constant 0 : i32
    %sign3A_6 = arith.cmpi slt, %mul3A_2, %sign3A_5 : i32
    %sign3A_7 = arith.extui %sign3A_6 : i1 to i32
    %sign3A_8 = arith.subi %sign3A_4, %sign3A_7 : i32
    %sign3A_9 = arith.constant 0 : i32
    %sign3A_10 = arith.cmpi sgt, %jit3A, %sign3A_9 : i32
    %sign3A_11 = arith.extui %sign3A_10 : i1 to i32
    %sign3A_12 = arith.constant 0 : i32
    %sign3A_13 = arith.cmpi slt, %jit3A, %sign3A_12 : i32
    %sign3A_14 = arith.extui %sign3A_13 : i1 to i32
    %sign3A_15 = arith.subi %sign3A_11, %sign3A_14 : i32
    %ne3A = arith.cmpi ne, %sign3A_8, %sign3A_15 : i32
    %rem3A = arith.remsi %mul3A_2, %jit3A : i32
    %ne3A_16 = arith.constant 0 : i32
    %ne3A_17 = arith.cmpi ne, %rem3A, %ne3A_16 : i32
    %and3A = arith.andi %ne3A, %ne3A_17 : i1
    %sub3A = arith.constant 1 : i32
    %sub3A_18 = arith.subi %div3A, %sub3A : i32
    %select_n3A = arith.select %and3A, %sub3A_18, %div3A : i32
    %mul3A_19 = arith.constant 4096 : i32
    %mul3A_20 = arith.muli %select_n3A, %mul3A_19 : i32
    %scan3A = arith.constant 0 : i32
    %scan3A_21 = arith.constant 0 : i32
    %scan3A_22 = arith.constant 16 : i32
    %scan3A_23 = arith.addi %scan3A_21, %scan3A_22 : i32
    %scan3A_24 = arith.constant 1 : i32
    scf.for %scan3A_26 = %scan3A_21 to %scan3A_23 step %scan3A_24  : i32 {
      %mul3A_27 = arith.constant 8 : i32
      %mul3A_28 = arith.muli %scan3A_26, %mul3A_27 : i32
      %add3A_29 = arith.addi %mul3A_2, %mul3A_28 : i32
      %mul3A_30 = arith.constant 16 : i32
      %mul3A_31 = arith.muli %add3A_29, %mul3A_30 : i32
      "tpu.region"() ({
        %run_scoped3A = tpu.sem_alloc : memref<!tpu.dma_semaphore, #tpu.memory_space<semaphore_mem>>
        %dma_start3A_794 = tpu.memref_slice %arg3[%mul3A_31] : memref<65536xi32, #tpu.memory_space<hbm>> -> memref<128xi32, #tpu.memory_space<hbm>>
        %dma_start3A_795 = tpu.memref_slice %arg3[%mul3A_31] : memref<65536xi32, #tpu.memory_space<hbm>> -> memref<128xi32, #tpu.memory_space<hbm>>
        tpu.enqueue_dma source(%dma_start3A_795 : memref<128xi32, #tpu.memory_space<hbm>>) target(%arg5 : memref<128xi32, #tpu.memory_space<vmem>>) target_semaphore(%run_scoped3A : memref<!tpu.dma_semaphore, #tpu.memory_space<semaphore_mem>>)
        %dma_wait3A_796 = tpu.memref_slice %arg3[%mul3A_31] : memref<65536xi32, #tpu.memory_space<hbm>> -> memref<128xi32, #tpu.memory_space<hbm>>
        %dma_wait3A_797 = tpu.memref_slice %arg3[%mul3A_31] : memref<65536xi32, #tpu.memory_space<hbm>> -> memref<128xi32, #tpu.memory_space<hbm>>
        tpu.wait_dma2 semaphore(%run_scoped3A : memref<!tpu.dma_semaphore, #tpu.memory_space<semaphore_mem>>) src(%dma_wait3A_797 : memref<128xi32, #tpu.memory_space<hbm>>) dst(%arg5 : memref<128xi32, #tpu.memory_space<vmem>>)
        tpu.yield
      }) : () -> ()
      %get3A = arith.constant 0 : index
      %get3A_32 = tpu.vector_load %arg5[%get3A] {strides = array<i32>} : memref<128xi32, #tpu.memory_space<vmem>>, vector<16xi32>,
      %get3A_33 = vector.shape_cast %get3A_32 : vector<16xi32> to vector<16xi32>
      %add3A_34 = vector.broadcast %mul3A_20 : i32 to vector<16xi32>
      %add3A_35 = arith.addi %get3A_33, %add3A_34 : vector<16xi32>
      %swap3A = arith.constant 0 : index
      %swap3A_36 = tpu.vector_load %arg5[%swap3A] {strides = array<i32>} : memref<128xi32, #tpu.memory_space<vmem>>, vector<16xi32>,
      %swap3A_37 = vector.shape_cast %swap3A_36 : vector<16xi32> to vector<16xi32>
      %swap3A_38 = vector.shape_cast %add3A_35 : vector<16xi32> to vector<16xi32>
      tpu.vector_store %arg5[%swap3A], %swap3A_38 {strides = array<i32>} : memref<128xi32, #tpu.memory_space<vmem>>, vector<16xi32>,
      %get3A_39 = arith.constant 16 : index
      %get3A_40 = tpu.vector_load %arg5[%get3A_39] {strides = array<i32>} : memref<128xi32, #tpu.memory_space<vmem>>, vector<16xi32>,
      %get3A_41 = vector.shape_cast %get3A_40 : vector<16xi32> to vector<16xi32>
      %add3A_42 = vector.broadcast %mul3A_20 : i32 to vector<16xi32>
      %add3A_43 = arith.addi %get3A_41, %add3A_42 : vector<16xi32>
      %swap3A_44 = arith.constant 16 : index
      %swap3A_45 = tpu.vector_load %arg5[%swap3A_44] {strides = array<i32>} : memref<128xi32, #tpu.memory_space<vmem>>, vector<16xi32>,
      %swap3A_46 = vector.shape_cast %swap3A_45 : vector<16xi32> to vector<16xi32>
      %swap3A_47 = vector.shape_cast %add3A_43 : vector<16xi32> to vector<16xi32>
      tpu.vector_store %arg5[%swap3A_44], %swap3A_47 {strides = array<i32>} : memref<128xi32, #tpu.memory_space<vmem>>, vector<16xi32>,
      %get3A_48 = arith.constant 32 : index
      %get3A_49 = tpu.vector_load %arg5[%get3A_48] {strides = array<i32>} : memref<128xi32, #tpu.memory_space<vmem>>, vector<16xi32>,
      %get3A_50 = vector.shape_cast %get3A_49 : vector<16xi32> to vector<16xi32>
      %add3A_51 = vector.broadcast %mul3A_20 : i32 to vector<16xi32>
      %add3A_52 = arith.addi %get3A_50, %add3A_51 : vector<16xi32>
      %swap3A_53 = arith.constant 32 : index
      %swap3A_54 = tpu.vector_load %arg5[%swap3A_53] {strides = array<i32>} : memref<128xi32, #tpu.memory_space<vmem>>, vector<16xi32>,
      %swap3A_55 = vector.shape_cast %swap3A_54 : vector<16xi32> to vector<16xi32>
      %swap3A_56 = vector.shape_cast %add3A_52 : vector<16xi32> to vector<16xi32>
      tpu.vector_store %arg5[%swap3A_53], %swap3A_56 {strides = array<i32>} : memref<128xi32, #tpu.memory_space<vmem>>, vector<16xi32>,
      %get3A_57 = arith.constant 48 : index
      %get3A_58 = tpu.vector_load %arg5[%get3A_57] {strides = array<i32>} : memref<128xi32, #tpu.memory_space<vmem>>, vector<16xi32>,
      %get3A_59 = vector.shape_cast %get3A_58 : vector<16xi32> to vector<16xi32>
      %add3A_60 = vector.broadcast %mul3A_20 : i32 to vector<16xi32>
      %add3A_61 = arith.addi %get3A_59, %add3A_60 : vector<16xi32>
      %swap3A_62 = arith.constant 48 : index
      %swap3A_63 = tpu.vector_load %arg5[%swap3A_62] {strides = array<i32>} : memref<128xi32, #tpu.memory_space<vmem>>, vector<16xi32>,
      %swap3A_64 = vector.shape_cast %swap3A_63 : vector<16xi32> to vector<16xi32>
      %swap3A_65 = vector.shape_cast %add3A_61 : vector<16xi32> to vector<16xi32>
      tpu.vector_store %arg5[%swap3A_62], %swap3A_65 {strides = array<i32>} : memref<128xi32, #tpu.memory_space<vmem>>, vector<16xi32>,
      %get3A_66 = arith.constant 64 : index
      %get3A_67 = tpu.vector_load %arg5[%get3A_66] {strides = array<i32>} : memref<128xi32, #tpu.memory_space<vmem>>, vector<16xi32>,
      %get3A_68 = vector.shape_cast %get3A_67 : vector<16xi32> to vector<16xi32>
      %add3A_69 = vector.broadcast %mul3A_20 : i32 to vector<16xi32>
      %add3A_70 = arith.addi %get3A_68, %add3A_69 : vector<16xi32>
      %swap3A_71 = arith.constant 64 : index
      %swap3A_72 = tpu.vector_load %arg5[%swap3A_71] {strides = array<i32>} : memref<128xi32, #tpu.memory_space<vmem>>, vector<16xi32>,
      %swap3A_73 = vector.shape_cast %swap3A_72 : vector<16xi32> to vector<16xi32>
      %swap3A_74 = vector.shape_cast %add3A_70 : vector<16xi32> to vector<16xi32>
      tpu.vector_store %arg5[%swap3A_71], %swap3A_74 {strides = array<i32>} : memref<128xi32, #tpu.memory_space<vmem>>, vector<16xi32>,
      %get3A_75 = arith.constant 80 : index
      %get3A_76 = tpu.vector_load %arg5[%get3A_75] {strides = array<i32>} : memref<128xi32, #tpu.memory_space<vmem>>, vector<16xi32>,
      %get3A_77 = vector.shape_cast %get3A_76 : vector<16xi32> to vector<16xi32>
      %add3A_78 = vector.broadcast %mul3A_20 : i32 to vector<16xi32>
      %add3A_79 = arith.addi %get3A_77, %add3A_78 : vector<16xi32>
      %swap3A_80 = arith.constant 80 : index
      %swap3A_81 = tpu.vector_load %arg5[%swap3A_80] {strides = array<i32>} : memref<128xi32, #tpu.memory_space<vmem>>, vector<16xi32>,
      %swap3A_82 = vector.shape_cast %swap3A_81 : vector<16xi32> to vector<16xi32>
      %swap3A_83 = vector.shape_cast %add3A_79 : vector<16xi32> to vector<16xi32>
      tpu.vector_store %arg5[%swap3A_80], %swap3A_83 {strides = array<i32>} : memref<128xi32, #tpu.memory_space<vmem>>, vector<16xi32>,
      %get3A_84 = arith.constant 96 : index
      %get3A_85 = tpu.vector_load %arg5[%get3A_84] {strides = array<i32>} : memref<128xi32, #tpu.memory_space<vmem>>, vector<16xi32>,
      %get3A_86 = vector.shape_cast %get3A_85 : vector<16xi32> to vector<16xi32>
      %add3A_87 = vector.broadcast %mul3A_20 : i32 to vector<16xi32>
      %add3A_88 = arith.addi %get3A_86, %add3A_87 : vector<16xi32>
      %swap3A_89 = arith.constant 96 : index
      %swap3A_90 = tpu.vector_load %arg5[%swap3A_89] {strides = array<i32>} : memref<128xi32, #tpu.memory_space<vmem>>, vector<16xi32>,
      %swap3A_91 = vector.shape_cast %swap3A_90 : vector<16xi32> to vector<16xi32>
      %swap3A_92 = vector.shape_cast %add3A_88 : vector<16xi32> to vector<16xi32>
      tpu.vector_store %arg5[%swap3A_89], %swap3A_92 {strides = array<i32>} : memref<128xi32, #tpu.memory_space<vmem>>, vector<16xi32>,
      %get3A_93 = arith.constant 112 : index
      %get3A_94 = tpu.vector_load %arg5[%get3A_93] {strides = array<i32>} : memref<128xi32, #tpu.memory_space<vmem>>, vector<16xi32>,
      %get3A_95 = vector.shape_cast %get3A_94 : vector<16xi32> to vector<16xi32>
      %add3A_96 = vector.broadcast %mul3A_20 : i32 to vector<16xi32>
      %add3A_97 = arith.addi %get3A_95, %add3A_96 : vector<16xi32>
      %swap3A_98 = arith.constant 112 : index
      %swap3A_99 = tpu.vector_load %arg5[%swap3A_98] {strides = array<i32>} : memref<128xi32, #tpu.memory_space<vmem>>, vector<16xi32>,
      %swap3A_100 = vector.shape_cast %swap3A_99 : vector<16xi32> to vector<16xi32>
      %swap3A_101 = vector.shape_cast %add3A_97 : vector<16xi32> to vector<16xi32>
      tpu.vector_store %arg5[%swap3A_98], %swap3A_101 {strides = array<i32>} : memref<128xi32, #tpu.memory_space<vmem>>, vector<16xi32>,
      %dma_start3A = arith.constant 0 : i32
      %dma_start3A_102 = arith.constant 0 : i32
      %dma_start3A_103 = tpu.memref_slice %arg2[%dma_start3A, %dma_start3A_102] : memref<4096x128xf32, #tpu.memory_space<hbm>> -> memref<4096x128xf32, #tpu.memory_space<hbm>>
      tpu.enqueue_indirect_dma source(%dma_start3A_103 : memref<4096x128xf32, #tpu.memory_space<hbm>>) target(%arg6 : memref<128x128xf32, #tpu.memory_space<vmem>>) offsets(%arg5 : memref<128xi32, #tpu.memory_space<vmem>>) semaphore(%arg8 : memref<!tpu.dma_semaphore, #tpu.memory_space<semaphore_mem>>)
      %dma_wait3A = arith.constant 0 : i32
      %dma_wait3A_104 = arith.constant 0 : i32
      %dma_wait3A_105 = tpu.memref_slice %arg2[%dma_wait3A, %dma_wait3A_104] : memref<4096x128xf32, #tpu.memory_space<hbm>> -> memref<4096x128xf32, #tpu.memory_space<hbm>>
      tpu.wait_indirect_dma semaphore(%arg8 : memref<!tpu.dma_semaphore, #tpu.memory_space<semaphore_mem>>) src(%dma_wait3A_105 : memref<4096x128xf32, #tpu.memory_space<hbm>>) dst(%arg6 : memref<128x128xf32, #tpu.memory_space<vmem>>)
      %get3A_106 = arith.constant 0 : i32
      %get3A_107 = arith.index_cast %get3A_106 : i32 to index
      %get3A_108 = arith.constant 0 : index
      %get3A_109 = tpu.vector_load %arg6[%get3A_107, %get3A_108] {strides = array<i32>} : memref<128x128xf32, #tpu.memory_space<vmem>>, vector<1x16xf32>,
      %get3A_110 = vector.shape_cast %get3A_109 : vector<1x16xf32> to vector<16xf32>
      %get3A_111 = arith.constant 0 : i32
      %get3A_112 = arith.index_cast %get3A_111 : i32 to index
      %get3A_113 = arith.constant 16 : index
      %get3A_114 = tpu.vector_load %arg6[%get3A_112, %get3A_113] {strides = array<i32>} : memref<128x128xf32, #tpu.memory_space<vmem>>, vector<1x16xf32>,
      %get3A_115 = vector.shape_cast %get3A_114 : vector<1x16xf32> to vector<16xf32>
      %get3A_116 = arith.constant 0 : i32
      %get3A_117 = arith.index_cast %get3A_116 : i32 to index
      %get3A_118 = arith.constant 32 : index
      %get3A_119 = tpu.vector_load %arg6[%get3A_117, %get3A_118] {strides = array<i32>} : memref<128x128xf32, #tpu.memory_space<vmem>>, vector<1x16xf32>,
      %get3A_120 = vector.shape_cast %get3A_119 : vector<1x16xf32> to vector<16xf32>
      %get3A_121 = arith.constant 0 : i32
      %get3A_122 = arith.index_cast %get3A_121 : i32 to index
      %get3A_123 = arith.constant 48 : index
      %get3A_124 = tpu.vector_load %arg6[%get3A_122, %get3A_123] {strides = array<i32>} : memref<128x128xf32, #tpu.memory_space<vmem>>, vector<1x16xf32>,
      %get3A_125 = vector.shape_cast %get3A_124 : vector<1x16xf32> to vector<16xf32>
      %scan3A_126 = arith.constant 1 : i32
      %scan3A_127 = arith.constant 15 : i32
      %scan3A_128 = arith.addi %scan3A_126, %scan3A_127 : i32
      %scan3A_129 = arith.constant 1 : i32
      %scan3A_130:8 = scf.for %scan3A_794 = %scan3A_126 to %scan3A_128 step %scan3A_129 iter_args(%scan3A_795 = %get3A_110, %scan3A_796 = %get3A_115, %scan3A_797 = %get3A_120, %scan3A_798 = %get3A_125, %scan3A_799 = %get3A_110, %scan3A_800 = %get3A_115, %scan3A_801 = %get3A_120, %scan3A_802 = %get3A_125) -> (vector<16xf32>, vector<16xf32>, vector<16xf32>, vector<16xf32>, vector<16xf32>, vector<16xf32>, vector<16xf32>, vector<16xf32>)  : i32 {
        %add3A_803 = arith.constant 0 : i32
        %add3A_804 = arith.addi %add3A_803, %scan3A_794 : i32
        %get3A_805 = arith.index_cast %add3A_804 : i32 to index
        %get3A_806 = arith.constant 0 : index
        %get3A_807 = tpu.vector_load %arg6[%get3A_805, %get3A_806] {strides = array<i32>} : memref<128x128xf32, #tpu.memory_space<vmem>>, vector<1x16xf32>,
        %get3A_808 = vector.shape_cast %get3A_807 : vector<1x16xf32> to vector<16xf32>
        %get3A_809 = arith.index_cast %add3A_804 : i32 to index
        %get3A_810 = arith.constant 16 : index
        %get3A_811 = tpu.vector_load %arg6[%get3A_809, %get3A_810] {strides = array<i32>} : memref<128x128xf32, #tpu.memory_space<vmem>>, vector<1x16xf32>,
        %get3A_812 = vector.shape_cast %get3A_811 : vector<1x16xf32> to vector<16xf32>
        %get3A_813 = arith.index_cast %add3A_804 : i32 to index
        %get3A_814 = arith.constant 32 : index
        %get3A_815 = tpu.vector_load %arg6[%get3A_813, %get3A_814] {strides = array<i32>} : memref<128x128xf32, #tpu.memory_space<vmem>>, vector<1x16xf32>,
        %get3A_816 = vector.shape_cast %get3A_815 : vector<1x16xf32> to vector<16xf32>
        %get3A_817 = arith.index_cast %add3A_804 : i32 to index
        %get3A_818 = arith.constant 48 : index
        %get3A_819 = tpu.vector_load %arg6[%get3A_817, %get3A_818] {strides = array<i32>} : memref<128x128xf32, #tpu.memory_space<vmem>>, vector<1x16xf32>,
        %get3A_820 = vector.shape_cast %get3A_819 : vector<1x16xf32> to vector<16xf32>
        %add3A_821 = arith.addf %scan3A_795, %get3A_808 : vector<16xf32>
        %add3A_822 = arith.addf %scan3A_796, %get3A_812 : vector<16xf32>
        %add3A_823 = arith.addf %scan3A_797, %get3A_816 : vector<16xf32>
        %add3A_824 = arith.addf %scan3A_798, %get3A_820 : vector<16xf32>
        %max3A = arith.maximumf %scan3A_799, %get3A_808 : vector<16xf32>
        %max3A_825 = arith.maximumf %scan3A_800, %get3A_812 : vector<16xf32>
        %max3A_826 = arith.maximumf %scan3A_801, %get3A_816 : vector<16xf32>
        %max3A_827 = arith.maximumf %scan3A_802, %get3A_820 : vector<16xf32>
        scf.yield %add3A_821, %add3A_822, %add3A_823, %add3A_824, %max3A, %max3A_825, %max3A_826, %max3A_827 : vector<16xf32>, vector<16xf32>, vector<16xf32>, vector<16xf32>, vector<16xf32>, vector<16xf32>, vector<16xf32>, vector<16xf32>
      }
      %scan3A_131 = arith.constant 15 : i32
      %mul3A_132 = arith.constant 6.250000e-02 : f32
      %mul3A_133 = vector.broadcast %mul3A_132 : f32 to vector<16xf32>
      %mul3A_134 = arith.mulf %scan3A_130#0, %mul3A_133 : vector<16xf32>
      %swap3A_135 = arith.constant 0 : i32
      %swap3A_136 = arith.index_cast %swap3A_135 : i32 to index
      %swap3A_137 = arith.constant 0 : index
      %swap3A_138 = tpu.vector_load %arg7[%swap3A_136, %swap3A_137] {strides = array<i32>} : memref<8x128xf32, #tpu.memory_space<vmem>>, vector<1x16xf32>,
      %swap3A_139 = vector.shape_cast %swap3A_138 : vector<1x16xf32> to vector<16xf32>
      %swap3A_140 = vector.shape_cast %mul3A_134 : vector<16xf32> to vector<1x16xf32>
      tpu.vector_store %arg7[%swap3A_136, %swap3A_137], %swap3A_140 {strides = array<i32>} : memref<8x128xf32, #tpu.memory_space<vmem>>, vector<1x16xf32>,
      %mul3A_141 = arith.constant 6.250000e-02 : f32
      %mul3A_142 = vector.broadcast %mul3A_141 : f32 to vector<16xf32>
      %mul3A_143 = arith.mulf %scan3A_130#1, %mul3A_142 : vector<16xf32>
      %swap3A_144 = arith.constant 0 : i32
      %swap3A_145 = arith.index_cast %swap3A_144 : i32 to index
      %swap3A_146 = arith.constant 16 : index
      %swap3A_147 = tpu.vector_load %arg7[%swap3A_145, %swap3A_146] {strides = array<i32>} : memref<8x128xf32, #tpu.memory_space<vmem>>, vector<1x16xf32>,
      %swap3A_148 = vector.shape_cast %swap3A_147 : vector<1x16xf32> to vector<16xf32>
      %swap3A_149 = vector.shape_cast %mul3A_143 : vector<16xf32> to vector<1x16xf32>
      tpu.vector_store %arg7[%swap3A_145, %swap3A_146], %swap3A_149 {strides = array<i32>} : memref<8x128xf32, #tpu.memory_space<vmem>>, vector<1x16xf32>,
      %mul3A_150 = arith.constant 6.250000e-02 : f32
      %mul3A_151 = vector.broadcast %mul3A_150 : f32 to vector<16xf32>
      %mul3A_152 = arith.mulf %scan3A_130#2, %mul3A_151 : vector<16xf32>
      %swap3A_153 = arith.constant 0 : i32
      %swap3A_154 = arith.index_cast %swap3A_153 : i32 to index
      %swap3A_155 = arith.constant 32 : index
      %swap3A_156 = tpu.vector_load %arg7[%swap3A_154, %swap3A_155] {strides = array<i32>} : memref<8x128xf32, #tpu.memory_space<vmem>>, vector<1x16xf32>,
      %swap3A_157 = vector.shape_cast %swap3A_156 : vector<1x16xf32> to vector<16xf32>
      %swap3A_158 = vector.shape_cast %mul3A_152 : vector<16xf32> to vector<1x16xf32>
      tpu.vector_store %arg7[%swap3A_154, %swap3A_155], %swap3A_158 {strides = array<i32>} : memref<8x128xf32, #tpu.memory_space<vmem>>, vector<1x16xf32>,
      %mul3A_159 = arith.constant 6.250000e-02 : f32
      %mul3A_160 = vector.broadcast %mul3A_159 : f32 to vector<16xf32>
      %mul3A_161 = arith.mulf %scan3A_130#3, %mul3A_160 : vector<16xf32>
      %swap3A_162 = arith.constant 0 : i32
      %swap3A_163 = arith.index_cast %swap3A_162 : i32 to index
      %swap3A_164 = arith.constant 48 : index
      %swap3A_165 = tpu.vector_load %arg7[%swap3A_163, %swap3A_164] {strides = array<i32>} : memref<8x128xf32, #tpu.memory_space<vmem>>, vector<1x16xf32>,
      %swap3A_166 = vector.shape_cast %swap3A_165 : vector<1x16xf32> to vector<16xf32>
      %swap3A_167 = vector.shape_cast %mul3A_161 : vector<16xf32> to vector<1x16xf32>
      tpu.vector_store %arg7[%swap3A_163, %swap3A_164], %swap3A_167 {strides = array<i32>} : memref<8x128xf32, #tpu.memory_space<vmem>>, vector<1x16xf32>,
      %swap3A_168 = arith.constant 0 : i32
      %swap3A_169 = arith.index_cast %swap3A_168 : i32 to index
      %swap3A_170 = arith.constant 64 : index
      %swap3A_171 = tpu.vector_load %arg7[%swap3A_169, %swap3A_170] {strides = array<i32>} : memref<8x128xf32, #tpu.memory_space<vmem>>, vector<1x16xf32>,
      %swap3A_172 = vector.shape_cast %swap3A_171 : vector<1x16xf32> to vector<16xf32>
      %swap3A_173 = vector.shape_cast %scan3A_130#4 : vector<16xf32> to vector<1x16xf32>
      tpu.vector_store %arg7[%swap3A_169, %swap3A_170], %swap3A_173 {strides = array<i32>} : memref<8x128xf32, #tpu.memory_space<vmem>>, vector<1x16xf32>,
      %swap3A_174 = arith.constant 0 : i32
      %swap3A_175 = arith.index_cast %swap3A_174 : i32 to index
      %swap3A_176 = arith.constant 80 : index
      %swap3A_177 = tpu.vector_load %arg7[%swap3A_175, %swap3A_176] {strides = array<i32>} : memref<8x128xf32, #tpu.memory_space<vmem>>, vector<1x16xf32>,
      %swap3A_178 = vector.shape_cast %swap3A_177 : vector<1x16xf32> to vector<16xf32>
      %swap3A_179 = vector.shape_cast %scan3A_130#5 : vector<16xf32> to vector<1x16xf32>
      tpu.vector_store %arg7[%swap3A_175, %swap3A_176], %swap3A_179 {strides = array<i32>} : memref<8x128xf32, #tpu.memory_space<vmem>>, vector<1x16xf32>,
      %swap3A_180 = arith.constant 0 : i32
      %swap3A_181 = arith.index_cast %swap3A_180 : i32 to index
      %swap3A_182 = arith.constant 96 : index
      %swap3A_183 = tpu.vector_load %arg7[%swap3A_181, %swap3A_182] {strides = array<i32>} : memref<8x128xf32, #tpu.memory_space<vmem>>, vector<1x16xf32>,
      %swap3A_184 = vector.shape_cast %swap3A_183 : vector<1x16xf32> to vector<16xf32>
      %swap3A_185 = vector.shape_cast %scan3A_130#6 : vector<16xf32> to vector<1x16xf32>
      tpu.vector_store %arg7[%swap3A_181, %swap3A_182], %swap3A_185 {strides = array<i32>} : memref<8x128xf32, #tpu.memory_space<vmem>>, vector<1x16xf32>,
      %swap3A_186 = arith.constant 0 : i32
      %swap3A_187 = arith.index_cast %swap3A_186 : i32 to index
      %swap3A_188 = arith.constant 112 : index
      %swap3A_189 = tpu.vector_load %arg7[%swap3A_187, %swap3A_188] {strides = array<i32>} : memref<8x128xf32, #tpu.memory_space<vmem>>, vector<1x16xf32>,
      %swap3A_190 = vector.shape_cast %swap3A_189 : vector<1x16xf32> to vector<16xf32>
      %swap3A_191 = vector.shape_cast %scan3A_130#7 : vector<16xf32> to vector<1x16xf32>
      tpu.vector_store %arg7[%swap3A_187, %swap3A_188], %swap3A_191 {strides = array<i32>} : memref<8x128xf32, #tpu.memory_space<vmem>>, vector<1x16xf32>,
      %get3A_192 = arith.constant 16 : i32
      %get3A_193 = arith.index_cast %get3A_192 : i32 to index
      %get3A_194 = arith.constant 0 : index
      %get3A_195 = tpu.vector_load %arg6[%get3A_193, %get3A_194] {strides = array<i32>} : memref<128x128xf32, #tpu.memory_space<vmem>>, vector<1x16xf32>,
      %get3A_196 = vector.shape_cast %get3A_195 : vector<1x16xf32> to vector<16xf32>
      %get3A_197 = arith.constant 16 : i32
      %get3A_198 = arith.index_cast %get3A_197 : i32 to index
      %get3A_199 = arith.constant 16 : index
      %get3A_200 = tpu.vector_load %arg6[%get3A_198, %get3A_199] {strides = array<i32>} : memref<128x128xf32, #tpu.memory_space<vmem>>, vector<1x16xf32>,
      %get3A_201 = vector.shape_cast %get3A_200 : vector<1x16xf32> to vector<16xf32>
      %get3A_202 = arith.constant 16 : i32
      %get3A_203 = arith.index_cast %get3A_202 : i32 to index
      %get3A_204 = arith.constant 32 : index
      %get3A_205 = tpu.vector_load %arg6[%get3A_203, %get3A_204] {strides = array<i32>} : memref<128x128xf32, #tpu.memory_space<vmem>>, vector<1x16xf32>,
      %get3A_206 = vector.shape_cast %get3A_205 : vector<1x16xf32> to vector<16xf32>
      %get3A_207 = arith.constant 16 : i32
      %get3A_208 = arith.index_cast %get3A_207 : i32 to index
      %get3A_209 = arith.constant 48 : index
      %get3A_210 = tpu.vector_load %arg6[%get3A_208, %get3A_209] {strides = array<i32>} : memref<128x128xf32, #tpu.memory_space<vmem>>, vector<1x16xf32>,
      %get3A_211 = vector.shape_cast %get3A_210 : vector<1x16xf32> to vector<16xf32>
      %scan3A_212 = arith.constant 1 : i32
      %scan3A_213 = arith.constant 15 : i32
      %scan3A_214 = arith.addi %scan3A_212, %scan3A_213 : i32
      %scan3A_215 = arith.constant 1 : i32
      %scan3A_216:8 = scf.for %scan3A_794 = %scan3A_212 to %scan3A_214 step %scan3A_215 iter_args(%scan3A_795 = %get3A_196, %scan3A_796 = %get3A_201, %scan3A_797 = %get3A_206, %scan3A_798 = %get3A_211, %scan3A_799 = %get3A_196, %scan3A_800 = %get3A_201, %scan3A_801 = %get3A_206, %scan3A_802 = %get3A_211) -> (vector<16xf32>, vector<16xf32>, vector<16xf32>, vector<16xf32>, vector<16xf32>, vector<16xf32>, vector<16xf32>, vector<16xf32>)  : i32 {
        %add3A_803 = arith.constant 16 : i32
        %add3A_804 = arith.addi %add3A_803, %scan3A_794 : i32
        %get3A_805 = arith.index_cast %add3A_804 : i32 to index
        %get3A_806 = arith.constant 0 : index
        %get3A_807 = tpu.vector_load %arg6[%get3A_805, %get3A_806] {strides = array<i32>} : memref<128x128xf32, #tpu.memory_space<vmem>>, vector<1x16xf32>,
        %get3A_808 = vector.shape_cast %get3A_807 : vector<1x16xf32> to vector<16xf32>
        %get3A_809 = arith.index_cast %add3A_804 : i32 to index
        %get3A_810 = arith.constant 16 : index
        %get3A_811 = tpu.vector_load %arg6[%get3A_809, %get3A_810] {strides = array<i32>} : memref<128x128xf32, #tpu.memory_space<vmem>>, vector<1x16xf32>,
        %get3A_812 = vector.shape_cast %get3A_811 : vector<1x16xf32> to vector<16xf32>
        %get3A_813 = arith.index_cast %add3A_804 : i32 to index
        %get3A_814 = arith.constant 32 : index
        %get3A_815 = tpu.vector_load %arg6[%get3A_813, %get3A_814] {strides = array<i32>} : memref<128x128xf32, #tpu.memory_space<vmem>>, vector<1x16xf32>,
        %get3A_816 = vector.shape_cast %get3A_815 : vector<1x16xf32> to vector<16xf32>
        %get3A_817 = arith.index_cast %add3A_804 : i32 to index
        %get3A_818 = arith.constant 48 : index
        %get3A_819 = tpu.vector_load %arg6[%get3A_817, %get3A_818] {strides = array<i32>} : memref<128x128xf32, #tpu.memory_space<vmem>>, vector<1x16xf32>,
        %get3A_820 = vector.shape_cast %get3A_819 : vector<1x16xf32> to vector<16xf32>
        %add3A_821 = arith.addf %scan3A_795, %get3A_808 : vector<16xf32>
        %add3A_822 = arith.addf %scan3A_796, %get3A_812 : vector<16xf32>
        %add3A_823 = arith.addf %scan3A_797, %get3A_816 : vector<16xf32>
        %add3A_824 = arith.addf %scan3A_798, %get3A_820 : vector<16xf32>
        %max3A = arith.maximumf %scan3A_799, %get3A_808 : vector<16xf32>
        %max3A_825 = arith.maximumf %scan3A_800, %get3A_812 : vector<16xf32>
        %max3A_826 = arith.maximumf %scan3A_801, %get3A_816 : vector<16xf32>
        %max3A_827 = arith.maximumf %scan3A_802, %get3A_820 : vector<16xf32>
        scf.yield %add3A_821, %add3A_822, %add3A_823, %add3A_824, %max3A, %max3A_825, %max3A_826, %max3A_827 : vector<16xf32>, vector<16xf32>, vector<16xf32>, vector<16xf32>, vector<16xf32>, vector<16xf32>, vector<16xf32>, vector<16xf32>
      }
      %scan3A_217 = arith.constant 15 : i32
      %mul3A_218 = arith.constant 6.250000e-02 : f32
      %mul3A_219 = vector.broadcast %mul3A_218 : f32 to vector<16xf32>
      %mul3A_220 = arith.mulf %scan3A_216#0, %mul3A_219 : vector<16xf32>
      %swap3A_221 = arith.constant 1 : i32
      %swap3A_222 = arith.index_cast %swap3A_221 : i32 to index
      %swap3A_223 = arith.constant 0 : index
      %swap3A_224 = tpu.vector_load %arg7[%swap3A_222, %swap3A_223] {strides = array<i32>} : memref<8x128xf32, #tpu.memory_space<vmem>>, vector<1x16xf32>,
      %swap3A_225 = vector.shape_cast %swap3A_224 : vector<1x16xf32> to vector<16xf32>
      %swap3A_226 = vector.shape_cast %mul3A_220 : vector<16xf32> to vector<1x16xf32>
      tpu.vector_store %arg7[%swap3A_222, %swap3A_223], %swap3A_226 {strides = array<i32>} : memref<8x128xf32, #tpu.memory_space<vmem>>, vector<1x16xf32>,
      %mul3A_227 = arith.constant 6.250000e-02 : f32
      %mul3A_228 = vector.broadcast %mul3A_227 : f32 to vector<16xf32>
      %mul3A_229 = arith.mulf %scan3A_216#1, %mul3A_228 : vector<16xf32>
      %swap3A_230 = arith.constant 1 : i32
      %swap3A_231 = arith.index_cast %swap3A_230 : i32 to index
      %swap3A_232 = arith.constant 16 : index
      %swap3A_233 = tpu.vector_load %arg7[%swap3A_231, %swap3A_232] {strides = array<i32>} : memref<8x128xf32, #tpu.memory_space<vmem>>, vector<1x16xf32>,
      %swap3A_234 = vector.shape_cast %swap3A_233 : vector<1x16xf32> to vector<16xf32>
      %swap3A_235 = vector.shape_cast %mul3A_229 : vector<16xf32> to vector<1x16xf32>
      tpu.vector_store %arg7[%swap3A_231, %swap3A_232], %swap3A_235 {strides = array<i32>} : memref<8x128xf32, #tpu.memory_space<vmem>>, vector<1x16xf32>,
      %mul3A_236 = arith.constant 6.250000e-02 : f32
      %mul3A_237 = vector.broadcast %mul3A_236 : f32 to vector<16xf32>
      %mul3A_238 = arith.mulf %scan3A_216#2, %mul3A_237 : vector<16xf32>
      %swap3A_239 = arith.constant 1 : i32
      %swap3A_240 = arith.index_cast %swap3A_239 : i32 to index
      %swap3A_241 = arith.constant 32 : index
      %swap3A_242 = tpu.vector_load %arg7[%swap3A_240, %swap3A_241] {strides = array<i32>} : memref<8x128xf32, #tpu.memory_space<vmem>>, vector<1x16xf32>,
      %swap3A_243 = vector.shape_cast %swap3A_242 : vector<1x16xf32> to vector<16xf32>
      %swap3A_244 = vector.shape_cast %mul3A_238 : vector<16xf32> to vector<1x16xf32>
      tpu.vector_store %arg7[%swap3A_240, %swap3A_241], %swap3A_244 {strides = array<i32>} : memref<8x128xf32, #tpu.memory_space<vmem>>, vector<1x16xf32>,
      %mul3A_245 = arith.constant 6.250000e-02 : f32
      %mul3A_246 = vector.broadcast %mul3A_245 : f32 to vector<16xf32>
      %mul3A_247 = arith.mulf %scan3A_216#3, %mul3A_246 : vector<16xf32>
      %swap3A_248 = arith.constant 1 : i32
      %swap3A_249 = arith.index_cast %swap3A_248 : i32 to index
      %swap3A_250 = arith.constant 48 : index
      %swap3A_251 = tpu.vector_load %arg7[%swap3A_249, %swap3A_250] {strides = array<i32>} : memref<8x128xf32, #tpu.memory_space<vmem>>, vector<1x16xf32>,
      %swap3A_252 = vector.shape_cast %swap3A_251 : vector<1x16xf32> to vector<16xf32>
      %swap3A_253 = vector.shape_cast %mul3A_247 : vector<16xf32> to vector<1x16xf32>
      tpu.vector_store %arg7[%swap3A_249, %swap3A_250], %swap3A_253 {strides = array<i32>} : memref<8x128xf32, #tpu.memory_space<vmem>>, vector<1x16xf32>,
      %swap3A_254 = arith.constant 1 : i32
      %swap3A_255 = arith.index_cast %swap3A_254 : i32 to index
      %swap3A_256 = arith.constant 64 : index
      %swap3A_257 = tpu.vector_load %arg7[%swap3A_255, %swap3A_256] {strides = array<i32>} : memref<8x128xf32, #tpu.memory_space<vmem>>, vector<1x16xf32>,
      %swap3A_258 = vector.shape_cast %swap3A_257 : vector<1x16xf32> to vector<16xf32>
      %swap3A_259 = vector.shape_cast %scan3A_216#4 : vector<16xf32> to vector<1x16xf32>
      tpu.vector_store %arg7[%swap3A_255, %swap3A_256], %swap3A_259 {strides = array<i32>} : memref<8x128xf32, #tpu.memory_space<vmem>>, vector<1x16xf32>,
      %swap3A_260 = arith.constant 1 : i32
      %swap3A_261 = arith.index_cast %swap3A_260 : i32 to index
      %swap3A_262 = arith.constant 80 : index
      %swap3A_263 = tpu.vector_load %arg7[%swap3A_261, %swap3A_262] {strides = array<i32>} : memref<8x128xf32, #tpu.memory_space<vmem>>, vector<1x16xf32>,
      %swap3A_264 = vector.shape_cast %swap3A_263 : vector<1x16xf32> to vector<16xf32>
      %swap3A_265 = vector.shape_cast %scan3A_216#5 : vector<16xf32> to vector<1x16xf32>
      tpu.vector_store %arg7[%swap3A_261, %swap3A_262], %swap3A_265 {strides = array<i32>} : memref<8x128xf32, #tpu.memory_space<vmem>>, vector<1x16xf32>,
      %swap3A_266 = arith.constant 1 : i32
      %swap3A_267 = arith.index_cast %swap3A_266 : i32 to index
      %swap3A_268 = arith.constant 96 : index
      %swap3A_269 = tpu.vector_load %arg7[%swap3A_267, %swap3A_268] {strides = array<i32>} : memref<8x128xf32, #tpu.memory_space<vmem>>, vector<1x16xf32>,
      %swap3A_270 = vector.shape_cast %swap3A_269 : vector<1x16xf32> to vector<16xf32>
      %swap3A_271 = vector.shape_cast %scan3A_216#6 : vector<16xf32> to vector<1x16xf32>
      tpu.vector_store %arg7[%swap3A_267, %swap3A_268], %swap3A_271 {strides = array<i32>} : memref<8x128xf32, #tpu.memory_space<vmem>>, vector<1x16xf32>,
      %swap3A_272 = arith.constant 1 : i32
      %swap3A_273 = arith.index_cast %swap3A_272 : i32 to index
      %swap3A_274 = arith.constant 112 : index
      %swap3A_275 = tpu.vector_load %arg7[%swap3A_273, %swap3A_274] {strides = array<i32>} : memref<8x128xf32, #tpu.memory_space<vmem>>, vector<1x16xf32>,
      %swap3A_276 = vector.shape_cast %swap3A_275 : vector<1x16xf32> to vector<16xf32>
      %swap3A_277 = vector.shape_cast %scan3A_216#7 : vector<16xf32> to vector<1x16xf32>
      tpu.vector_store %arg7[%swap3A_273, %swap3A_274], %swap3A_277 {strides = array<i32>} : memref<8x128xf32, #tpu.memory_space<vmem>>, vector<1x16xf32>,
      %get3A_278 = arith.constant 32 : i32
      %get3A_279 = arith.index_cast %get3A_278 : i32 to index
      %get3A_280 = arith.constant 0 : index
      %get3A_281 = tpu.vector_load %arg6[%get3A_279, %get3A_280] {strides = array<i32>} : memref<128x128xf32, #tpu.memory_space<vmem>>, vector<1x16xf32>,
      %get3A_282 = vector.shape_cast %get3A_281 : vector<1x16xf32> to vector<16xf32>
      %get3A_283 = arith.constant 32 : i32
      %get3A_284 = arith.index_cast %get3A_283 : i32 to index
      %get3A_285 = arith.constant 16 : index
      %get3A_286 = tpu.vector_load %arg6[%get3A_284, %get3A_285] {strides = array<i32>} : memref<128x128xf32, #tpu.memory_space<vmem>>, vector<1x16xf32>,
      %get3A_287 = vector.shape_cast %get3A_286 : vector<1x16xf32> to vector<16xf32>
      %get3A_288 = arith.constant 32 : i32
      %get3A_289 = arith.index_cast %get3A_288 : i32 to index
      %get3A_290 = arith.constant 32 : index
      %get3A_291 = tpu.vector_load %arg6[%get3A_289, %get3A_290] {strides = array<i32>} : memref<128x128xf32, #tpu.memory_space<vmem>>, vector<1x16xf32>,
      %get3A_292 = vector.shape_cast %get3A_291 : vector<1x16xf32> to vector<16xf32>
      %get3A_293 = arith.constant 32 : i32
      %get3A_294 = arith.index_cast %get3A_293 : i32 to index
      %get3A_295 = arith.constant 48 : index
      %get3A_296 = tpu.vector_load %arg6[%get3A_294, %get3A_295] {strides = array<i32>} : memref<128x128xf32, #tpu.memory_space<vmem>>, vector<1x16xf32>,
      %get3A_297 = vector.shape_cast %get3A_296 : vector<1x16xf32> to vector<16xf32>
      %scan3A_298 = arith.constant 1 : i32
      %scan3A_299 = arith.constant 15 : i32
      %scan3A_300 = arith.addi %scan3A_298, %scan3A_299 : i32
      %scan3A_301 = arith.constant 1 : i32
      %scan3A_302:8 = scf.for %scan3A_794 = %scan3A_298 to %scan3A_300 step %scan3A_301 iter_args(%scan3A_795 = %get3A_282, %scan3A_796 = %get3A_287, %scan3A_797 = %get3A_292, %scan3A_798 = %get3A_297, %scan3A_799 = %get3A_282, %scan3A_800 = %get3A_287, %scan3A_801 = %get3A_292, %scan3A_802 = %get3A_297) -> (vector<16xf32>, vector<16xf32>, vector<16xf32>, vector<16xf32>, vector<16xf32>, vector<16xf32>, vector<16xf32>, vector<16xf32>)  : i32 {
        %add3A_803 = arith.constant 32 : i32
        %add3A_804 = arith.addi %add3A_803, %scan3A_794 : i32
        %get3A_805 = arith.index_cast %add3A_804 : i32 to index
        %get3A_806 = arith.constant 0 : index
        %get3A_807 = tpu.vector_load %arg6[%get3A_805, %get3A_806] {strides = array<i32>} : memref<128x128xf32, #tpu.memory_space<vmem>>, vector<1x16xf32>,
        %get3A_808 = vector.shape_cast %get3A_807 : vector<1x16xf32> to vector<16xf32>
        %get3A_809 = arith.index_cast %add3A_804 : i32 to index
        %get3A_810 = arith.constant 16 : index
        %get3A_811 = tpu.vector_load %arg6[%get3A_809, %get3A_810] {strides = array<i32>} : memref<128x128xf32, #tpu.memory_space<vmem>>, vector<1x16xf32>,
        %get3A_812 = vector.shape_cast %get3A_811 : vector<1x16xf32> to vector<16xf32>
        %get3A_813 = arith.index_cast %add3A_804 : i32 to index
        %get3A_814 = arith.constant 32 : index
        %get3A_815 = tpu.vector_load %arg6[%get3A_813, %get3A_814] {strides = array<i32>} : memref<128x128xf32, #tpu.memory_space<vmem>>, vector<1x16xf32>,
        %get3A_816 = vector.shape_cast %get3A_815 : vector<1x16xf32> to vector<16xf32>
        %get3A_817 = arith.index_cast %add3A_804 : i32 to index
        %get3A_818 = arith.constant 48 : index
        %get3A_819 = tpu.vector_load %arg6[%get3A_817, %get3A_818] {strides = array<i32>} : memref<128x128xf32, #tpu.memory_space<vmem>>, vector<1x16xf32>,
        %get3A_820 = vector.shape_cast %get3A_819 : vector<1x16xf32> to vector<16xf32>
        %add3A_821 = arith.addf %scan3A_795, %get3A_808 : vector<16xf32>
        %add3A_822 = arith.addf %scan3A_796, %get3A_812 : vector<16xf32>
        %add3A_823 = arith.addf %scan3A_797, %get3A_816 : vector<16xf32>
        %add3A_824 = arith.addf %scan3A_798, %get3A_820 : vector<16xf32>
        %max3A = arith.maximumf %scan3A_799, %get3A_808 : vector<16xf32>
        %max3A_825 = arith.maximumf %scan3A_800, %get3A_812 : vector<16xf32>
        %max3A_826 = arith.maximumf %scan3A_801, %get3A_816 : vector<16xf32>
        %max3A_827 = arith.maximumf %scan3A_802, %get3A_820 : vector<16xf32>
        scf.yield %add3A_821, %add3A_822, %add3A_823, %add3A_824, %max3A, %max3A_825, %max3A_826, %max3A_827 : vector<16xf32>, vector<16xf32>, vector<16xf32>, vector<16xf32>, vector<16xf32>, vector<16xf32>, vector<16xf32>, vector<16xf32>
      }
      %scan3A_303 = arith.constant 15 : i32
      %mul3A_304 = arith.constant 6.250000e-02 : f32
      %mul3A_305 = vector.broadcast %mul3A_304 : f32 to vector<16xf32>
      %mul3A_306 = arith.mulf %scan3A_302#0, %mul3A_305 : vector<16xf32>
      %swap3A_307 = arith.constant 2 : i32
      %swap3A_308 = arith.index_cast %swap3A_307 : i32 to index
      %swap3A_309 = arith.constant 0 : index
      %swap3A_310 = tpu.vector_load %arg7[%swap3A_308, %swap3A_309] {strides = array<i32>} : memref<8x128xf32, #tpu.memory_space<vmem>>, vector<1x16xf32>,
      %swap3A_311 = vector.shape_cast %swap3A_310 : vector<1x16xf32> to vector<16xf32>
      %swap3A_312 = vector.shape_cast %mul3A_306 : vector<16xf32> to vector<1x16xf32>
      tpu.vector_store %arg7[%swap3A_308, %swap3A_309], %swap3A_312 {strides = array<i32>} : memref<8x128xf32, #tpu.memory_space<vmem>>, vector<1x16xf32>,
      %mul3A_313 = arith.constant 6.250000e-02 : f32
      %mul3A_314 = vector.broadcast %mul3A_313 : f32 to vector<16xf32>
      %mul3A_315 = arith.mulf %scan3A_302#1, %mul3A_314 : vector<16xf32>
      %swap3A_316 = arith.constant 2 : i32
      %swap3A_317 = arith.index_cast %swap3A_316 : i32 to index
      %swap3A_318 = arith.constant 16 : index
      %swap3A_319 = tpu.vector_load %arg7[%swap3A_317, %swap3A_318] {strides = array<i32>} : memref<8x128xf32, #tpu.memory_space<vmem>>, vector<1x16xf32>,
      %swap3A_320 = vector.shape_cast %swap3A_319 : vector<1x16xf32> to vector<16xf32>
      %swap3A_321 = vector.shape_cast %mul3A_315 : vector<16xf32> to vector<1x16xf32>
      tpu.vector_store %arg7[%swap3A_317, %swap3A_318], %swap3A_321 {strides = array<i32>} : memref<8x128xf32, #tpu.memory_space<vmem>>, vector<1x16xf32>,
      %mul3A_322 = arith.constant 6.250000e-02 : f32
      %mul3A_323 = vector.broadcast %mul3A_322 : f32 to vector<16xf32>
      %mul3A_324 = arith.mulf %scan3A_302#2, %mul3A_323 : vector<16xf32>
      %swap3A_325 = arith.constant 2 : i32
      %swap3A_326 = arith.index_cast %swap3A_325 : i32 to index
      %swap3A_327 = arith.constant 32 : index
      %swap3A_328 = tpu.vector_load %arg7[%swap3A_326, %swap3A_327] {strides = array<i32>} : memref<8x128xf32, #tpu.memory_space<vmem>>, vector<1x16xf32>,
      %swap3A_329 = vector.shape_cast %swap3A_328 : vector<1x16xf32> to vector<16xf32>
      %swap3A_330 = vector.shape_cast %mul3A_324 : vector<16xf32> to vector<1x16xf32>
      tpu.vector_store %arg7[%swap3A_326, %swap3A_327], %swap3A_330 {strides = array<i32>} : memref<8x128xf32, #tpu.memory_space<vmem>>, vector<1x16xf32>,
      %mul3A_331 = arith.constant 6.250000e-02 : f32
      %mul3A_332 = vector.broadcast %mul3A_331 : f32 to vector<16xf32>
      %mul3A_333 = arith.mulf %scan3A_302#3, %mul3A_332 : vector<16xf32>
      %swap3A_334 = arith.constant 2 : i32
      %swap3A_335 = arith.index_cast %swap3A_334 : i32 to index
      %swap3A_336 = arith.constant 48 : index
      %swap3A_337 = tpu.vector_load %arg7[%swap3A_335, %swap3A_336] {strides = array<i32>} : memref<8x128xf32, #tpu.memory_space<vmem>>, vector<1x16xf32>,
      %swap3A_338 = vector.shape_cast %swap3A_337 : vector<1x16xf32> to vector<16xf32>
      %swap3A_339 = vector.shape_cast %mul3A_333 : vector<16xf32> to vector<1x16xf32>
      tpu.vector_store %arg7[%swap3A_335, %swap3A_336], %swap3A_339 {strides = array<i32>} : memref<8x128xf32, #tpu.memory_space<vmem>>, vector<1x16xf32>,
      %swap3A_340 = arith.constant 2 : i32
      %swap3A_341 = arith.index_cast %swap3A_340 : i32 to index
      %swap3A_342 = arith.constant 64 : index
      %swap3A_343 = tpu.vector_load %arg7[%swap3A_341, %swap3A_342] {strides = array<i32>} : memref<8x128xf32, #tpu.memory_space<vmem>>, vector<1x16xf32>,
      %swap3A_344 = vector.shape_cast %swap3A_343 : vector<1x16xf32> to vector<16xf32>
      %swap3A_345 = vector.shape_cast %scan3A_302#4 : vector<16xf32> to vector<1x16xf32>
      tpu.vector_store %arg7[%swap3A_341, %swap3A_342], %swap3A_345 {strides = array<i32>} : memref<8x128xf32, #tpu.memory_space<vmem>>, vector<1x16xf32>,
      %swap3A_346 = arith.constant 2 : i32
      %swap3A_347 = arith.index_cast %swap3A_346 : i32 to index
      %swap3A_348 = arith.constant 80 : index
      %swap3A_349 = tpu.vector_load %arg7[%swap3A_347, %swap3A_348] {strides = array<i32>} : memref<8x128xf32, #tpu.memory_space<vmem>>, vector<1x16xf32>,
      %swap3A_350 = vector.shape_cast %swap3A_349 : vector<1x16xf32> to vector<16xf32>
      %swap3A_351 = vector.shape_cast %scan3A_302#5 : vector<16xf32> to vector<1x16xf32>
      tpu.vector_store %arg7[%swap3A_347, %swap3A_348], %swap3A_351 {strides = array<i32>} : memref<8x128xf32, #tpu.memory_space<vmem>>, vector<1x16xf32>,
      %swap3A_352 = arith.constant 2 : i32
      %swap3A_353 = arith.index_cast %swap3A_352 : i32 to index
      %swap3A_354 = arith.constant 96 : index
      %swap3A_355 = tpu.vector_load %arg7[%swap3A_353, %swap3A_354] {strides = array<i32>} : memref<8x128xf32, #tpu.memory_space<vmem>>, vector<1x16xf32>,
      %swap3A_356 = vector.shape_cast %swap3A_355 : vector<1x16xf32> to vector<16xf32>
      %swap3A_357 = vector.shape_cast %scan3A_302#6 : vector<16xf32> to vector<1x16xf32>
      tpu.vector_store %arg7[%swap3A_353, %swap3A_354], %swap3A_357 {strides = array<i32>} : memref<8x128xf32, #tpu.memory_space<vmem>>, vector<1x16xf32>,
      %swap3A_358 = arith.constant 2 : i32
      %swap3A_359 = arith.index_cast %swap3A_358 : i32 to index
      %swap3A_360 = arith.constant 112 : index
      %swap3A_361 = tpu.vector_load %arg7[%swap3A_359, %swap3A_360] {strides = array<i32>} : memref<8x128xf32, #tpu.memory_space<vmem>>, vector<1x16xf32>,
      %swap3A_362 = vector.shape_cast %swap3A_361 : vector<1x16xf32> to vector<16xf32>
      %swap3A_363 = vector.shape_cast %scan3A_302#7 : vector<16xf32> to vector<1x16xf32>
      tpu.vector_store %arg7[%swap3A_359, %swap3A_360], %swap3A_363 {strides = array<i32>} : memref<8x128xf32, #tpu.memory_space<vmem>>, vector<1x16xf32>,
      %get3A_364 = arith.constant 48 : i32
      %get3A_365 = arith.index_cast %get3A_364 : i32 to index
      %get3A_366 = arith.constant 0 : index
      %get3A_367 = tpu.vector_load %arg6[%get3A_365, %get3A_366] {strides = array<i32>} : memref<128x128xf32, #tpu.memory_space<vmem>>, vector<1x16xf32>,
      %get3A_368 = vector.shape_cast %get3A_367 : vector<1x16xf32> to vector<16xf32>
      %get3A_369 = arith.constant 48 : i32
      %get3A_370 = arith.index_cast %get3A_369 : i32 to index
      %get3A_371 = arith.constant 16 : index
      %get3A_372 = tpu.vector_load %arg6[%get3A_370, %get3A_371] {strides = array<i32>} : memref<128x128xf32, #tpu.memory_space<vmem>>, vector<1x16xf32>,
      %get3A_373 = vector.shape_cast %get3A_372 : vector<1x16xf32> to vector<16xf32>
      %get3A_374 = arith.constant 48 : i32
      %get3A_375 = arith.index_cast %get3A_374 : i32 to index
      %get3A_376 = arith.constant 32 : index
      %get3A_377 = tpu.vector_load %arg6[%get3A_375, %get3A_376] {strides = array<i32>} : memref<128x128xf32, #tpu.memory_space<vmem>>, vector<1x16xf32>,
      %get3A_378 = vector.shape_cast %get3A_377 : vector<1x16xf32> to vector<16xf32>
      %get3A_379 = arith.constant 48 : i32
      %get3A_380 = arith.index_cast %get3A_379 : i32 to index
      %get3A_381 = arith.constant 48 : index
      %get3A_382 = tpu.vector_load %arg6[%get3A_380, %get3A_381] {strides = array<i32>} : memref<128x128xf32, #tpu.memory_space<vmem>>, vector<1x16xf32>,
      %get3A_383 = vector.shape_cast %get3A_382 : vector<1x16xf32> to vector<16xf32>
      %scan3A_384 = arith.constant 1 : i32
      %scan3A_385 = arith.constant 15 : i32
      %scan3A_386 = arith.addi %scan3A_384, %scan3A_385 : i32
      %scan3A_387 = arith.constant 1 : i32
      %scan3A_388:8 = scf.for %scan3A_794 = %scan3A_384 to %scan3A_386 step %scan3A_387 iter_args(%scan3A_795 = %get3A_368, %scan3A_796 = %get3A_373, %scan3A_797 = %get3A_378, %scan3A_798 = %get3A_383, %scan3A_799 = %get3A_368, %scan3A_800 = %get3A_373, %scan3A_801 = %get3A_378, %scan3A_802 = %get3A_383) -> (vector<16xf32>, vector<16xf32>, vector<16xf32>, vector<16xf32>, vector<16xf32>, vector<16xf32>, vector<16xf32>, vector<16xf32>)  : i32 {
        %add3A_803 = arith.constant 48 : i32
        %add3A_804 = arith.addi %add3A_803, %scan3A_794 : i32
        %get3A_805 = arith.index_cast %add3A_804 : i32 to index
        %get3A_806 = arith.constant 0 : index
        %get3A_807 = tpu.vector_load %arg6[%get3A_805, %get3A_806] {strides = array<i32>} : memref<128x128xf32, #tpu.memory_space<vmem>>, vector<1x16xf32>,
        %get3A_808 = vector.shape_cast %get3A_807 : vector<1x16xf32> to vector<16xf32>
        %get3A_809 = arith.index_cast %add3A_804 : i32 to index
        %get3A_810 = arith.constant 16 : index
        %get3A_811 = tpu.vector_load %arg6[%get3A_809, %get3A_810] {strides = array<i32>} : memref<128x128xf32, #tpu.memory_space<vmem>>, vector<1x16xf32>,
        %get3A_812 = vector.shape_cast %get3A_811 : vector<1x16xf32> to vector<16xf32>
        %get3A_813 = arith.index_cast %add3A_804 : i32 to index
        %get3A_814 = arith.constant 32 : index
        %get3A_815 = tpu.vector_load %arg6[%get3A_813, %get3A_814] {strides = array<i32>} : memref<128x128xf32, #tpu.memory_space<vmem>>, vector<1x16xf32>,
        %get3A_816 = vector.shape_cast %get3A_815 : vector<1x16xf32> to vector<16xf32>
        %get3A_817 = arith.index_cast %add3A_804 : i32 to index
        %get3A_818 = arith.constant 48 : index
        %get3A_819 = tpu.vector_load %arg6[%get3A_817, %get3A_818] {strides = array<i32>} : memref<128x128xf32, #tpu.memory_space<vmem>>, vector<1x16xf32>,
        %get3A_820 = vector.shape_cast %get3A_819 : vector<1x16xf32> to vector<16xf32>
        %add3A_821 = arith.addf %scan3A_795, %get3A_808 : vector<16xf32>
        %add3A_822 = arith.addf %scan3A_796, %get3A_812 : vector<16xf32>
        %add3A_823 = arith.addf %scan3A_797, %get3A_816 : vector<16xf32>
        %add3A_824 = arith.addf %scan3A_798, %get3A_820 : vector<16xf32>
        %max3A = arith.maximumf %scan3A_799, %get3A_808 : vector<16xf32>
        %max3A_825 = arith.maximumf %scan3A_800, %get3A_812 : vector<16xf32>
        %max3A_826 = arith.maximumf %scan3A_801, %get3A_816 : vector<16xf32>
        %max3A_827 = arith.maximumf %scan3A_802, %get3A_820 : vector<16xf32>
        scf.yield %add3A_821, %add3A_822, %add3A_823, %add3A_824, %max3A, %max3A_825, %max3A_826, %max3A_827 : vector<16xf32>, vector<16xf32>, vector<16xf32>, vector<16xf32>, vector<16xf32>, vector<16xf32>, vector<16xf32>, vector<16xf32>
      }
      %scan3A_389 = arith.constant 15 : i32
      %mul3A_390 = arith.constant 6.250000e-02 : f32
      %mul3A_391 = vector.broadcast %mul3A_390 : f32 to vector<16xf32>
      %mul3A_392 = arith.mulf %scan3A_388#0, %mul3A_391 : vector<16xf32>
      %swap3A_393 = arith.constant 3 : i32
      %swap3A_394 = arith.index_cast %swap3A_393 : i32 to index
      %swap3A_395 = arith.constant 0 : index
      %swap3A_396 = tpu.vector_load %arg7[%swap3A_394, %swap3A_395] {strides = array<i32>} : memref<8x128xf32, #tpu.memory_space<vmem>>, vector<1x16xf32>,
      %swap3A_397 = vector.shape_cast %swap3A_396 : vector<1x16xf32> to vector<16xf32>
      %swap3A_398 = vector.shape_cast %mul3A_392 : vector<16xf32> to vector<1x16xf32>
      tpu.vector_store %arg7[%swap3A_394, %swap3A_395], %swap3A_398 {strides = array<i32>} : memref<8x128xf32, #tpu.memory_space<vmem>>, vector<1x16xf32>,
      %mul3A_399 = arith.constant 6.250000e-02 : f32
      %mul3A_400 = vector.broadcast %mul3A_399 : f32 to vector<16xf32>
      %mul3A_401 = arith.mulf %scan3A_388#1, %mul3A_400 : vector<16xf32>
      %swap3A_402 = arith.constant 3 : i32
      %swap3A_403 = arith.index_cast %swap3A_402 : i32 to index
      %swap3A_404 = arith.constant 16 : index
      %swap3A_405 = tpu.vector_load %arg7[%swap3A_403, %swap3A_404] {strides = array<i32>} : memref<8x128xf32, #tpu.memory_space<vmem>>, vector<1x16xf32>,
      %swap3A_406 = vector.shape_cast %swap3A_405 : vector<1x16xf32> to vector<16xf32>
      %swap3A_407 = vector.shape_cast %mul3A_401 : vector<16xf32> to vector<1x16xf32>
      tpu.vector_store %arg7[%swap3A_403, %swap3A_404], %swap3A_407 {strides = array<i32>} : memref<8x128xf32, #tpu.memory_space<vmem>>, vector<1x16xf32>,
      %mul3A_408 = arith.constant 6.250000e-02 : f32
      %mul3A_409 = vector.broadcast %mul3A_408 : f32 to vector<16xf32>
      %mul3A_410 = arith.mulf %scan3A_388#2, %mul3A_409 : vector<16xf32>
      %swap3A_411 = arith.constant 3 : i32
      %swap3A_412 = arith.index_cast %swap3A_411 : i32 to index
      %swap3A_413 = arith.constant 32 : index
      %swap3A_414 = tpu.vector_load %arg7[%swap3A_412, %swap3A_413] {strides = array<i32>} : memref<8x128xf32, #tpu.memory_space<vmem>>, vector<1x16xf32>,
      %swap3A_415 = vector.shape_cast %swap3A_414 : vector<1x16xf32> to vector<16xf32>
      %swap3A_416 = vector.shape_cast %mul3A_410 : vector<16xf32> to vector<1x16xf32>
      tpu.vector_store %arg7[%swap3A_412, %swap3A_413], %swap3A_416 {strides = array<i32>} : memref<8x128xf32, #tpu.memory_space<vmem>>, vector<1x16xf32>,
      %mul3A_417 = arith.constant 6.250000e-02 : f32
      %mul3A_418 = vector.broadcast %mul3A_417 : f32 to vector<16xf32>
      %mul3A_419 = arith.mulf %scan3A_388#3, %mul3A_418 : vector<16xf32>
      %swap3A_420 = arith.constant 3 : i32
      %swap3A_421 = arith.index_cast %swap3A_420 : i32 to index
      %swap3A_422 = arith.constant 48 : index
      %swap3A_423 = tpu.vector_load %arg7[%swap3A_421, %swap3A_422] {strides = array<i32>} : memref<8x128xf32, #tpu.memory_space<vmem>>, vector<1x16xf32>,
      %swap3A_424 = vector.shape_cast %swap3A_423 : vector<1x16xf32> to vector<16xf32>
      %swap3A_425 = vector.shape_cast %mul3A_419 : vector<16xf32> to vector<1x16xf32>
      tpu.vector_store %arg7[%swap3A_421, %swap3A_422], %swap3A_425 {strides = array<i32>} : memref<8x128xf32, #tpu.memory_space<vmem>>, vector<1x16xf32>,
      %swap3A_426 = arith.constant 3 : i32
      %swap3A_427 = arith.index_cast %swap3A_426 : i32 to index
      %swap3A_428 = arith.constant 64 : index
      %swap3A_429 = tpu.vector_load %arg7[%swap3A_427, %swap3A_428] {strides = array<i32>} : memref<8x128xf32, #tpu.memory_space<vmem>>, vector<1x16xf32>,
      %swap3A_430 = vector.shape_cast %swap3A_429 : vector<1x16xf32> to vector<16xf32>
      %swap3A_431 = vector.shape_cast %scan3A_388#4 : vector<16xf32> to vector<1x16xf32>
      tpu.vector_store %arg7[%swap3A_427, %swap3A_428], %swap3A_431 {strides = array<i32>} : memref<8x128xf32, #tpu.memory_space<vmem>>, vector<1x16xf32>,
      %swap3A_432 = arith.constant 3 : i32
      %swap3A_433 = arith.index_cast %swap3A_432 : i32 to index
      %swap3A_434 = arith.constant 80 : index
      %swap3A_435 = tpu.vector_load %arg7[%swap3A_433, %swap3A_434] {strides = array<i32>} : memref<8x128xf32, #tpu.memory_space<vmem>>, vector<1x16xf32>,
      %swap3A_436 = vector.shape_cast %swap3A_435 : vector<1x16xf32> to vector<16xf32>
      %swap3A_437 = vector.shape_cast %scan3A_388#5 : vector<16xf32> to vector<1x16xf32>
      tpu.vector_store %arg7[%swap3A_433, %swap3A_434], %swap3A_437 {strides = array<i32>} : memref<8x128xf32, #tpu.memory_space<vmem>>, vector<1x16xf32>,
      %swap3A_438 = arith.constant 3 : i32
      %swap3A_439 = arith.index_cast %swap3A_438 : i32 to index
      %swap3A_440 = arith.constant 96 : index
      %swap3A_441 = tpu.vector_load %arg7[%swap3A_439, %swap3A_440] {strides = array<i32>} : memref<8x128xf32, #tpu.memory_space<vmem>>, vector<1x16xf32>,
      %swap3A_442 = vector.shape_cast %swap3A_441 : vector<1x16xf32> to vector<16xf32>
      %swap3A_443 = vector.shape_cast %scan3A_388#6 : vector<16xf32> to vector<1x16xf32>
      tpu.vector_store %arg7[%swap3A_439, %swap3A_440], %swap3A_443 {strides = array<i32>} : memref<8x128xf32, #tpu.memory_space<vmem>>, vector<1x16xf32>,
      %swap3A_444 = arith.constant 3 : i32
      %swap3A_445 = arith.index_cast %swap3A_444 : i32 to index
      %swap3A_446 = arith.constant 112 : index
      %swap3A_447 = tpu.vector_load %arg7[%swap3A_445, %swap3A_446] {strides = array<i32>} : memref<8x128xf32, #tpu.memory_space<vmem>>, vector<1x16xf32>,
      %swap3A_448 = vector.shape_cast %swap3A_447 : vector<1x16xf32> to vector<16xf32>
      %swap3A_449 = vector.shape_cast %scan3A_388#7 : vector<16xf32> to vector<1x16xf32>
      tpu.vector_store %arg7[%swap3A_445, %swap3A_446], %swap3A_449 {strides = array<i32>} : memref<8x128xf32, #tpu.memory_space<vmem>>, vector<1x16xf32>,
      %get3A_450 = arith.constant 64 : i32
      %get3A_451 = arith.index_cast %get3A_450 : i32 to index
      %get3A_452 = arith.constant 0 : index
      %get3A_453 = tpu.vector_load %arg6[%get3A_451, %get3A_452] {strides = array<i32>} : memref<128x128xf32, #tpu.memory_space<vmem>>, vector<1x16xf32>,
      %get3A_454 = vector.shape_cast %get3A_453 : vector<1x16xf32> to vector<16xf32>
      %get3A_455 = arith.constant 64 : i32
      %get3A_456 = arith.index_cast %get3A_455 : i32 to index
      %get3A_457 = arith.constant 16 : index
      %get3A_458 = tpu.vector_load %arg6[%get3A_456, %get3A_457] {strides = array<i32>} : memref<128x128xf32, #tpu.memory_space<vmem>>, vector<1x16xf32>,
      %get3A_459 = vector.shape_cast %get3A_458 : vector<1x16xf32> to vector<16xf32>
      %get3A_460 = arith.constant 64 : i32
      %get3A_461 = arith.index_cast %get3A_460 : i32 to index
      %get3A_462 = arith.constant 32 : index
      %get3A_463 = tpu.vector_load %arg6[%get3A_461, %get3A_462] {strides = array<i32>} : memref<128x128xf32, #tpu.memory_space<vmem>>, vector<1x16xf32>,
      %get3A_464 = vector.shape_cast %get3A_463 : vector<1x16xf32> to vector<16xf32>
      %get3A_465 = arith.constant 64 : i32
      %get3A_466 = arith.index_cast %get3A_465 : i32 to index
      %get3A_467 = arith.constant 48 : index
      %get3A_468 = tpu.vector_load %arg6[%get3A_466, %get3A_467] {strides = array<i32>} : memref<128x128xf32, #tpu.memory_space<vmem>>, vector<1x16xf32>,
      %get3A_469 = vector.shape_cast %get3A_468 : vector<1x16xf32> to vector<16xf32>
      %scan3A_470 = arith.constant 1 : i32
      %scan3A_471 = arith.constant 15 : i32
      %scan3A_472 = arith.addi %scan3A_470, %scan3A_471 : i32
      %scan3A_473 = arith.constant 1 : i32
      %scan3A_474:8 = scf.for %scan3A_794 = %scan3A_470 to %scan3A_472 step %scan3A_473 iter_args(%scan3A_795 = %get3A_454, %scan3A_796 = %get3A_459, %scan3A_797 = %get3A_464, %scan3A_798 = %get3A_469, %scan3A_799 = %get3A_454, %scan3A_800 = %get3A_459, %scan3A_801 = %get3A_464, %scan3A_802 = %get3A_469) -> (vector<16xf32>, vector<16xf32>, vector<16xf32>, vector<16xf32>, vector<16xf32>, vector<16xf32>, vector<16xf32>, vector<16xf32>)  : i32 {
        %add3A_803 = arith.constant 64 : i32
        %add3A_804 = arith.addi %add3A_803, %scan3A_794 : i32
        %get3A_805 = arith.index_cast %add3A_804 : i32 to index
        %get3A_806 = arith.constant 0 : index
        %get3A_807 = tpu.vector_load %arg6[%get3A_805, %get3A_806] {strides = array<i32>} : memref<128x128xf32, #tpu.memory_space<vmem>>, vector<1x16xf32>,
        %get3A_808 = vector.shape_cast %get3A_807 : vector<1x16xf32> to vector<16xf32>
        %get3A_809 = arith.index_cast %add3A_804 : i32 to index
        %get3A_810 = arith.constant 16 : index
        %get3A_811 = tpu.vector_load %arg6[%get3A_809, %get3A_810] {strides = array<i32>} : memref<128x128xf32, #tpu.memory_space<vmem>>, vector<1x16xf32>,
        %get3A_812 = vector.shape_cast %get3A_811 : vector<1x16xf32> to vector<16xf32>
        %get3A_813 = arith.index_cast %add3A_804 : i32 to index
        %get3A_814 = arith.constant 32 : index
        %get3A_815 = tpu.vector_load %arg6[%get3A_813, %get3A_814] {strides = array<i32>} : memref<128x128xf32, #tpu.memory_space<vmem>>, vector<1x16xf32>,
        %get3A_816 = vector.shape_cast %get3A_815 : vector<1x16xf32> to vector<16xf32>
        %get3A_817 = arith.index_cast %add3A_804 : i32 to index
        %get3A_818 = arith.constant 48 : index
        %get3A_819 = tpu.vector_load %arg6[%get3A_817, %get3A_818] {strides = array<i32>} : memref<128x128xf32, #tpu.memory_space<vmem>>, vector<1x16xf32>,
        %get3A_820 = vector.shape_cast %get3A_819 : vector<1x16xf32> to vector<16xf32>
        %add3A_821 = arith.addf %scan3A_795, %get3A_808 : vector<16xf32>
        %add3A_822 = arith.addf %scan3A_796, %get3A_812 : vector<16xf32>
        %add3A_823 = arith.addf %scan3A_797, %get3A_816 : vector<16xf32>
        %add3A_824 = arith.addf %scan3A_798, %get3A_820 : vector<16xf32>
        %max3A = arith.maximumf %scan3A_799, %get3A_808 : vector<16xf32>
        %max3A_825 = arith.maximumf %scan3A_800, %get3A_812 : vector<16xf32>
        %max3A_826 = arith.maximumf %scan3A_801, %get3A_816 : vector<16xf32>
        %max3A_827 = arith.maximumf %scan3A_802, %get3A_820 : vector<16xf32>
        scf.yield %add3A_821, %add3A_822, %add3A_823, %add3A_824, %max3A, %max3A_825, %max3A_826, %max3A_827 : vector<16xf32>, vector<16xf32>, vector<16xf32>, vector<16xf32>, vector<16xf32>, vector<16xf32>, vector<16xf32>, vector<16xf32>
      }
      %scan3A_475 = arith.constant 15 : i32
      %mul3A_476 = arith.constant 6.250000e-02 : f32
      %mul3A_477 = vector.broadcast %mul3A_476 : f32 to vector<16xf32>
      %mul3A_478 = arith.mulf %scan3A_474#0, %mul3A_477 : vector<16xf32>
      %swap3A_479 = arith.constant 4 : i32
      %swap3A_480 = arith.index_cast %swap3A_479 : i32 to index
      %swap3A_481 = arith.constant 0 : index
      %swap3A_482 = tpu.vector_load %arg7[%swap3A_480, %swap3A_481] {strides = array<i32>} : memref<8x128xf32, #tpu.memory_space<vmem>>, vector<1x16xf32>,
      %swap3A_483 = vector.shape_cast %swap3A_482 : vector<1x16xf32> to vector<16xf32>
      %swap3A_484 = vector.shape_cast %mul3A_478 : vector<16xf32> to vector<1x16xf32>
      tpu.vector_store %arg7[%swap3A_480, %swap3A_481], %swap3A_484 {strides = array<i32>} : memref<8x128xf32, #tpu.memory_space<vmem>>, vector<1x16xf32>,
      %mul3A_485 = arith.constant 6.250000e-02 : f32
      %mul3A_486 = vector.broadcast %mul3A_485 : f32 to vector<16xf32>
      %mul3A_487 = arith.mulf %scan3A_474#1, %mul3A_486 : vector<16xf32>
      %swap3A_488 = arith.constant 4 : i32
      %swap3A_489 = arith.index_cast %swap3A_488 : i32 to index
      %swap3A_490 = arith.constant 16 : index
      %swap3A_491 = tpu.vector_load %arg7[%swap3A_489, %swap3A_490] {strides = array<i32>} : memref<8x128xf32, #tpu.memory_space<vmem>>, vector<1x16xf32>,
      %swap3A_492 = vector.shape_cast %swap3A_491 : vector<1x16xf32> to vector<16xf32>
      %swap3A_493 = vector.shape_cast %mul3A_487 : vector<16xf32> to vector<1x16xf32>
      tpu.vector_store %arg7[%swap3A_489, %swap3A_490], %swap3A_493 {strides = array<i32>} : memref<8x128xf32, #tpu.memory_space<vmem>>, vector<1x16xf32>,
      %mul3A_494 = arith.constant 6.250000e-02 : f32
      %mul3A_495 = vector.broadcast %mul3A_494 : f32 to vector<16xf32>
      %mul3A_496 = arith.mulf %scan3A_474#2, %mul3A_495 : vector<16xf32>
      %swap3A_497 = arith.constant 4 : i32
      %swap3A_498 = arith.index_cast %swap3A_497 : i32 to index
      %swap3A_499 = arith.constant 32 : index
      %swap3A_500 = tpu.vector_load %arg7[%swap3A_498, %swap3A_499] {strides = array<i32>} : memref<8x128xf32, #tpu.memory_space<vmem>>, vector<1x16xf32>,
      %swap3A_501 = vector.shape_cast %swap3A_500 : vector<1x16xf32> to vector<16xf32>
      %swap3A_502 = vector.shape_cast %mul3A_496 : vector<16xf32> to vector<1x16xf32>
      tpu.vector_store %arg7[%swap3A_498, %swap3A_499], %swap3A_502 {strides = array<i32>} : memref<8x128xf32, #tpu.memory_space<vmem>>, vector<1x16xf32>,
      %mul3A_503 = arith.constant 6.250000e-02 : f32
      %mul3A_504 = vector.broadcast %mul3A_503 : f32 to vector<16xf32>
      %mul3A_505 = arith.mulf %scan3A_474#3, %mul3A_504 : vector<16xf32>
      %swap3A_506 = arith.constant 4 : i32
      %swap3A_507 = arith.index_cast %swap3A_506 : i32 to index
      %swap3A_508 = arith.constant 48 : index
      %swap3A_509 = tpu.vector_load %arg7[%swap3A_507, %swap3A_508] {strides = array<i32>} : memref<8x128xf32, #tpu.memory_space<vmem>>, vector<1x16xf32>,
      %swap3A_510 = vector.shape_cast %swap3A_509 : vector<1x16xf32> to vector<16xf32>
      %swap3A_511 = vector.shape_cast %mul3A_505 : vector<16xf32> to vector<1x16xf32>
      tpu.vector_store %arg7[%swap3A_507, %swap3A_508], %swap3A_511 {strides = array<i32>} : memref<8x128xf32, #tpu.memory_space<vmem>>, vector<1x16xf32>,
      %swap3A_512 = arith.constant 4 : i32
      %swap3A_513 = arith.index_cast %swap3A_512 : i32 to index
      %swap3A_514 = arith.constant 64 : index
      %swap3A_515 = tpu.vector_load %arg7[%swap3A_513, %swap3A_514] {strides = array<i32>} : memref<8x128xf32, #tpu.memory_space<vmem>>, vector<1x16xf32>,
      %swap3A_516 = vector.shape_cast %swap3A_515 : vector<1x16xf32> to vector<16xf32>
      %swap3A_517 = vector.shape_cast %scan3A_474#4 : vector<16xf32> to vector<1x16xf32>
      tpu.vector_store %arg7[%swap3A_513, %swap3A_514], %swap3A_517 {strides = array<i32>} : memref<8x128xf32, #tpu.memory_space<vmem>>, vector<1x16xf32>,
      %swap3A_518 = arith.constant 4 : i32
      %swap3A_519 = arith.index_cast %swap3A_518 : i32 to index
      %swap3A_520 = arith.constant 80 : index
      %swap3A_521 = tpu.vector_load %arg7[%swap3A_519, %swap3A_520] {strides = array<i32>} : memref<8x128xf32, #tpu.memory_space<vmem>>, vector<1x16xf32>,
      %swap3A_522 = vector.shape_cast %swap3A_521 : vector<1x16xf32> to vector<16xf32>
      %swap3A_523 = vector.shape_cast %scan3A_474#5 : vector<16xf32> to vector<1x16xf32>
      tpu.vector_store %arg7[%swap3A_519, %swap3A_520], %swap3A_523 {strides = array<i32>} : memref<8x128xf32, #tpu.memory_space<vmem>>, vector<1x16xf32>,
      %swap3A_524 = arith.constant 4 : i32
      %swap3A_525 = arith.index_cast %swap3A_524 : i32 to index
      %swap3A_526 = arith.constant 96 : index
      %swap3A_527 = tpu.vector_load %arg7[%swap3A_525, %swap3A_526] {strides = array<i32>} : memref<8x128xf32, #tpu.memory_space<vmem>>, vector<1x16xf32>,
      %swap3A_528 = vector.shape_cast %swap3A_527 : vector<1x16xf32> to vector<16xf32>
      %swap3A_529 = vector.shape_cast %scan3A_474#6 : vector<16xf32> to vector<1x16xf32>
      tpu.vector_store %arg7[%swap3A_525, %swap3A_526], %swap3A_529 {strides = array<i32>} : memref<8x128xf32, #tpu.memory_space<vmem>>, vector<1x16xf32>,
      %swap3A_530 = arith.constant 4 : i32
      %swap3A_531 = arith.index_cast %swap3A_530 : i32 to index
      %swap3A_532 = arith.constant 112 : index
      %swap3A_533 = tpu.vector_load %arg7[%swap3A_531, %swap3A_532] {strides = array<i32>} : memref<8x128xf32, #tpu.memory_space<vmem>>, vector<1x16xf32>,
      %swap3A_534 = vector.shape_cast %swap3A_533 : vector<1x16xf32> to vector<16xf32>
      %swap3A_535 = vector.shape_cast %scan3A_474#7 : vector<16xf32> to vector<1x16xf32>
      tpu.vector_store %arg7[%swap3A_531, %swap3A_532], %swap3A_535 {strides = array<i32>} : memref<8x128xf32, #tpu.memory_space<vmem>>, vector<1x16xf32>,
      %get3A_536 = arith.constant 80 : i32
      %get3A_537 = arith.index_cast %get3A_536 : i32 to index
      %get3A_538 = arith.constant 0 : index
      %get3A_539 = tpu.vector_load %arg6[%get3A_537, %get3A_538] {strides = array<i32>} : memref<128x128xf32, #tpu.memory_space<vmem>>, vector<1x16xf32>,
      %get3A_540 = vector.shape_cast %get3A_539 : vector<1x16xf32> to vector<16xf32>
      %get3A_541 = arith.constant 80 : i32
      %get3A_542 = arith.index_cast %get3A_541 : i32 to index
      %get3A_543 = arith.constant 16 : index
      %get3A_544 = tpu.vector_load %arg6[%get3A_542, %get3A_543] {strides = array<i32>} : memref<128x128xf32, #tpu.memory_space<vmem>>, vector<1x16xf32>,
      %get3A_545 = vector.shape_cast %get3A_544 : vector<1x16xf32> to vector<16xf32>
      %get3A_546 = arith.constant 80 : i32
      %get3A_547 = arith.index_cast %get3A_546 : i32 to index
      %get3A_548 = arith.constant 32 : index
      %get3A_549 = tpu.vector_load %arg6[%get3A_547, %get3A_548] {strides = array<i32>} : memref<128x128xf32, #tpu.memory_space<vmem>>, vector<1x16xf32>,
      %get3A_550 = vector.shape_cast %get3A_549 : vector<1x16xf32> to vector<16xf32>
      %get3A_551 = arith.constant 80 : i32
      %get3A_552 = arith.index_cast %get3A_551 : i32 to index
      %get3A_553 = arith.constant 48 : index
      %get3A_554 = tpu.vector_load %arg6[%get3A_552, %get3A_553] {strides = array<i32>} : memref<128x128xf32, #tpu.memory_space<vmem>>, vector<1x16xf32>,
      %get3A_555 = vector.shape_cast %get3A_554 : vector<1x16xf32> to vector<16xf32>
      %scan3A_556 = arith.constant 1 : i32
      %scan3A_557 = arith.constant 15 : i32
      %scan3A_558 = arith.addi %scan3A_556, %scan3A_557 : i32
      %scan3A_559 = arith.constant 1 : i32
      %scan3A_560:8 = scf.for %scan3A_794 = %scan3A_556 to %scan3A_558 step %scan3A_559 iter_args(%scan3A_795 = %get3A_540, %scan3A_796 = %get3A_545, %scan3A_797 = %get3A_550, %scan3A_798 = %get3A_555, %scan3A_799 = %get3A_540, %scan3A_800 = %get3A_545, %scan3A_801 = %get3A_550, %scan3A_802 = %get3A_555) -> (vector<16xf32>, vector<16xf32>, vector<16xf32>, vector<16xf32>, vector<16xf32>, vector<16xf32>, vector<16xf32>, vector<16xf32>)  : i32 {
        %add3A_803 = arith.constant 80 : i32
        %add3A_804 = arith.addi %add3A_803, %scan3A_794 : i32
        %get3A_805 = arith.index_cast %add3A_804 : i32 to index
        %get3A_806 = arith.constant 0 : index
        %get3A_807 = tpu.vector_load %arg6[%get3A_805, %get3A_806] {strides = array<i32>} : memref<128x128xf32, #tpu.memory_space<vmem>>, vector<1x16xf32>,
        %get3A_808 = vector.shape_cast %get3A_807 : vector<1x16xf32> to vector<16xf32>
        %get3A_809 = arith.index_cast %add3A_804 : i32 to index
        %get3A_810 = arith.constant 16 : index
        %get3A_811 = tpu.vector_load %arg6[%get3A_809, %get3A_810] {strides = array<i32>} : memref<128x128xf32, #tpu.memory_space<vmem>>, vector<1x16xf32>,
        %get3A_812 = vector.shape_cast %get3A_811 : vector<1x16xf32> to vector<16xf32>
        %get3A_813 = arith.index_cast %add3A_804 : i32 to index
        %get3A_814 = arith.constant 32 : index
        %get3A_815 = tpu.vector_load %arg6[%get3A_813, %get3A_814] {strides = array<i32>} : memref<128x128xf32, #tpu.memory_space<vmem>>, vector<1x16xf32>,
        %get3A_816 = vector.shape_cast %get3A_815 : vector<1x16xf32> to vector<16xf32>
        %get3A_817 = arith.index_cast %add3A_804 : i32 to index
        %get3A_818 = arith.constant 48 : index
        %get3A_819 = tpu.vector_load %arg6[%get3A_817, %get3A_818] {strides = array<i32>} : memref<128x128xf32, #tpu.memory_space<vmem>>, vector<1x16xf32>,
        %get3A_820 = vector.shape_cast %get3A_819 : vector<1x16xf32> to vector<16xf32>
        %add3A_821 = arith.addf %scan3A_795, %get3A_808 : vector<16xf32>
        %add3A_822 = arith.addf %scan3A_796, %get3A_812 : vector<16xf32>
        %add3A_823 = arith.addf %scan3A_797, %get3A_816 : vector<16xf32>
        %add3A_824 = arith.addf %scan3A_798, %get3A_820 : vector<16xf32>
        %max3A = arith.maximumf %scan3A_799, %get3A_808 : vector<16xf32>
        %max3A_825 = arith.maximumf %scan3A_800, %get3A_812 : vector<16xf32>
        %max3A_826 = arith.maximumf %scan3A_801, %get3A_816 : vector<16xf32>
        %max3A_827 = arith.maximumf %scan3A_802, %get3A_820 : vector<16xf32>
        scf.yield %add3A_821, %add3A_822, %add3A_823, %add3A_824, %max3A, %max3A_825, %max3A_826, %max3A_827 : vector<16xf32>, vector<16xf32>, vector<16xf32>, vector<16xf32>, vector<16xf32>, vector<16xf32>, vector<16xf32>, vector<16xf32>
      }
      %scan3A_561 = arith.constant 15 : i32
      %mul3A_562 = arith.constant 6.250000e-02 : f32
      %mul3A_563 = vector.broadcast %mul3A_562 : f32 to vector<16xf32>
      %mul3A_564 = arith.mulf %scan3A_560#0, %mul3A_563 : vector<16xf32>
      %swap3A_565 = arith.constant 5 : i32
      %swap3A_566 = arith.index_cast %swap3A_565 : i32 to index
      %swap3A_567 = arith.constant 0 : index
      %swap3A_568 = tpu.vector_load %arg7[%swap3A_566, %swap3A_567] {strides = array<i32>} : memref<8x128xf32, #tpu.memory_space<vmem>>, vector<1x16xf32>,
      %swap3A_569 = vector.shape_cast %swap3A_568 : vector<1x16xf32> to vector<16xf32>
      %swap3A_570 = vector.shape_cast %mul3A_564 : vector<16xf32> to vector<1x16xf32>
      tpu.vector_store %arg7[%swap3A_566, %swap3A_567], %swap3A_570 {strides = array<i32>} : memref<8x128xf32, #tpu.memory_space<vmem>>, vector<1x16xf32>,
      %mul3A_571 = arith.constant 6.250000e-02 : f32
      %mul3A_572 = vector.broadcast %mul3A_571 : f32 to vector<16xf32>
      %mul3A_573 = arith.mulf %scan3A_560#1, %mul3A_572 : vector<16xf32>
      %swap3A_574 = arith.constant 5 : i32
      %swap3A_575 = arith.index_cast %swap3A_574 : i32 to index
      %swap3A_576 = arith.constant 16 : index
      %swap3A_577 = tpu.vector_load %arg7[%swap3A_575, %swap3A_576] {strides = array<i32>} : memref<8x128xf32, #tpu.memory_space<vmem>>, vector<1x16xf32>,
      %swap3A_578 = vector.shape_cast %swap3A_577 : vector<1x16xf32> to vector<16xf32>
      %swap3A_579 = vector.shape_cast %mul3A_573 : vector<16xf32> to vector<1x16xf32>
      tpu.vector_store %arg7[%swap3A_575, %swap3A_576], %swap3A_579 {strides = array<i32>} : memref<8x128xf32, #tpu.memory_space<vmem>>, vector<1x16xf32>,
      %mul3A_580 = arith.constant 6.250000e-02 : f32
      %mul3A_581 = vector.broadcast %mul3A_580 : f32 to vector<16xf32>
      %mul3A_582 = arith.mulf %scan3A_560#2, %mul3A_581 : vector<16xf32>
      %swap3A_583 = arith.constant 5 : i32
      %swap3A_584 = arith.index_cast %swap3A_583 : i32 to index
      %swap3A_585 = arith.constant 32 : index
      %swap3A_586 = tpu.vector_load %arg7[%swap3A_584, %swap3A_585] {strides = array<i32>} : memref<8x128xf32, #tpu.memory_space<vmem>>, vector<1x16xf32>,
      %swap3A_587 = vector.shape_cast %swap3A_586 : vector<1x16xf32> to vector<16xf32>
      %swap3A_588 = vector.shape_cast %mul3A_582 : vector<16xf32> to vector<1x16xf32>
      tpu.vector_store %arg7[%swap3A_584, %swap3A_585], %swap3A_588 {strides = array<i32>} : memref<8x128xf32, #tpu.memory_space<vmem>>, vector<1x16xf32>,
      %mul3A_589 = arith.constant 6.250000e-02 : f32
      %mul3A_590 = vector.broadcast %mul3A_589 : f32 to vector<16xf32>
      %mul3A_591 = arith.mulf %scan3A_560#3, %mul3A_590 : vector<16xf32>
      %swap3A_592 = arith.constant 5 : i32
      %swap3A_593 = arith.index_cast %swap3A_592 : i32 to index
      %swap3A_594 = arith.constant 48 : index
      %swap3A_595 = tpu.vector_load %arg7[%swap3A_593, %swap3A_594] {strides = array<i32>} : memref<8x128xf32, #tpu.memory_space<vmem>>, vector<1x16xf32>,
      %swap3A_596 = vector.shape_cast %swap3A_595 : vector<1x16xf32> to vector<16xf32>
      %swap3A_597 = vector.shape_cast %mul3A_591 : vector<16xf32> to vector<1x16xf32>
      tpu.vector_store %arg7[%swap3A_593, %swap3A_594], %swap3A_597 {strides = array<i32>} : memref<8x128xf32, #tpu.memory_space<vmem>>, vector<1x16xf32>,
      %swap3A_598 = arith.constant 5 : i32
      %swap3A_599 = arith.index_cast %swap3A_598 : i32 to index
      %swap3A_600 = arith.constant 64 : index
      %swap3A_601 = tpu.vector_load %arg7[%swap3A_599, %swap3A_600] {strides = array<i32>} : memref<8x128xf32, #tpu.memory_space<vmem>>, vector<1x16xf32>,
      %swap3A_602 = vector.shape_cast %swap3A_601 : vector<1x16xf32> to vector<16xf32>
      %swap3A_603 = vector.shape_cast %scan3A_560#4 : vector<16xf32> to vector<1x16xf32>
      tpu.vector_store %arg7[%swap3A_599, %swap3A_600], %swap3A_603 {strides = array<i32>} : memref<8x128xf32, #tpu.memory_space<vmem>>, vector<1x16xf32>,
      %swap3A_604 = arith.constant 5 : i32
      %swap3A_605 = arith.index_cast %swap3A_604 : i32 to index
      %swap3A_606 = arith.constant 80 : index
      %swap3A_607 = tpu.vector_load %arg7[%swap3A_605, %swap3A_606] {strides = array<i32>} : memref<8x128xf32, #tpu.memory_space<vmem>>, vector<1x16xf32>,
      %swap3A_608 = vector.shape_cast %swap3A_607 : vector<1x16xf32> to vector<16xf32>
      %swap3A_609 = vector.shape_cast %scan3A_560#5 : vector<16xf32> to vector<1x16xf32>
      tpu.vector_store %arg7[%swap3A_605, %swap3A_606], %swap3A_609 {strides = array<i32>} : memref<8x128xf32, #tpu.memory_space<vmem>>, vector<1x16xf32>,
      %swap3A_610 = arith.constant 5 : i32
      %swap3A_611 = arith.index_cast %swap3A_610 : i32 to index
      %swap3A_612 = arith.constant 96 : index
      %swap3A_613 = tpu.vector_load %arg7[%swap3A_611, %swap3A_612] {strides = array<i32>} : memref<8x128xf32, #tpu.memory_space<vmem>>, vector<1x16xf32>,
      %swap3A_614 = vector.shape_cast %swap3A_613 : vector<1x16xf32> to vector<16xf32>
      %swap3A_615 = vector.shape_cast %scan3A_560#6 : vector<16xf32> to vector<1x16xf32>
      tpu.vector_store %arg7[%swap3A_611, %swap3A_612], %swap3A_615 {strides = array<i32>} : memref<8x128xf32, #tpu.memory_space<vmem>>, vector<1x16xf32>,
      %swap3A_616 = arith.constant 5 : i32
      %swap3A_617 = arith.index_cast %swap3A_616 : i32 to index
      %swap3A_618 = arith.constant 112 : index
      %swap3A_619 = tpu.vector_load %arg7[%swap3A_617, %swap3A_618] {strides = array<i32>} : memref<8x128xf32, #tpu.memory_space<vmem>>, vector<1x16xf32>,
      %swap3A_620 = vector.shape_cast %swap3A_619 : vector<1x16xf32> to vector<16xf32>
      %swap3A_621 = vector.shape_cast %scan3A_560#7 : vector<16xf32> to vector<1x16xf32>
      tpu.vector_store %arg7[%swap3A_617, %swap3A_618], %swap3A_621 {strides = array<i32>} : memref<8x128xf32, #tpu.memory_space<vmem>>, vector<1x16xf32>,
      %get3A_622 = arith.constant 96 : i32
      %get3A_623 = arith.index_cast %get3A_622 : i32 to index
      %get3A_624 = arith.constant 0 : index
      %get3A_625 = tpu.vector_load %arg6[%get3A_623, %get3A_624] {strides = array<i32>} : memref<128x128xf32, #tpu.memory_space<vmem>>, vector<1x16xf32>,
      %get3A_626 = vector.shape_cast %get3A_625 : vector<1x16xf32> to vector<16xf32>
      %get3A_627 = arith.constant 96 : i32
      %get3A_628 = arith.index_cast %get3A_627 : i32 to index
      %get3A_629 = arith.constant 16 : index
      %get3A_630 = tpu.vector_load %arg6[%get3A_628, %get3A_629] {strides = array<i32>} : memref<128x128xf32, #tpu.memory_space<vmem>>, vector<1x16xf32>,
      %get3A_631 = vector.shape_cast %get3A_630 : vector<1x16xf32> to vector<16xf32>
      %get3A_632 = arith.constant 96 : i32
      %get3A_633 = arith.index_cast %get3A_632 : i32 to index
      %get3A_634 = arith.constant 32 : index
      %get3A_635 = tpu.vector_load %arg6[%get3A_633, %get3A_634] {strides = array<i32>} : memref<128x128xf32, #tpu.memory_space<vmem>>, vector<1x16xf32>,
      %get3A_636 = vector.shape_cast %get3A_635 : vector<1x16xf32> to vector<16xf32>
      %get3A_637 = arith.constant 96 : i32
      %get3A_638 = arith.index_cast %get3A_637 : i32 to index
      %get3A_639 = arith.constant 48 : index
      %get3A_640 = tpu.vector_load %arg6[%get3A_638, %get3A_639] {strides = array<i32>} : memref<128x128xf32, #tpu.memory_space<vmem>>, vector<1x16xf32>,
      %get3A_641 = vector.shape_cast %get3A_640 : vector<1x16xf32> to vector<16xf32>
      %scan3A_642 = arith.constant 1 : i32
      %scan3A_643 = arith.constant 15 : i32
      %scan3A_644 = arith.addi %scan3A_642, %scan3A_643 : i32
      %scan3A_645 = arith.constant 1 : i32
      %scan3A_646:8 = scf.for %scan3A_794 = %scan3A_642 to %scan3A_644 step %scan3A_645 iter_args(%scan3A_795 = %get3A_626, %scan3A_796 = %get3A_631, %scan3A_797 = %get3A_636, %scan3A_798 = %get3A_641, %scan3A_799 = %get3A_626, %scan3A_800 = %get3A_631, %scan3A_801 = %get3A_636, %scan3A_802 = %get3A_641) -> (vector<16xf32>, vector<16xf32>, vector<16xf32>, vector<16xf32>, vector<16xf32>, vector<16xf32>, vector<16xf32>, vector<16xf32>)  : i32 {
        %add3A_803 = arith.constant 96 : i32
        %add3A_804 = arith.addi %add3A_803, %scan3A_794 : i32
        %get3A_805 = arith.index_cast %add3A_804 : i32 to index
        %get3A_806 = arith.constant 0 : index
        %get3A_807 = tpu.vector_load %arg6[%get3A_805, %get3A_806] {strides = array<i32>} : memref<128x128xf32, #tpu.memory_space<vmem>>, vector<1x16xf32>,
        %get3A_808 = vector.shape_cast %get3A_807 : vector<1x16xf32> to vector<16xf32>
        %get3A_809 = arith.index_cast %add3A_804 : i32 to index
        %get3A_810 = arith.constant 16 : index
        %get3A_811 = tpu.vector_load %arg6[%get3A_809, %get3A_810] {strides = array<i32>} : memref<128x128xf32, #tpu.memory_space<vmem>>, vector<1x16xf32>,
        %get3A_812 = vector.shape_cast %get3A_811 : vector<1x16xf32> to vector<16xf32>
        %get3A_813 = arith.index_cast %add3A_804 : i32 to index
        %get3A_814 = arith.constant 32 : index
        %get3A_815 = tpu.vector_load %arg6[%get3A_813, %get3A_814] {strides = array<i32>} : memref<128x128xf32, #tpu.memory_space<vmem>>, vector<1x16xf32>,
        %get3A_816 = vector.shape_cast %get3A_815 : vector<1x16xf32> to vector<16xf32>
        %get3A_817 = arith.index_cast %add3A_804 : i32 to index
        %get3A_818 = arith.constant 48 : index
        %get3A_819 = tpu.vector_load %arg6[%get3A_817, %get3A_818] {strides = array<i32>} : memref<128x128xf32, #tpu.memory_space<vmem>>, vector<1x16xf32>,
        %get3A_820 = vector.shape_cast %get3A_819 : vector<1x16xf32> to vector<16xf32>
        %add3A_821 = arith.addf %scan3A_795, %get3A_808 : vector<16xf32>
        %add3A_822 = arith.addf %scan3A_796, %get3A_812 : vector<16xf32>
        %add3A_823 = arith.addf %scan3A_797, %get3A_816 : vector<16xf32>
        %add3A_824 = arith.addf %scan3A_798, %get3A_820 : vector<16xf32>
        %max3A = arith.maximumf %scan3A_799, %get3A_808 : vector<16xf32>
        %max3A_825 = arith.maximumf %scan3A_800, %get3A_812 : vector<16xf32>
        %max3A_826 = arith.maximumf %scan3A_801, %get3A_816 : vector<16xf32>
        %max3A_827 = arith.maximumf %scan3A_802, %get3A_820 : vector<16xf32>
        scf.yield %add3A_821, %add3A_822, %add3A_823, %add3A_824, %max3A, %max3A_825, %max3A_826, %max3A_827 : vector<16xf32>, vector<16xf32>, vector<16xf32>, vector<16xf32>, vector<16xf32>, vector<16xf32>, vector<16xf32>, vector<16xf32>
      }
      %scan3A_647 = arith.constant 15 : i32
      %mul3A_648 = arith.constant 6.250000e-02 : f32
      %mul3A_649 = vector.broadcast %mul3A_648 : f32 to vector<16xf32>
      %mul3A_650 = arith.mulf %scan3A_646#0, %mul3A_649 : vector<16xf32>
      %swap3A_651 = arith.constant 6 : i32
      %swap3A_652 = arith.index_cast %swap3A_651 : i32 to index
      %swap3A_653 = arith.constant 0 : index
      %swap3A_654 = tpu.vector_load %arg7[%swap3A_652, %swap3A_653] {strides = array<i32>} : memref<8x128xf32, #tpu.memory_space<vmem>>, vector<1x16xf32>,
      %swap3A_655 = vector.shape_cast %swap3A_654 : vector<1x16xf32> to vector<16xf32>
      %swap3A_656 = vector.shape_cast %mul3A_650 : vector<16xf32> to vector<1x16xf32>
      tpu.vector_store %arg7[%swap3A_652, %swap3A_653], %swap3A_656 {strides = array<i32>} : memref<8x128xf32, #tpu.memory_space<vmem>>, vector<1x16xf32>,
      %mul3A_657 = arith.constant 6.250000e-02 : f32
      %mul3A_658 = vector.broadcast %mul3A_657 : f32 to vector<16xf32>
      %mul3A_659 = arith.mulf %scan3A_646#1, %mul3A_658 : vector<16xf32>
      %swap3A_660 = arith.constant 6 : i32
      %swap3A_661 = arith.index_cast %swap3A_660 : i32 to index
      %swap3A_662 = arith.constant 16 : index
      %swap3A_663 = tpu.vector_load %arg7[%swap3A_661, %swap3A_662] {strides = array<i32>} : memref<8x128xf32, #tpu.memory_space<vmem>>, vector<1x16xf32>,
      %swap3A_664 = vector.shape_cast %swap3A_663 : vector<1x16xf32> to vector<16xf32>
      %swap3A_665 = vector.shape_cast %mul3A_659 : vector<16xf32> to vector<1x16xf32>
      tpu.vector_store %arg7[%swap3A_661, %swap3A_662], %swap3A_665 {strides = array<i32>} : memref<8x128xf32, #tpu.memory_space<vmem>>, vector<1x16xf32>,
      %mul3A_666 = arith.constant 6.250000e-02 : f32
      %mul3A_667 = vector.broadcast %mul3A_666 : f32 to vector<16xf32>
      %mul3A_668 = arith.mulf %scan3A_646#2, %mul3A_667 : vector<16xf32>
      %swap3A_669 = arith.constant 6 : i32
      %swap3A_670 = arith.index_cast %swap3A_669 : i32 to index
      %swap3A_671 = arith.constant 32 : index
      %swap3A_672 = tpu.vector_load %arg7[%swap3A_670, %swap3A_671] {strides = array<i32>} : memref<8x128xf32, #tpu.memory_space<vmem>>, vector<1x16xf32>,
      %swap3A_673 = vector.shape_cast %swap3A_672 : vector<1x16xf32> to vector<16xf32>
      %swap3A_674 = vector.shape_cast %mul3A_668 : vector<16xf32> to vector<1x16xf32>
      tpu.vector_store %arg7[%swap3A_670, %swap3A_671], %swap3A_674 {strides = array<i32>} : memref<8x128xf32, #tpu.memory_space<vmem>>, vector<1x16xf32>,
      %mul3A_675 = arith.constant 6.250000e-02 : f32
      %mul3A_676 = vector.broadcast %mul3A_675 : f32 to vector<16xf32>
      %mul3A_677 = arith.mulf %scan3A_646#3, %mul3A_676 : vector<16xf32>
      %swap3A_678 = arith.constant 6 : i32
      %swap3A_679 = arith.index_cast %swap3A_678 : i32 to index
      %swap3A_680 = arith.constant 48 : index
      %swap3A_681 = tpu.vector_load %arg7[%swap3A_679, %swap3A_680] {strides = array<i32>} : memref<8x128xf32, #tpu.memory_space<vmem>>, vector<1x16xf32>,
      %swap3A_682 = vector.shape_cast %swap3A_681 : vector<1x16xf32> to vector<16xf32>
      %swap3A_683 = vector.shape_cast %mul3A_677 : vector<16xf32> to vector<1x16xf32>
      tpu.vector_store %arg7[%swap3A_679, %swap3A_680], %swap3A_683 {strides = array<i32>} : memref<8x128xf32, #tpu.memory_space<vmem>>, vector<1x16xf32>,
      %swap3A_684 = arith.constant 6 : i32
      %swap3A_685 = arith.index_cast %swap3A_684 : i32 to index
      %swap3A_686 = arith.constant 64 : index
      %swap3A_687 = tpu.vector_load %arg7[%swap3A_685, %swap3A_686] {strides = array<i32>} : memref<8x128xf32, #tpu.memory_space<vmem>>, vector<1x16xf32>,
      %swap3A_688 = vector.shape_cast %swap3A_687 : vector<1x16xf32> to vector<16xf32>
      %swap3A_689 = vector.shape_cast %scan3A_646#4 : vector<16xf32> to vector<1x16xf32>
      tpu.vector_store %arg7[%swap3A_685, %swap3A_686], %swap3A_689 {strides = array<i32>} : memref<8x128xf32, #tpu.memory_space<vmem>>, vector<1x16xf32>,
      %swap3A_690 = arith.constant 6 : i32
      %swap3A_691 = arith.index_cast %swap3A_690 : i32 to index
      %swap3A_692 = arith.constant 80 : index
      %swap3A_693 = tpu.vector_load %arg7[%swap3A_691, %swap3A_692] {strides = array<i32>} : memref<8x128xf32, #tpu.memory_space<vmem>>, vector<1x16xf32>,
      %swap3A_694 = vector.shape_cast %swap3A_693 : vector<1x16xf32> to vector<16xf32>
      %swap3A_695 = vector.shape_cast %scan3A_646#5 : vector<16xf32> to vector<1x16xf32>
      tpu.vector_store %arg7[%swap3A_691, %swap3A_692], %swap3A_695 {strides = array<i32>} : memref<8x128xf32, #tpu.memory_space<vmem>>, vector<1x16xf32>,
      %swap3A_696 = arith.constant 6 : i32
      %swap3A_697 = arith.index_cast %swap3A_696 : i32 to index
      %swap3A_698 = arith.constant 96 : index
      %swap3A_699 = tpu.vector_load %arg7[%swap3A_697, %swap3A_698] {strides = array<i32>} : memref<8x128xf32, #tpu.memory_space<vmem>>, vector<1x16xf32>,
      %swap3A_700 = vector.shape_cast %swap3A_699 : vector<1x16xf32> to vector<16xf32>
      %swap3A_701 = vector.shape_cast %scan3A_646#6 : vector<16xf32> to vector<1x16xf32>
      tpu.vector_store %arg7[%swap3A_697, %swap3A_698], %swap3A_701 {strides = array<i32>} : memref<8x128xf32, #tpu.memory_space<vmem>>, vector<1x16xf32>,
      %swap3A_702 = arith.constant 6 : i32
      %swap3A_703 = arith.index_cast %swap3A_702 : i32 to index
      %swap3A_704 = arith.constant 112 : index
      %swap3A_705 = tpu.vector_load %arg7[%swap3A_703, %swap3A_704] {strides = array<i32>} : memref<8x128xf32, #tpu.memory_space<vmem>>, vector<1x16xf32>,
      %swap3A_706 = vector.shape_cast %swap3A_705 : vector<1x16xf32> to vector<16xf32>
      %swap3A_707 = vector.shape_cast %scan3A_646#7 : vector<16xf32> to vector<1x16xf32>
      tpu.vector_store %arg7[%swap3A_703, %swap3A_704], %swap3A_707 {strides = array<i32>} : memref<8x128xf32, #tpu.memory_space<vmem>>, vector<1x16xf32>,
      %get3A_708 = arith.constant 112 : i32
      %get3A_709 = arith.index_cast %get3A_708 : i32 to index
      %get3A_710 = arith.constant 0 : index
      %get3A_711 = tpu.vector_load %arg6[%get3A_709, %get3A_710] {strides = array<i32>} : memref<128x128xf32, #tpu.memory_space<vmem>>, vector<1x16xf32>,
      %get3A_712 = vector.shape_cast %get3A_711 : vector<1x16xf32> to vector<16xf32>
      %get3A_713 = arith.constant 112 : i32
      %get3A_714 = arith.index_cast %get3A_713 : i32 to index
      %get3A_715 = arith.constant 16 : index
      %get3A_716 = tpu.vector_load %arg6[%get3A_714, %get3A_715] {strides = array<i32>} : memref<128x128xf32, #tpu.memory_space<vmem>>, vector<1x16xf32>,
      %get3A_717 = vector.shape_cast %get3A_716 : vector<1x16xf32> to vector<16xf32>
      %get3A_718 = arith.constant 112 : i32
      %get3A_719 = arith.index_cast %get3A_718 : i32 to index
      %get3A_720 = arith.constant 32 : index
      %get3A_721 = tpu.vector_load %arg6[%get3A_719, %get3A_720] {strides = array<i32>} : memref<128x128xf32, #tpu.memory_space<vmem>>, vector<1x16xf32>,
      %get3A_722 = vector.shape_cast %get3A_721 : vector<1x16xf32> to vector<16xf32>
      %get3A_723 = arith.constant 112 : i32
      %get3A_724 = arith.index_cast %get3A_723 : i32 to index
      %get3A_725 = arith.constant 48 : index
      %get3A_726 = tpu.vector_load %arg6[%get3A_724, %get3A_725] {strides = array<i32>} : memref<128x128xf32, #tpu.memory_space<vmem>>, vector<1x16xf32>,
      %get3A_727 = vector.shape_cast %get3A_726 : vector<1x16xf32> to vector<16xf32>
      %scan3A_728 = arith.constant 1 : i32
      %scan3A_729 = arith.constant 15 : i32
      %scan3A_730 = arith.addi %scan3A_728, %scan3A_729 : i32
      %scan3A_731 = arith.constant 1 : i32
      %scan3A_732:8 = scf.for %scan3A_794 = %scan3A_728 to %scan3A_730 step %scan3A_731 iter_args(%scan3A_795 = %get3A_712, %scan3A_796 = %get3A_717, %scan3A_797 = %get3A_722, %scan3A_798 = %get3A_727, %scan3A_799 = %get3A_712, %scan3A_800 = %get3A_717, %scan3A_801 = %get3A_722, %scan3A_802 = %get3A_727) -> (vector<16xf32>, vector<16xf32>, vector<16xf32>, vector<16xf32>, vector<16xf32>, vector<16xf32>, vector<16xf32>, vector<16xf32>)  : i32 {
        %add3A_803 = arith.constant 112 : i32
        %add3A_804 = arith.addi %add3A_803, %scan3A_794 : i32
        %get3A_805 = arith.index_cast %add3A_804 : i32 to index
        %get3A_806 = arith.constant 0 : index
        %get3A_807 = tpu.vector_load %arg6[%get3A_805, %get3A_806] {strides = array<i32>} : memref<128x128xf32, #tpu.memory_space<vmem>>, vector<1x16xf32>,
        %get3A_808 = vector.shape_cast %get3A_807 : vector<1x16xf32> to vector<16xf32>
        %get3A_809 = arith.index_cast %add3A_804 : i32 to index
        %get3A_810 = arith.constant 16 : index
        %get3A_811 = tpu.vector_load %arg6[%get3A_809, %get3A_810] {strides = array<i32>} : memref<128x128xf32, #tpu.memory_space<vmem>>, vector<1x16xf32>,
        %get3A_812 = vector.shape_cast %get3A_811 : vector<1x16xf32> to vector<16xf32>
        %get3A_813 = arith.index_cast %add3A_804 : i32 to index
        %get3A_814 = arith.constant 32 : index
        %get3A_815 = tpu.vector_load %arg6[%get3A_813, %get3A_814] {strides = array<i32>} : memref<128x128xf32, #tpu.memory_space<vmem>>, vector<1x16xf32>,
        %get3A_816 = vector.shape_cast %get3A_815 : vector<1x16xf32> to vector<16xf32>
        %get3A_817 = arith.index_cast %add3A_804 : i32 to index
        %get3A_818 = arith.constant 48 : index
        %get3A_819 = tpu.vector_load %arg6[%get3A_817, %get3A_818] {strides = array<i32>} : memref<128x128xf32, #tpu.memory_space<vmem>>, vector<1x16xf32>,
        %get3A_820 = vector.shape_cast %get3A_819 : vector<1x16xf32> to vector<16xf32>
        %add3A_821 = arith.addf %scan3A_795, %get3A_808 : vector<16xf32>
        %add3A_822 = arith.addf %scan3A_796, %get3A_812 : vector<16xf32>
        %add3A_823 = arith.addf %scan3A_797, %get3A_816 : vector<16xf32>
        %add3A_824 = arith.addf %scan3A_798, %get3A_820 : vector<16xf32>
        %max3A = arith.maximumf %scan3A_799, %get3A_808 : vector<16xf32>
        %max3A_825 = arith.maximumf %scan3A_800, %get3A_812 : vector<16xf32>
        %max3A_826 = arith.maximumf %scan3A_801, %get3A_816 : vector<16xf32>
        %max3A_827 = arith.maximumf %scan3A_802, %get3A_820 : vector<16xf32>
        scf.yield %add3A_821, %add3A_822, %add3A_823, %add3A_824, %max3A, %max3A_825, %max3A_826, %max3A_827 : vector<16xf32>, vector<16xf32>, vector<16xf32>, vector<16xf32>, vector<16xf32>, vector<16xf32>, vector<16xf32>, vector<16xf32>
      }
      %scan3A_733 = arith.constant 15 : i32
      %mul3A_734 = arith.constant 6.250000e-02 : f32
      %mul3A_735 = vector.broadcast %mul3A_734 : f32 to vector<16xf32>
      %mul3A_736 = arith.mulf %scan3A_732#0, %mul3A_735 : vector<16xf32>
      %swap3A_737 = arith.constant 7 : i32
      %swap3A_738 = arith.index_cast %swap3A_737 : i32 to index
      %swap3A_739 = arith.constant 0 : index
      %swap3A_740 = tpu.vector_load %arg7[%swap3A_738, %swap3A_739] {strides = array<i32>} : memref<8x128xf32, #tpu.memory_space<vmem>>, vector<1x16xf32>,
      %swap3A_741 = vector.shape_cast %swap3A_740 : vector<1x16xf32> to vector<16xf32>
      %swap3A_742 = vector.shape_cast %mul3A_736 : vector<16xf32> to vector<1x16xf32>
      tpu.vector_store %arg7[%swap3A_738, %swap3A_739], %swap3A_742 {strides = array<i32>} : memref<8x128xf32, #tpu.memory_space<vmem>>, vector<1x16xf32>,
      %mul3A_743 = arith.constant 6.250000e-02 : f32
      %mul3A_744 = vector.broadcast %mul3A_743 : f32 to vector<16xf32>
      %mul3A_745 = arith.mulf %scan3A_732#1, %mul3A_744 : vector<16xf32>
      %swap3A_746 = arith.constant 7 : i32
      %swap3A_747 = arith.index_cast %swap3A_746 : i32 to index
      %swap3A_748 = arith.constant 16 : index
      %swap3A_749 = tpu.vector_load %arg7[%swap3A_747, %swap3A_748] {strides = array<i32>} : memref<8x128xf32, #tpu.memory_space<vmem>>, vector<1x16xf32>,
      %swap3A_750 = vector.shape_cast %swap3A_749 : vector<1x16xf32> to vector<16xf32>
      %swap3A_751 = vector.shape_cast %mul3A_745 : vector<16xf32> to vector<1x16xf32>
      tpu.vector_store %arg7[%swap3A_747, %swap3A_748], %swap3A_751 {strides = array<i32>} : memref<8x128xf32, #tpu.memory_space<vmem>>, vector<1x16xf32>,
      %mul3A_752 = arith.constant 6.250000e-02 : f32
      %mul3A_753 = vector.broadcast %mul3A_752 : f32 to vector<16xf32>
      %mul3A_754 = arith.mulf %scan3A_732#2, %mul3A_753 : vector<16xf32>
      %swap3A_755 = arith.constant 7 : i32
      %swap3A_756 = arith.index_cast %swap3A_755 : i32 to index
      %swap3A_757 = arith.constant 32 : index
      %swap3A_758 = tpu.vector_load %arg7[%swap3A_756, %swap3A_757] {strides = array<i32>} : memref<8x128xf32, #tpu.memory_space<vmem>>, vector<1x16xf32>,
      %swap3A_759 = vector.shape_cast %swap3A_758 : vector<1x16xf32> to vector<16xf32>
      %swap3A_760 = vector.shape_cast %mul3A_754 : vector<16xf32> to vector<1x16xf32>
      tpu.vector_store %arg7[%swap3A_756, %swap3A_757], %swap3A_760 {strides = array<i32>} : memref<8x128xf32, #tpu.memory_space<vmem>>, vector<1x16xf32>,
      %mul3A_761 = arith.constant 6.250000e-02 : f32
      %mul3A_762 = vector.broadcast %mul3A_761 : f32 to vector<16xf32>
      %mul3A_763 = arith.mulf %scan3A_732#3, %mul3A_762 : vector<16xf32>
      %swap3A_764 = arith.constant 7 : i32
      %swap3A_765 = arith.index_cast %swap3A_764 : i32 to index
      %swap3A_766 = arith.constant 48 : index
      %swap3A_767 = tpu.vector_load %arg7[%swap3A_765, %swap3A_766] {strides = array<i32>} : memref<8x128xf32, #tpu.memory_space<vmem>>, vector<1x16xf32>,
      %swap3A_768 = vector.shape_cast %swap3A_767 : vector<1x16xf32> to vector<16xf32>
      %swap3A_769 = vector.shape_cast %mul3A_763 : vector<16xf32> to vector<1x16xf32>
      tpu.vector_store %arg7[%swap3A_765, %swap3A_766], %swap3A_769 {strides = array<i32>} : memref<8x128xf32, #tpu.memory_space<vmem>>, vector<1x16xf32>,
      %swap3A_770 = arith.constant 7 : i32
      %swap3A_771 = arith.index_cast %swap3A_770 : i32 to index
      %swap3A_772 = arith.constant 64 : index
      %swap3A_773 = tpu.vector_load %arg7[%swap3A_771, %swap3A_772] {strides = array<i32>} : memref<8x128xf32, #tpu.memory_space<vmem>>, vector<1x16xf32>,
      %swap3A_774 = vector.shape_cast %swap3A_773 : vector<1x16xf32> to vector<16xf32>
      %swap3A_775 = vector.shape_cast %scan3A_732#4 : vector<16xf32> to vector<1x16xf32>
      tpu.vector_store %arg7[%swap3A_771, %swap3A_772], %swap3A_775 {strides = array<i32>} : memref<8x128xf32, #tpu.memory_space<vmem>>, vector<1x16xf32>,
      %swap3A_776 = arith.constant 7 : i32
      %swap3A_777 = arith.index_cast %swap3A_776 : i32 to index
      %swap3A_778 = arith.constant 80 : index
      %swap3A_779 = tpu.vector_load %arg7[%swap3A_777, %swap3A_778] {strides = array<i32>} : memref<8x128xf32, #tpu.memory_space<vmem>>, vector<1x16xf32>,
      %swap3A_780 = vector.shape_cast %swap3A_779 : vector<1x16xf32> to vector<16xf32>
      %swap3A_781 = vector.shape_cast %scan3A_732#5 : vector<16xf32> to vector<1x16xf32>
      tpu.vector_store %arg7[%swap3A_777, %swap3A_778], %swap3A_781 {strides = array<i32>} : memref<8x128xf32, #tpu.memory_space<vmem>>, vector<1x16xf32>,
      %swap3A_782 = arith.constant 7 : i32
      %swap3A_783 = arith.index_cast %swap3A_782 : i32 to index
      %swap3A_784 = arith.constant 96 : index
      %swap3A_785 = tpu.vector_load %arg7[%swap3A_783, %swap3A_784] {strides = array<i32>} : memref<8x128xf32, #tpu.memory_space<vmem>>, vector<1x16xf32>,
      %swap3A_786 = vector.shape_cast %swap3A_785 : vector<1x16xf32> to vector<16xf32>
      %swap3A_787 = vector.shape_cast %scan3A_732#6 : vector<16xf32> to vector<1x16xf32>
      tpu.vector_store %arg7[%swap3A_783, %swap3A_784], %swap3A_787 {strides = array<i32>} : memref<8x128xf32, #tpu.memory_space<vmem>>, vector<1x16xf32>,
      %swap3A_788 = arith.constant 7 : i32
      %swap3A_789 = arith.index_cast %swap3A_788 : i32 to index
      %swap3A_790 = arith.constant 112 : index
      %swap3A_791 = tpu.vector_load %arg7[%swap3A_789, %swap3A_790] {strides = array<i32>} : memref<8x128xf32, #tpu.memory_space<vmem>>, vector<1x16xf32>,
      %swap3A_792 = vector.shape_cast %swap3A_791 : vector<1x16xf32> to vector<16xf32>
      %swap3A_793 = vector.shape_cast %scan3A_732#7 : vector<16xf32> to vector<1x16xf32>
      tpu.vector_store %arg7[%swap3A_789, %swap3A_790], %swap3A_793 {strides = array<i32>} : memref<8x128xf32, #tpu.memory_space<vmem>>, vector<1x16xf32>,
      "tpu.region"() ({
        %run_scoped3A = tpu.sem_alloc : memref<!tpu.dma_semaphore, #tpu.memory_space<semaphore_mem>>
        %dma_start3A_794 = arith.constant 0 : i32
        %dma_start3A_795 = tpu.memref_slice %arg4[%add3A_29, %dma_start3A_794] : memref<4096x128xf32, #tpu.memory_space<hbm>> -> memref<8x128xf32, #tpu.memory_space<hbm>>
        %dma_start3A_796 = arith.constant 0 : i32
        %dma_start3A_797 = tpu.memref_slice %arg4[%add3A_29, %dma_start3A_796] : memref<4096x128xf32, #tpu.memory_space<hbm>> -> memref<8x128xf32, #tpu.memory_space<hbm>>
        tpu.enqueue_dma source(%arg7 : memref<8x128xf32, #tpu.memory_space<vmem>>) target(%dma_start3A_797 : memref<8x128xf32, #tpu.memory_space<hbm>>) target_semaphore(%run_scoped3A : memref<!tpu.dma_semaphore, #tpu.memory_space<semaphore_mem>>)
        %dma_wait3A_798 = arith.constant 0 : i32
        %dma_wait3A_799 = tpu.memref_slice %arg4[%add3A_29, %dma_wait3A_798] : memref<4096x128xf32, #tpu.memory_space<hbm>> -> memref<8x128xf32, #tpu.memory_space<hbm>>
        %dma_wait3A_800 = arith.constant 0 : i32
        %dma_wait3A_801 = tpu.memref_slice %arg4[%add3A_29, %dma_wait3A_800] : memref<4096x128xf32, #tpu.memory_space<hbm>> -> memref<8x128xf32, #tpu.memory_space<hbm>>
        tpu.wait_dma2 semaphore(%run_scoped3A : memref<!tpu.dma_semaphore, #tpu.memory_space<semaphore_mem>>) src(%arg7 : memref<8x128xf32, #tpu.memory_space<vmem>>) dst(%dma_wait3A_801 : memref<8x128xf32, #tpu.memory_space<hbm>>)
        tpu.yield
      }) : () -> ()
    }
    %scan3A_25 = arith.constant 16 : i32
    return
  }
}

#map = affine_map<(d0, d1) -> (0, 0)>
#map1 = affine_map<(d0, d1) -> (0)>
module attributes {stable_mosaic.version = 14 : i64} {
  func.func @sc_pool(%arg0: i32, %arg1: i32, %arg2: memref<4096x128xf32, #tpu.memory_space<hbm>>, %arg3: memref<65536xi32, #tpu.memory_space<hbm>>, %arg4: memref<4096x128xf32, #tpu.memory_space<hbm>>, %arg5: memref<128xi32, #tpu.memory_space<vmem>>, %arg6: memref<128x128xf32, #tpu.memory_space<vmem>>, %arg7: memref<8x128xf32, #tpu.memory_space<vmem>>, %arg8: memref<!tpu.dma_semaphore, #tpu.memory_space<semaphore_mem>>) attributes {dimension_semantics = [#tpu.dimension_semantics<core_parallel>, #tpu.dimension_semantics<subcore_parallel>], iteration_bounds = array<i64: 2, 16>, scalar_prefetch = 0 : i64, scratch_operands = 4 : i64, tpu.core_type = #tpu.core_type<sc_vector_subcore>, window_params = [{transform_indices = #map}, {transform_indices = #map1}, {transform_indices = #map}]} {
    %mul3A = arith.constant 2 : i32
    %mul3A_0 = arith.muli %arg1, %mul3A : i32
    %add3A = arith.addi %mul3A_0, %arg0 : i32
    %mul3A_1 = arith.constant 128 : i32
    %mul3A_2 = arith.muli %add3A, %mul3A_1 : i32
    %jit3A = arith.constant 4096 : i32
    %div3A = arith.divsi %mul3A_2, %jit3A : i32
    %sign3A = arith.constant 0 : i32
    %sign3A_3 = arith.cmpi sgt, %mul3A_2, %sign3A : i32
    %sign3A_4 = arith.extui %sign3A_3 : i1 to i32
    %sign3A_5 = arith.constant 0 : i32
    %sign3A_6 = arith.cmpi slt, %mul3A_2, %sign3A_5 : i32
    %sign3A_7 = arith.extui %sign3A_6 : i1 to i32
    %sign3A_8 = arith.subi %sign3A_4, %sign3A_7 : i32
    %sign3A_9 = arith.constant 0 : i32
    %sign3A_10 = arith.cmpi sgt, %jit3A, %sign3A_9 : i32
    %sign3A_11 = arith.extui %sign3A_10 : i1 to i32
    %sign3A_12 = arith.constant 0 : i32
    %sign3A_13 = arith.cmpi slt, %jit3A, %sign3A_12 : i32
    %sign3A_14 = arith.extui %sign3A_13 : i1 to i32
    %sign3A_15 = arith.subi %sign3A_11, %sign3A_14 : i32
    %ne3A = arith.cmpi ne, %sign3A_8, %sign3A_15 : i32
    %rem3A = arith.remsi %mul3A_2, %jit3A : i32
    %ne3A_16 = arith.constant 0 : i32
    %ne3A_17 = arith.cmpi ne, %rem3A, %ne3A_16 : i32
    %and3A = arith.andi %ne3A, %ne3A_17 : i1
    %sub3A = arith.constant 1 : i32
    %sub3A_18 = arith.subi %div3A, %sub3A : i32
    %select_n3A = arith.select %and3A, %sub3A_18, %div3A : i32
    %mul3A_19 = arith.constant 4096 : i32
    %mul3A_20 = arith.muli %select_n3A, %mul3A_19 : i32
    %scan3A = arith.constant 0 : i32
    %scan3A_21 = arith.constant 0 : i32
    %scan3A_22 = arith.constant 16 : i32
    %scan3A_23 = arith.addi %scan3A_21, %scan3A_22 : i32
    %scan3A_24 = arith.constant 1 : i32
    scf.for %scan3A_26 = %scan3A_21 to %scan3A_23 step %scan3A_24  : i32 {
      %mul3A_27 = arith.constant 8 : i32
      %mul3A_28 = arith.muli %scan3A_26, %mul3A_27 : i32
      %add3A_29 = arith.addi %mul3A_2, %mul3A_28 : i32
      %mul3A_30 = arith.constant 16 : i32
      %mul3A_31 = arith.muli %add3A_29, %mul3A_30 : i32
      "tpu.region"() ({
        %run_scoped3A = tpu.sem_alloc : memref<!tpu.dma_semaphore, #tpu.memory_space<semaphore_mem>>
        %dma_start3A_794 = tpu.memref_slice %arg3[%mul3A_31] : memref<65536xi32, #tpu.memory_space<hbm>> -> memref<128xi32, #tpu.memory_space<hbm>>
        %dma_start3A_795 = tpu.memref_slice %arg3[%mul3A_31] : memref<65536xi32, #tpu.memory_space<hbm>> -> memref<128xi32, #tpu.memory_space<hbm>>
        tpu.enqueue_dma source(%dma_start3A_795 : memref<128xi32, #tpu.memory_space<hbm>>) target(%arg5 : memref<128xi32, #tpu.memory_space<vmem>>) target_semaphore(%run_scoped3A : memref<!tpu.dma_semaphore, #tpu.memory_space<semaphore_mem>>)
        %dma_wait3A_796 = tpu.memref_slice %arg3[%mul3A_31] : memref<65536xi32, #tpu.memory_space<hbm>> -> memref<128xi32, #tpu.memory_space<hbm>>
        %dma_wait3A_797 = tpu.memref_slice %arg3[%mul3A_31] : memref<65536xi32, #tpu.memory_space<hbm>> -> memref<128xi32, #tpu.memory_space<hbm>>
        tpu.wait_dma2 semaphore(%run_scoped3A : memref<!tpu.dma_semaphore, #tpu.memory_space<semaphore_mem>>) src(%dma_wait3A_797 : memref<128xi32, #tpu.memory_space<hbm>>) dst(%arg5 : memref<128xi32, #tpu.memory_space<vmem>>)
        tpu.yield
      }) : () -> ()
      %get3A = arith.constant 0 : index
      %get3A_32 = tpu.vector_load %arg5[%get3A] {strides = array<i32>} : memref<128xi32, #tpu.memory_space<vmem>>, vector<16xi32>,
      %get3A_33 = vector.shape_cast %get3A_32 : vector<16xi32> to vector<16xi32>
      %add3A_34 = vector.broadcast %mul3A_20 : i32 to vector<16xi32>
      %add3A_35 = arith.addi %get3A_33, %add3A_34 : vector<16xi32>
      %swap3A = arith.constant 0 : index
      %swap3A_36 = tpu.vector_load %arg5[%swap3A] {strides = array<i32>} : memref<128xi32, #tpu.memory_space<vmem>>, vector<16xi32>,
      %swap3A_37 = vector.shape_cast %swap3A_36 : vector<16xi32> to vector<16xi32>
      %swap3A_38 = vector.shape_cast %add3A_35 : vector<16xi32> to vector<16xi32>
      tpu.vector_store %arg5[%swap3A], %swap3A_38 {strides = array<i32>} : memref<128xi32, #tpu.memory_space<vmem>>, vector<16xi32>,
      %get3A_39 = arith.constant 16 : index
      %get3A_40 = tpu.vector_load %arg5[%get3A_39] {strides = array<i32>} : memref<128xi32, #tpu.memory_space<vmem>>, vector<16xi32>,
      %get3A_41 = vector.shape_cast %get3A_40 : vector<16xi32> to vector<16xi32>
      %add3A_42 = vector.broadcast %mul3A_20 : i32 to vector<16xi32>
      %add3A_43 = arith.addi %get3A_41, %add3A_42 : vector<16xi32>
      %swap3A_44 = arith.constant 16 : index
      %swap3A_45 = tpu.vector_load %arg5[%swap3A_44] {strides = array<i32>} : memref<128xi32, #tpu.memory_space<vmem>>, vector<16xi32>,
      %swap3A_46 = vector.shape_cast %swap3A_45 : vector<16xi32> to vector<16xi32>
      %swap3A_47 = vector.shape_cast %add3A_43 : vector<16xi32> to vector<16xi32>
      tpu.vector_store %arg5[%swap3A_44], %swap3A_47 {strides = array<i32>} : memref<128xi32, #tpu.memory_space<vmem>>, vector<16xi32>,
      %get3A_48 = arith.constant 32 : index
      %get3A_49 = tpu.vector_load %arg5[%get3A_48] {strides = array<i32>} : memref<128xi32, #tpu.memory_space<vmem>>, vector<16xi32>,
      %get3A_50 = vector.shape_cast %get3A_49 : vector<16xi32> to vector<16xi32>
      %add3A_51 = vector.broadcast %mul3A_20 : i32 to vector<16xi32>
      %add3A_52 = arith.addi %get3A_50, %add3A_51 : vector<16xi32>
      %swap3A_53 = arith.constant 32 : index
      %swap3A_54 = tpu.vector_load %arg5[%swap3A_53] {strides = array<i32>} : memref<128xi32, #tpu.memory_space<vmem>>, vector<16xi32>,
      %swap3A_55 = vector.shape_cast %swap3A_54 : vector<16xi32> to vector<16xi32>
      %swap3A_56 = vector.shape_cast %add3A_52 : vector<16xi32> to vector<16xi32>
      tpu.vector_store %arg5[%swap3A_53], %swap3A_56 {strides = array<i32>} : memref<128xi32, #tpu.memory_space<vmem>>, vector<16xi32>,
      %get3A_57 = arith.constant 48 : index
      %get3A_58 = tpu.vector_load %arg5[%get3A_57] {strides = array<i32>} : memref<128xi32, #tpu.memory_space<vmem>>, vector<16xi32>,
      %get3A_59 = vector.shape_cast %get3A_58 : vector<16xi32> to vector<16xi32>
      %add3A_60 = vector.broadcast %mul3A_20 : i32 to vector<16xi32>
      %add3A_61 = arith.addi %get3A_59, %add3A_60 : vector<16xi32>
      %swap3A_62 = arith.constant 48 : index
      %swap3A_63 = tpu.vector_load %arg5[%swap3A_62] {strides = array<i32>} : memref<128xi32, #tpu.memory_space<vmem>>, vector<16xi32>,
      %swap3A_64 = vector.shape_cast %swap3A_63 : vector<16xi32> to vector<16xi32>
      %swap3A_65 = vector.shape_cast %add3A_61 : vector<16xi32> to vector<16xi32>
      tpu.vector_store %arg5[%swap3A_62], %swap3A_65 {strides = array<i32>} : memref<128xi32, #tpu.memory_space<vmem>>, vector<16xi32>,
      %get3A_66 = arith.constant 64 : index
      %get3A_67 = tpu.vector_load %arg5[%get3A_66] {strides = array<i32>} : memref<128xi32, #tpu.memory_space<vmem>>, vector<16xi32>,
      %get3A_68 = vector.shape_cast %get3A_67 : vector<16xi32> to vector<16xi32>
      %add3A_69 = vector.broadcast %mul3A_20 : i32 to vector<16xi32>
      %add3A_70 = arith.addi %get3A_68, %add3A_69 : vector<16xi32>
      %swap3A_71 = arith.constant 64 : index
      %swap3A_72 = tpu.vector_load %arg5[%swap3A_71] {strides = array<i32>} : memref<128xi32, #tpu.memory_space<vmem>>, vector<16xi32>,
      %swap3A_73 = vector.shape_cast %swap3A_72 : vector<16xi32> to vector<16xi32>
      %swap3A_74 = vector.shape_cast %add3A_70 : vector<16xi32> to vector<16xi32>
      tpu.vector_store %arg5[%swap3A_71], %swap3A_74 {strides = array<i32>} : memref<128xi32, #tpu.memory_space<vmem>>, vector<16xi32>,
      %get3A_75 = arith.constant 80 : index
      %get3A_76 = tpu.vector_load %arg5[%get3A_75] {strides = array<i32>} : memref<128xi32, #tpu.memory_space<vmem>>, vector<16xi32>,
      %get3A_77 = vector.shape_cast %get3A_76 : vector<16xi32> to vector<16xi32>
      %add3A_78 = vector.broadcast %mul3A_20 : i32 to vector<16xi32>
      %add3A_79 = arith.addi %get3A_77, %add3A_78 : vector<16xi32>
      %swap3A_80 = arith.constant 80 : index
      %swap3A_81 = tpu.vector_load %arg5[%swap3A_80] {strides = array<i32>} : memref<128xi32, #tpu.memory_space<vmem>>, vector<16xi32>,
      %swap3A_82 = vector.shape_cast %swap3A_81 : vector<16xi32> to vector<16xi32>
      %swap3A_83 = vector.shape_cast %add3A_79 : vector<16xi32> to vector<16xi32>
      tpu.vector_store %arg5[%swap3A_80], %swap3A_83 {strides = array<i32>} : memref<128xi32, #tpu.memory_space<vmem>>, vector<16xi32>,
      %get3A_84 = arith.constant 96 : index
      %get3A_85 = tpu.vector_load %arg5[%get3A_84] {strides = array<i32>} : memref<128xi32, #tpu.memory_space<vmem>>, vector<16xi32>,
      %get3A_86 = vector.shape_cast %get3A_85 : vector<16xi32> to vector<16xi32>
      %add3A_87 = vector.broadcast %mul3A_20 : i32 to vector<16xi32>
      %add3A_88 = arith.addi %get3A_86, %add3A_87 : vector<16xi32>
      %swap3A_89 = arith.constant 96 : index
      %swap3A_90 = tpu.vector_load %arg5[%swap3A_89] {strides = array<i32>} : memref<128xi32, #tpu.memory_space<vmem>>, vector<16xi32>,
      %swap3A_91 = vector.shape_cast %swap3A_90 : vector<16xi32> to vector<16xi32>
      %swap3A_92 = vector.shape_cast %add3A_88 : vector<16xi32> to vector<16xi32>
      tpu.vector_store %arg5[%swap3A_89], %swap3A_92 {strides = array<i32>} : memref<128xi32, #tpu.memory_space<vmem>>, vector<16xi32>,
      %get3A_93 = arith.constant 112 : index
      %get3A_94 = tpu.vector_load %arg5[%get3A_93] {strides = array<i32>} : memref<128xi32, #tpu.memory_space<vmem>>, vector<16xi32>,
      %get3A_95 = vector.shape_cast %get3A_94 : vector<16xi32> to vector<16xi32>
      %add3A_96 = vector.broadcast %mul3A_20 : i32 to vector<16xi32>
      %add3A_97 = arith.addi %get3A_95, %add3A_96 : vector<16xi32>
      %swap3A_98 = arith.constant 112 : index
      %swap3A_99 = tpu.vector_load %arg5[%swap3A_98] {strides = array<i32>} : memref<128xi32, #tpu.memory_space<vmem>>, vector<16xi32>,
      %swap3A_100 = vector.shape_cast %swap3A_99 : vector<16xi32> to vector<16xi32>
      %swap3A_101 = vector.shape_cast %add3A_97 : vector<16xi32> to vector<16xi32>
      tpu.vector_store %arg5[%swap3A_98], %swap3A_101 {strides = array<i32>} : memref<128xi32, #tpu.memory_space<vmem>>, vector<16xi32>,
      %dma_start3A = arith.constant 0 : i32
      %dma_start3A_102 = arith.constant 0 : i32
      %dma_start3A_103 = tpu.memref_slice %arg2[%dma_start3A, %dma_start3A_102] : memref<4096x128xf32, #tpu.memory_space<hbm>> -> memref<4096x128xf32, #tpu.memory_space<hbm>>
      tpu.enqueue_indirect_dma source(%dma_start3A_103 : memref<4096x128xf32, #tpu.memory_space<hbm>>) target(%arg6 : memref<128x128xf32, #tpu.memory_space<vmem>>) offsets(%arg5 : memref<128xi32, #tpu.memory_space<vmem>>) semaphore(%arg8 : memref<!tpu.dma_semaphore, #tpu.memory_space<semaphore_mem>>)
      %dma_wait3A = arith.constant 0 : i32
      %dma_wait3A_104 = arith.constant 0 : i32
      %dma_wait3A_105 = tpu.memref_slice %arg2[%dma_wait3A, %dma_wait3A_104] : memref<4096x128xf32, #tpu.memory_space<hbm>> -> memref<4096x128xf32, #tpu.memory_space<hbm>>
      tpu.wait_indirect_dma semaphore(%arg8 : memref<!tpu.dma_semaphore, #tpu.memory_space<semaphore_mem>>) src(%dma_wait3A_105 : memref<4096x128xf32, #tpu.memory_space<hbm>>) dst(%arg6 : memref<128x128xf32, #tpu.memory_space<vmem>>)
      %get3A_106 = arith.constant 0 : i32
      %get3A_107 = arith.index_cast %get3A_106 : i32 to index
      %get3A_108 = arith.constant 0 : index
      %get3A_109 = tpu.vector_load %arg6[%get3A_107, %get3A_108] {strides = array<i32>} : memref<128x128xf32, #tpu.memory_space<vmem>>, vector<1x16xf32>,
      %get3A_110 = vector.shape_cast %get3A_109 : vector<1x16xf32> to vector<16xf32>
      %get3A_111 = arith.constant 0 : i32
      %get3A_112 = arith.index_cast %get3A_111 : i32 to index
      %get3A_113 = arith.constant 16 : index
      %get3A_114 = tpu.vector_load %arg6[%get3A_112, %get3A_113] {strides = array<i32>} : memref<128x128xf32, #tpu.memory_space<vmem>>, vector<1x16xf32>,
      %get3A_115 = vector.shape_cast %get3A_114 : vector<1x16xf32> to vector<16xf32>
      %get3A_116 = arith.constant 0 : i32
      %get3A_117 = arith.index_cast %get3A_116 : i32 to index
      %get3A_118 = arith.constant 32 : index
      %get3A_119 = tpu.vector_load %arg6[%get3A_117, %get3A_118] {strides = array<i32>} : memref<128x128xf32, #tpu.memory_space<vmem>>, vector<1x16xf32>,
      %get3A_120 = vector.shape_cast %get3A_119 : vector<1x16xf32> to vector<16xf32>
      %get3A_121 = arith.constant 0 : i32
      %get3A_122 = arith.index_cast %get3A_121 : i32 to index
      %get3A_123 = arith.constant 48 : index
      %get3A_124 = tpu.vector_load %arg6[%get3A_122, %get3A_123] {strides = array<i32>} : memref<128x128xf32, #tpu.memory_space<vmem>>, vector<1x16xf32>,
      %get3A_125 = vector.shape_cast %get3A_124 : vector<1x16xf32> to vector<16xf32>
      %scan3A_126 = arith.constant 1 : i32
      %scan3A_127 = arith.constant 15 : i32
      %scan3A_128 = arith.addi %scan3A_126, %scan3A_127 : i32
      %scan3A_129 = arith.constant 1 : i32
      %scan3A_130:8 = scf.for %scan3A_794 = %scan3A_126 to %scan3A_128 step %scan3A_129 iter_args(%scan3A_795 = %get3A_110, %scan3A_796 = %get3A_115, %scan3A_797 = %get3A_120, %scan3A_798 = %get3A_125, %scan3A_799 = %get3A_110, %scan3A_800 = %get3A_115, %scan3A_801 = %get3A_120, %scan3A_802 = %get3A_125) -> (vector<16xf32>, vector<16xf32>, vector<16xf32>, vector<16xf32>, vector<16xf32>, vector<16xf32>, vector<16xf32>, vector<16xf32>)  : i32 {
        %add3A_803 = arith.constant 0 : i32
        %add3A_804 = arith.addi %add3A_803, %scan3A_794 : i32
        %get3A_805 = arith.index_cast %add3A_804 : i32 to index
        %get3A_806 = arith.constant 0 : index
        %get3A_807 = tpu.vector_load %arg6[%get3A_805, %get3A_806] {strides = array<i32>} : memref<128x128xf32, #tpu.memory_space<vmem>>, vector<1x16xf32>,
        %get3A_808 = vector.shape_cast %get3A_807 : vector<1x16xf32> to vector<16xf32>
        %get3A_809 = arith.index_cast %add3A_804 : i32 to index
        %get3A_810 = arith.constant 16 : index
        %get3A_811 = tpu.vector_load %arg6[%get3A_809, %get3A_810] {strides = array<i32>} : memref<128x128xf32, #tpu.memory_space<vmem>>, vector<1x16xf32>,
        %get3A_812 = vector.shape_cast %get3A_811 : vector<1x16xf32> to vector<16xf32>
        %get3A_813 = arith.index_cast %add3A_804 : i32 to index
        %get3A_814 = arith.constant 32 : index
        %get3A_815 = tpu.vector_load %arg6[%get3A_813, %get3A_814] {strides = array<i32>} : memref<128x128xf32, #tpu.memory_space<vmem>>, vector<1x16xf32>,
        %get3A_816 = vector.shape_cast %get3A_815 : vector<1x16xf32> to vector<16xf32>
        %get3A_817 = arith.index_cast %add3A_804 : i32 to index
        %get3A_818 = arith.constant 48 : index
        %get3A_819 = tpu.vector_load %arg6[%get3A_817, %get3A_818] {strides = array<i32>} : memref<128x128xf32, #tpu.memory_space<vmem>>, vector<1x16xf32>,
        %get3A_820 = vector.shape_cast %get3A_819 : vector<1x16xf32> to vector<16xf32>
        %add3A_821 = arith.addf %scan3A_795, %get3A_808 : vector<16xf32>
        %add3A_822 = arith.addf %scan3A_796, %get3A_812 : vector<16xf32>
        %add3A_823 = arith.addf %scan3A_797, %get3A_816 : vector<16xf32>
        %add3A_824 = arith.addf %scan3A_798, %get3A_820 : vector<16xf32>
        %max3A = arith.maximumf %scan3A_799, %get3A_808 : vector<16xf32>
        %max3A_825 = arith.maximumf %scan3A_800, %get3A_812 : vector<16xf32>
        %max3A_826 = arith.maximumf %scan3A_801, %get3A_816 : vector<16xf32>
        %max3A_827 = arith.maximumf %scan3A_802, %get3A_820 : vector<16xf32>
        scf.yield %add3A_821, %add3A_822, %add3A_823, %add3A_824, %max3A, %max3A_825, %max3A_826, %max3A_827 : vector<16xf32>, vector<16xf32>, vector<16xf32>, vector<16xf32>, vector<16xf32>, vector<16xf32>, vector<16xf32>, vector<16xf32>
      }
      %scan3A_131 = arith.constant 15 : i32
      %mul3A_132 = arith.constant 6.250000e-02 : f32
      %mul3A_133 = vector.broadcast %mul3A_132 : f32 to vector<16xf32>
      %mul3A_134 = arith.mulf %scan3A_130#0, %mul3A_133 : vector<16xf32>
      %swap3A_135 = arith.constant 0 : i32
      %swap3A_136 = arith.index_cast %swap3A_135 : i32 to index
      %swap3A_137 = arith.constant 0 : index
      %swap3A_138 = tpu.vector_load %arg7[%swap3A_136, %swap3A_137] {strides = array<i32>} : memref<8x128xf32, #tpu.memory_space<vmem>>, vector<1x16xf32>,
      %swap3A_139 = vector.shape_cast %swap3A_138 : vector<1x16xf32> to vector<16xf32>
      %swap3A_140 = vector.shape_cast %mul3A_134 : vector<16xf32> to vector<1x16xf32>
      tpu.vector_store %arg7[%swap3A_136, %swap3A_137], %swap3A_140 {strides = array<i32>} : memref<8x128xf32, #tpu.memory_space<vmem>>, vector<1x16xf32>,
      %mul3A_141 = arith.constant 6.250000e-02 : f32
      %mul3A_142 = vector.broadcast %mul3A_141 : f32 to vector<16xf32>
      %mul3A_143 = arith.mulf %scan3A_130#1, %mul3A_142 : vector<16xf32>
      %swap3A_144 = arith.constant 0 : i32
      %swap3A_145 = arith.index_cast %swap3A_144 : i32 to index
      %swap3A_146 = arith.constant 16 : index
      %swap3A_147 = tpu.vector_load %arg7[%swap3A_145, %swap3A_146] {strides = array<i32>} : memref<8x128xf32, #tpu.memory_space<vmem>>, vector<1x16xf32>,
      %swap3A_148 = vector.shape_cast %swap3A_147 : vector<1x16xf32> to vector<16xf32>
      %swap3A_149 = vector.shape_cast %mul3A_143 : vector<16xf32> to vector<1x16xf32>
      tpu.vector_store %arg7[%swap3A_145, %swap3A_146], %swap3A_149 {strides = array<i32>} : memref<8x128xf32, #tpu.memory_space<vmem>>, vector<1x16xf32>,
      %mul3A_150 = arith.constant 6.250000e-02 : f32
      %mul3A_151 = vector.broadcast %mul3A_150 : f32 to vector<16xf32>
      %mul3A_152 = arith.mulf %scan3A_130#2, %mul3A_151 : vector<16xf32>
      %swap3A_153 = arith.constant 0 : i32
      %swap3A_154 = arith.index_cast %swap3A_153 : i32 to index
      %swap3A_155 = arith.constant 32 : index
      %swap3A_156 = tpu.vector_load %arg7[%swap3A_154, %swap3A_155] {strides = array<i32>} : memref<8x128xf32, #tpu.memory_space<vmem>>, vector<1x16xf32>,
      %swap3A_157 = vector.shape_cast %swap3A_156 : vector<1x16xf32> to vector<16xf32>
      %swap3A_158 = vector.shape_cast %mul3A_152 : vector<16xf32> to vector<1x16xf32>
      tpu.vector_store %arg7[%swap3A_154, %swap3A_155], %swap3A_158 {strides = array<i32>} : memref<8x128xf32, #tpu.memory_space<vmem>>, vector<1x16xf32>,
      %mul3A_159 = arith.constant 6.250000e-02 : f32
      %mul3A_160 = vector.broadcast %mul3A_159 : f32 to vector<16xf32>
      %mul3A_161 = arith.mulf %scan3A_130#3, %mul3A_160 : vector<16xf32>
      %swap3A_162 = arith.constant 0 : i32
      %swap3A_163 = arith.index_cast %swap3A_162 : i32 to index
      %swap3A_164 = arith.constant 48 : index
      %swap3A_165 = tpu.vector_load %arg7[%swap3A_163, %swap3A_164] {strides = array<i32>} : memref<8x128xf32, #tpu.memory_space<vmem>>, vector<1x16xf32>,
      %swap3A_166 = vector.shape_cast %swap3A_165 : vector<1x16xf32> to vector<16xf32>
      %swap3A_167 = vector.shape_cast %mul3A_161 : vector<16xf32> to vector<1x16xf32>
      tpu.vector_store %arg7[%swap3A_163, %swap3A_164], %swap3A_167 {strides = array<i32>} : memref<8x128xf32, #tpu.memory_space<vmem>>, vector<1x16xf32>,
      %swap3A_168 = arith.constant 0 : i32
      %swap3A_169 = arith.index_cast %swap3A_168 : i32 to index
      %swap3A_170 = arith.constant 64 : index
      %swap3A_171 = tpu.vector_load %arg7[%swap3A_169, %swap3A_170] {strides = array<i32>} : memref<8x128xf32, #tpu.memory_space<vmem>>, vector<1x16xf32>,
      %swap3A_172 = vector.shape_cast %swap3A_171 : vector<1x16xf32> to vector<16xf32>
      %swap3A_173 = vector.shape_cast %scan3A_130#4 : vector<16xf32> to vector<1x16xf32>
      tpu.vector_store %arg7[%swap3A_169, %swap3A_170], %swap3A_173 {strides = array<i32>} : memref<8x128xf32, #tpu.memory_space<vmem>>, vector<1x16xf32>,
      %swap3A_174 = arith.constant 0 : i32
      %swap3A_175 = arith.index_cast %swap3A_174 : i32 to index
      %swap3A_176 = arith.constant 80 : index
      %swap3A_177 = tpu.vector_load %arg7[%swap3A_175, %swap3A_176] {strides = array<i32>} : memref<8x128xf32, #tpu.memory_space<vmem>>, vector<1x16xf32>,
      %swap3A_178 = vector.shape_cast %swap3A_177 : vector<1x16xf32> to vector<16xf32>
      %swap3A_179 = vector.shape_cast %scan3A_130#5 : vector<16xf32> to vector<1x16xf32>
      tpu.vector_store %arg7[%swap3A_175, %swap3A_176], %swap3A_179 {strides = array<i32>} : memref<8x128xf32, #tpu.memory_space<vmem>>, vector<1x16xf32>,
      %swap3A_180 = arith.constant 0 : i32
      %swap3A_181 = arith.index_cast %swap3A_180 : i32 to index
      %swap3A_182 = arith.constant 96 : index
      %swap3A_183 = tpu.vector_load %arg7[%swap3A_181, %swap3A_182] {strides = array<i32>} : memref<8x128xf32, #tpu.memory_space<vmem>>, vector<1x16xf32>,
      %swap3A_184 = vector.shape_cast %swap3A_183 : vector<1x16xf32> to vector<16xf32>
      %swap3A_185 = vector.shape_cast %scan3A_130#6 : vector<16xf32> to vector<1x16xf32>
      tpu.vector_store %arg7[%swap3A_181, %swap3A_182], %swap3A_185 {strides = array<i32>} : memref<8x128xf32, #tpu.memory_space<vmem>>, vector<1x16xf32>,
      %swap3A_186 = arith.constant 0 : i32
      %swap3A_187 = arith.index_cast %swap3A_186 : i32 to index
      %swap3A_188 = arith.constant 112 : index
      %swap3A_189 = tpu.vector_load %arg7[%swap3A_187, %swap3A_188] {strides = array<i32>} : memref<8x128xf32, #tpu.memory_space<vmem>>, vector<1x16xf32>,
      %swap3A_190 = vector.shape_cast %swap3A_189 : vector<1x16xf32> to vector<16xf32>
      %swap3A_191 = vector.shape_cast %scan3A_130#7 : vector<16xf32> to vector<1x16xf32>
      tpu.vector_store %arg7[%swap3A_187, %swap3A_188], %swap3A_191 {strides = array<i32>} : memref<8x128xf32, #tpu.memory_space<vmem>>, vector<1x16xf32>,
      %get3A_192 = arith.constant 16 : i32
      %get3A_193 = arith.index_cast %get3A_192 : i32 to index
      %get3A_194 = arith.constant 0 : index
      %get3A_195 = tpu.vector_load %arg6[%get3A_193, %get3A_194] {strides = array<i32>} : memref<128x128xf32, #tpu.memory_space<vmem>>, vector<1x16xf32>,
      %get3A_196 = vector.shape_cast %get3A_195 : vector<1x16xf32> to vector<16xf32>
      %get3A_197 = arith.constant 16 : i32
      %get3A_198 = arith.index_cast %get3A_197 : i32 to index
      %get3A_199 = arith.constant 16 : index
      %get3A_200 = tpu.vector_load %arg6[%get3A_198, %get3A_199] {strides = array<i32>} : memref<128x128xf32, #tpu.memory_space<vmem>>, vector<1x16xf32>,
      %get3A_201 = vector.shape_cast %get3A_200 : vector<1x16xf32> to vector<16xf32>
      %get3A_202 = arith.constant 16 : i32
      %get3A_203 = arith.index_cast %get3A_202 : i32 to index
      %get3A_204 = arith.constant 32 : index
      %get3A_205 = tpu.vector_load %arg6[%get3A_203, %get3A_204] {strides = array<i32>} : memref<128x128xf32, #tpu.memory_space<vmem>>, vector<1x16xf32>,
      %get3A_206 = vector.shape_cast %get3A_205 : vector<1x16xf32> to vector<16xf32>
      %get3A_207 = arith.constant 16 : i32
      %get3A_208 = arith.index_cast %get3A_207 : i32 to index
      %get3A_209 = arith.constant 48 : index
      %get3A_210 = tpu.vector_load %arg6[%get3A_208, %get3A_209] {strides = array<i32>} : memref<128x128xf32, #tpu.memory_space<vmem>>, vector<1x16xf32>,
      %get3A_211 = vector.shape_cast %get3A_210 : vector<1x16xf32> to vector<16xf32>
      %scan3A_212 = arith.constant 1 : i32
      %scan3A_213 = arith.constant 15 : i32
      %scan3A_214 = arith.addi %scan3A_212, %scan3A_213 : i32
      %scan3A_215 = arith.constant 1 : i32
      %scan3A_216:8 = scf.for %scan3A_794 = %scan3A_212 to %scan3A_214 step %scan3A_215 iter_args(%scan3A_795 = %get3A_196, %scan3A_796 = %get3A_201, %scan3A_797 = %get3A_206, %scan3A_798 = %get3A_211, %scan3A_799 = %get3A_196, %scan3A_800 = %get3A_201, %scan3A_801 = %get3A_206, %scan3A_802 = %get3A_211) -> (vector<16xf32>, vector<16xf32>, vector<16xf32>, vector<16xf32>, vector<16xf32>, vector<16xf32>, vector<16xf32>, vector<16xf32>)  : i32 {
        %add3A_803 = arith.constant 16 : i32
        %add3A_804 = arith.addi %add3A_803, %scan3A_794 : i32
        %get3A_805 = arith.index_cast %add3A_804 : i32 to index
        %get3A_806 = arith.constant 0 : index
        %get3A_807 = tpu.vector_load %arg6[%get3A_805, %get3A_806] {strides = array<i32>} : memref<128x128xf32, #tpu.memory_space<vmem>>, vector<1x16xf32>,
        %get3A_808 = vector.shape_cast %get3A_807 : vector<1x16xf32> to vector<16xf32>
        %get3A_809 = arith.index_cast %add3A_804 : i32 to index
        %get3A_810 = arith.constant 16 : index
        %get3A_811 = tpu.vector_load %arg6[%get3A_809, %get3A_810] {strides = array<i32>} : memref<128x128xf32, #tpu.memory_space<vmem>>, vector<1x16xf32>,
        %get3A_812 = vector.shape_cast %get3A_811 : vector<1x16xf32> to vector<16xf32>
        %get3A_813 = arith.index_cast %add3A_804 : i32 to index
        %get3A_814 = arith.constant 32 : index
        %get3A_815 = tpu.vector_load %arg6[%get3A_813, %get3A_814] {strides = array<i32>} : memref<128x128xf32, #tpu.memory_space<vmem>>, vector<1x16xf32>,
        %get3A_816 = vector.shape_cast %get3A_815 : vector<1x16xf32> to vector<16xf32>
        %get3A_817 = arith.index_cast %add3A_804 : i32 to index
        %get3A_818 = arith.constant 48 : index
        %get3A_819 = tpu.vector_load %arg6[%get3A_817, %get3A_818] {strides = array<i32>} : memref<128x128xf32, #tpu.memory_space<vmem>>, vector<1x16xf32>,
        %get3A_820 = vector.shape_cast %get3A_819 : vector<1x16xf32> to vector<16xf32>
        %add3A_821 = arith.addf %scan3A_795, %get3A_808 : vector<16xf32>
        %add3A_822 = arith.addf %scan3A_796, %get3A_812 : vector<16xf32>
        %add3A_823 = arith.addf %scan3A_797, %get3A_816 : vector<16xf32>
        %add3A_824 = arith.addf %scan3A_798, %get3A_820 : vector<16xf32>
        %max3A = arith.maximumf %scan3A_799, %get3A_808 : vector<16xf32>
        %max3A_825 = arith.maximumf %scan3A_800, %get3A_812 : vector<16xf32>
        %max3A_826 = arith.maximumf %scan3A_801, %get3A_816 : vector<16xf32>
        %max3A_827 = arith.maximumf %scan3A_802, %get3A_820 : vector<16xf32>
        scf.yield %add3A_821, %add3A_822, %add3A_823, %add3A_824, %max3A, %max3A_825, %max3A_826, %max3A_827 : vector<16xf32>, vector<16xf32>, vector<16xf32>, vector<16xf32>, vector<16xf32>, vector<16xf32>, vector<16xf32>, vector<16xf32>
      }
      %scan3A_217 = arith.constant 15 : i32
      %mul3A_218 = arith.constant 6.250000e-02 : f32
      %mul3A_219 = vector.broadcast %mul3A_218 : f32 to vector<16xf32>
      %mul3A_220 = arith.mulf %scan3A_216#0, %mul3A_219 : vector<16xf32>
      %swap3A_221 = arith.constant 1 : i32
      %swap3A_222 = arith.index_cast %swap3A_221 : i32 to index
      %swap3A_223 = arith.constant 0 : index
      %swap3A_224 = tpu.vector_load %arg7[%swap3A_222, %swap3A_223] {strides = array<i32>} : memref<8x128xf32, #tpu.memory_space<vmem>>, vector<1x16xf32>,
      %swap3A_225 = vector.shape_cast %swap3A_224 : vector<1x16xf32> to vector<16xf32>
      %swap3A_226 = vector.shape_cast %mul3A_220 : vector<16xf32> to vector<1x16xf32>
      tpu.vector_store %arg7[%swap3A_222, %swap3A_223], %swap3A_226 {strides = array<i32>} : memref<8x128xf32, #tpu.memory_space<vmem>>, vector<1x16xf32>,
      %mul3A_227 = arith.constant 6.250000e-02 : f32
      %mul3A_228 = vector.broadcast %mul3A_227 : f32 to vector<16xf32>
      %mul3A_229 = arith.mulf %scan3A_216#1, %mul3A_228 : vector<16xf32>
      %swap3A_230 = arith.constant 1 : i32
      %swap3A_231 = arith.index_cast %swap3A_230 : i32 to index
      %swap3A_232 = arith.constant 16 : index
      %swap3A_233 = tpu.vector_load %arg7[%swap3A_231, %swap3A_232] {strides = array<i32>} : memref<8x128xf32, #tpu.memory_space<vmem>>, vector<1x16xf32>,
      %swap3A_234 = vector.shape_cast %swap3A_233 : vector<1x16xf32> to vector<16xf32>
      %swap3A_235 = vector.shape_cast %mul3A_229 : vector<16xf32> to vector<1x16xf32>
      tpu.vector_store %arg7[%swap3A_231, %swap3A_232], %swap3A_235 {strides = array<i32>} : memref<8x128xf32, #tpu.memory_space<vmem>>, vector<1x16xf32>,
      %mul3A_236 = arith.constant 6.250000e-02 : f32
      %mul3A_237 = vector.broadcast %mul3A_236 : f32 to vector<16xf32>
      %mul3A_238 = arith.mulf %scan3A_216#2, %mul3A_237 : vector<16xf32>
      %swap3A_239 = arith.constant 1 : i32
      %swap3A_240 = arith.index_cast %swap3A_239 : i32 to index
      %swap3A_241 = arith.constant 32 : index
      %swap3A_242 = tpu.vector_load %arg7[%swap3A_240, %swap3A_241] {strides = array<i32>} : memref<8x128xf32, #tpu.memory_space<vmem>>, vector<1x16xf32>,
      %swap3A_243 = vector.shape_cast %swap3A_242 : vector<1x16xf32> to vector<16xf32>
      %swap3A_244 = vector.shape_cast %mul3A_238 : vector<16xf32> to vector<1x16xf32>
      tpu.vector_store %arg7[%swap3A_240, %swap3A_241], %swap3A_244 {strides = array<i32>} : memref<8x128xf32, #tpu.memory_space<vmem>>, vector<1x16xf32>,
      %mul3A_245 = arith.constant 6.250000e-02 : f32
      %mul3A_246 = vector.broadcast %mul3A_245 : f32 to vector<16xf32>
      %mul3A_247 = arith.mulf %scan3A_216#3, %mul3A_246 : vector<16xf32>
      %swap3A_248 = arith.constant 1 : i32
      %swap3A_249 = arith.index_cast %swap3A_248 : i32 to index
      %swap3A_250 = arith.constant 48 : index
      %swap3A_251 = tpu.vector_load %arg7[%swap3A_249, %swap3A_250] {strides = array<i32>} : memref<8x128xf32, #tpu.memory_space<vmem>>, vector<1x16xf32>,
      %swap3A_252 = vector.shape_cast %swap3A_251 : vector<1x16xf32> to vector<16xf32>
      %swap3A_253 = vector.shape_cast %mul3A_247 : vector<16xf32> to vector<1x16xf32>
      tpu.vector_store %arg7[%swap3A_249, %swap3A_250], %swap3A_253 {strides = array<i32>} : memref<8x128xf32, #tpu.memory_space<vmem>>, vector<1x16xf32>,
      %swap3A_254 = arith.constant 1 : i32
      %swap3A_255 = arith.index_cast %swap3A_254 : i32 to index
      %swap3A_256 = arith.constant 64 : index
      %swap3A_257 = tpu.vector_load %arg7[%swap3A_255, %swap3A_256] {strides = array<i32>} : memref<8x128xf32, #tpu.memory_space<vmem>>, vector<1x16xf32>,
      %swap3A_258 = vector.shape_cast %swap3A_257 : vector<1x16xf32> to vector<16xf32>
      %swap3A_259 = vector.shape_cast %scan3A_216#4 : vector<16xf32> to vector<1x16xf32>
      tpu.vector_store %arg7[%swap3A_255, %swap3A_256], %swap3A_259 {strides = array<i32>} : memref<8x128xf32, #tpu.memory_space<vmem>>, vector<1x16xf32>,
      %swap3A_260 = arith.constant 1 : i32
      %swap3A_261 = arith.index_cast %swap3A_260 : i32 to index
      %swap3A_262 = arith.constant 80 : index
      %swap3A_263 = tpu.vector_load %arg7[%swap3A_261, %swap3A_262] {strides = array<i32>} : memref<8x128xf32, #tpu.memory_space<vmem>>, vector<1x16xf32>,
      %swap3A_264 = vector.shape_cast %swap3A_263 : vector<1x16xf32> to vector<16xf32>
      %swap3A_265 = vector.shape_cast %scan3A_216#5 : vector<16xf32> to vector<1x16xf32>
      tpu.vector_store %arg7[%swap3A_261, %swap3A_262], %swap3A_265 {strides = array<i32>} : memref<8x128xf32, #tpu.memory_space<vmem>>, vector<1x16xf32>,
      %swap3A_266 = arith.constant 1 : i32
      %swap3A_267 = arith.index_cast %swap3A_266 : i32 to index
      %swap3A_268 = arith.constant 96 : index
      %swap3A_269 = tpu.vector_load %arg7[%swap3A_267, %swap3A_268] {strides = array<i32>} : memref<8x128xf32, #tpu.memory_space<vmem>>, vector<1x16xf32>,
      %swap3A_270 = vector.shape_cast %swap3A_269 : vector<1x16xf32> to vector<16xf32>
      %swap3A_271 = vector.shape_cast %scan3A_216#6 : vector<16xf32> to vector<1x16xf32>
      tpu.vector_store %arg7[%swap3A_267, %swap3A_268], %swap3A_271 {strides = array<i32>} : memref<8x128xf32, #tpu.memory_space<vmem>>, vector<1x16xf32>,
      %swap3A_272 = arith.constant 1 : i32
      %swap3A_273 = arith.index_cast %swap3A_272 : i32 to index
      %swap3A_274 = arith.constant 112 : index
      %swap3A_275 = tpu.vector_load %arg7[%swap3A_273, %swap3A_274] {strides = array<i32>} : memref<8x128xf32, #tpu.memory_space<vmem>>, vector<1x16xf32>,
      %swap3A_276 = vector.shape_cast %swap3A_275 : vector<1x16xf32> to vector<16xf32>
      %swap3A_277 = vector.shape_cast %scan3A_216#7 : vector<16xf32> to vector<1x16xf32>
      tpu.vector_store %arg7[%swap3A_273, %swap3A_274], %swap3A_277 {strides = array<i32>} : memref<8x128xf32, #tpu.memory_space<vmem>>, vector<1x16xf32>,
      %get3A_278 = arith.constant 32 : i32
      %get3A_279 = arith.index_cast %get3A_278 : i32 to index
      %get3A_280 = arith.constant 0 : index
      %get3A_281 = tpu.vector_load %arg6[%get3A_279, %get3A_280] {strides = array<i32>} : memref<128x128xf32, #tpu.memory_space<vmem>>, vector<1x16xf32>,
      %get3A_282 = vector.shape_cast %get3A_281 : vector<1x16xf32> to vector<16xf32>
      %get3A_283 = arith.constant 32 : i32
      %get3A_284 = arith.index_cast %get3A_283 : i32 to index
      %get3A_285 = arith.constant 16 : index
      %get3A_286 = tpu.vector_load %arg6[%get3A_284, %get3A_285] {strides = array<i32>} : memref<128x128xf32, #tpu.memory_space<vmem>>, vector<1x16xf32>,
      %get3A_287 = vector.shape_cast %get3A_286 : vector<1x16xf32> to vector<16xf32>
      %get3A_288 = arith.constant 32 : i32
      %get3A_289 = arith.index_cast %get3A_288 : i32 to index
      %get3A_290 = arith.constant 32 : index
      %get3A_291 = tpu.vector_load %arg6[%get3A_289, %get3A_290] {strides = array<i32>} : memref<128x128xf32, #tpu.memory_space<vmem>>, vector<1x16xf32>,
      %get3A_292 = vector.shape_cast %get3A_291 : vector<1x16xf32> to vector<16xf32>
      %get3A_293 = arith.constant 32 : i32
      %get3A_294 = arith.index_cast %get3A_293 : i32 to index
      %get3A_295 = arith.constant 48 : index
      %get3A_296 = tpu.vector_load %arg6[%get3A_294, %get3A_295] {strides = array<i32>} : memref<128x128xf32, #tpu.memory_space<vmem>>, vector<1x16xf32>,
      %get3A_297 = vector.shape_cast %get3A_296 : vector<1x16xf32> to vector<16xf32>
      %scan3A_298 = arith.constant 1 : i32
      %scan3A_299 = arith.constant 15 : i32
      %scan3A_300 = arith.addi %scan3A_298, %scan3A_299 : i32
      %scan3A_301 = arith.constant 1 : i32
      %scan3A_302:8 = scf.for %scan3A_794 = %scan3A_298 to %scan3A_300 step %scan3A_301 iter_args(%scan3A_795 = %get3A_282, %scan3A_796 = %get3A_287, %scan3A_797 = %get3A_292, %scan3A_798 = %get3A_297, %scan3A_799 = %get3A_282, %scan3A_800 = %get3A_287, %scan3A_801 = %get3A_292, %scan3A_802 = %get3A_297) -> (vector<16xf32>, vector<16xf32>, vector<16xf32>, vector<16xf32>, vector<16xf32>, vector<16xf32>, vector<16xf32>, vector<16xf32>)  : i32 {
        %add3A_803 = arith.constant 32 : i32
        %add3A_804 = arith.addi %add3A_803, %scan3A_794 : i32
        %get3A_805 = arith.index_cast %add3A_804 : i32 to index
        %get3A_806 = arith.constant 0 : index
        %get3A_807 = tpu.vector_load %arg6[%get3A_805, %get3A_806] {strides = array<i32>} : memref<128x128xf32, #tpu.memory_space<vmem>>, vector<1x16xf32>,
        %get3A_808 = vector.shape_cast %get3A_807 : vector<1x16xf32> to vector<16xf32>
        %get3A_809 = arith.index_cast %add3A_804 : i32 to index
        %get3A_810 = arith.constant 16 : index
        %get3A_811 = tpu.vector_load %arg6[%get3A_809, %get3A_810] {strides = array<i32>} : memref<128x128xf32, #tpu.memory_space<vmem>>, vector<1x16xf32>,
        %get3A_812 = vector.shape_cast %get3A_811 : vector<1x16xf32> to vector<16xf32>
        %get3A_813 = arith.index_cast %add3A_804 : i32 to index
        %get3A_814 = arith.constant 32 : index
        %get3A_815 = tpu.vector_load %arg6[%get3A_813, %get3A_814] {strides = array<i32>} : memref<128x128xf32, #tpu.memory_space<vmem>>, vector<1x16xf32>,
        %get3A_816 = vector.shape_cast %get3A_815 : vector<1x16xf32> to vector<16xf32>
        %get3A_817 = arith.index_cast %add3A_804 : i32 to index
        %get3A_818 = arith.constant 48 : index
        %get3A_819 = tpu.vector_load %arg6[%get3A_817, %get3A_818] {strides = array<i32>} : memref<128x128xf32, #tpu.memory_space<vmem>>, vector<1x16xf32>,
        %get3A_820 = vector.shape_cast %get3A_819 : vector<1x16xf32> to vector<16xf32>
        %add3A_821 = arith.addf %scan3A_795, %get3A_808 : vector<16xf32>
        %add3A_822 = arith.addf %scan3A_796, %get3A_812 : vector<16xf32>
        %add3A_823 = arith.addf %scan3A_797, %get3A_816 : vector<16xf32>
        %add3A_824 = arith.addf %scan3A_798, %get3A_820 : vector<16xf32>
        %max3A = arith.maximumf %scan3A_799, %get3A_808 : vector<16xf32>
        %max3A_825 = arith.maximumf %scan3A_800, %get3A_812 : vector<16xf32>
        %max3A_826 = arith.maximumf %scan3A_801, %get3A_816 : vector<16xf32>
        %max3A_827 = arith.maximumf %scan3A_802, %get3A_820 : vector<16xf32>
        scf.yield %add3A_821, %add3A_822, %add3A_823, %add3A_824, %max3A, %max3A_825, %max3A_826, %max3A_827 : vector<16xf32>, vector<16xf32>, vector<16xf32>, vector<16xf32>, vector<16xf32>, vector<16xf32>, vector<16xf32>, vector<16xf32>
      }
      %scan3A_303 = arith.constant 15 : i32
      %mul3A_304 = arith.constant 6.250000e-02 : f32
      %mul3A_305 = vector.broadcast %mul3A_304 : f32 to vector<16xf32>
      %mul3A_306 = arith.mulf %scan3A_302#0, %mul3A_305 : vector<16xf32>
      %swap3A_307 = arith.constant 2 : i32
      %swap3A_308 = arith.index_cast %swap3A_307 : i32 to index
      %swap3A_309 = arith.constant 0 : index
      %swap3A_310 = tpu.vector_load %arg7[%swap3A_308, %swap3A_309] {strides = array<i32>} : memref<8x128xf32, #tpu.memory_space<vmem>>, vector<1x16xf32>,
      %swap3A_311 = vector.shape_cast %swap3A_310 : vector<1x16xf32> to vector<16xf32>
      %swap3A_312 = vector.shape_cast %mul3A_306 : vector<16xf32> to vector<1x16xf32>
      tpu.vector_store %arg7[%swap3A_308, %swap3A_309], %swap3A_312 {strides = array<i32>} : memref<8x128xf32, #tpu.memory_space<vmem>>, vector<1x16xf32>,
      %mul3A_313 = arith.constant 6.250000e-02 : f32
      %mul3A_314 = vector.broadcast %mul3A_313 : f32 to vector<16xf32>
      %mul3A_315 = arith.mulf %scan3A_302#1, %mul3A_314 : vector<16xf32>
      %swap3A_316 = arith.constant 2 : i32
      %swap3A_317 = arith.index_cast %swap3A_316 : i32 to index
      %swap3A_318 = arith.constant 16 : index
      %swap3A_319 = tpu.vector_load %arg7[%swap3A_317, %swap3A_318] {strides = array<i32>} : memref<8x128xf32, #tpu.memory_space<vmem>>, vector<1x16xf32>,
      %swap3A_320 = vector.shape_cast %swap3A_319 : vector<1x16xf32> to vector<16xf32>
      %swap3A_321 = vector.shape_cast %mul3A_315 : vector<16xf32> to vector<1x16xf32>
      tpu.vector_store %arg7[%swap3A_317, %swap3A_318], %swap3A_321 {strides = array<i32>} : memref<8x128xf32, #tpu.memory_space<vmem>>, vector<1x16xf32>,
      %mul3A_322 = arith.constant 6.250000e-02 : f32
      %mul3A_323 = vector.broadcast %mul3A_322 : f32 to vector<16xf32>
      %mul3A_324 = arith.mulf %scan3A_302#2, %mul3A_323 : vector<16xf32>
      %swap3A_325 = arith.constant 2 : i32
      %swap3A_326 = arith.index_cast %swap3A_325 : i32 to index
      %swap3A_327 = arith.constant 32 : index
      %swap3A_328 = tpu.vector_load %arg7[%swap3A_326, %swap3A_327] {strides = array<i32>} : memref<8x128xf32, #tpu.memory_space<vmem>>, vector<1x16xf32>,
      %swap3A_329 = vector.shape_cast %swap3A_328 : vector<1x16xf32> to vector<16xf32>
      %swap3A_330 = vector.shape_cast %mul3A_324 : vector<16xf32> to vector<1x16xf32>
      tpu.vector_store %arg7[%swap3A_326, %swap3A_327], %swap3A_330 {strides = array<i32>} : memref<8x128xf32, #tpu.memory_space<vmem>>, vector<1x16xf32>,
      %mul3A_331 = arith.constant 6.250000e-02 : f32
      %mul3A_332 = vector.broadcast %mul3A_331 : f32 to vector<16xf32>
      %mul3A_333 = arith.mulf %scan3A_302#3, %mul3A_332 : vector<16xf32>
      %swap3A_334 = arith.constant 2 : i32
      %swap3A_335 = arith.index_cast %swap3A_334 : i32 to index
      %swap3A_336 = arith.constant 48 : index
      %swap3A_337 = tpu.vector_load %arg7[%swap3A_335, %swap3A_336] {strides = array<i32>} : memref<8x128xf32, #tpu.memory_space<vmem>>, vector<1x16xf32>,
      %swap3A_338 = vector.shape_cast %swap3A_337 : vector<1x16xf32> to vector<16xf32>
      %swap3A_339 = vector.shape_cast %mul3A_333 : vector<16xf32> to vector<1x16xf32>
      tpu.vector_store %arg7[%swap3A_335, %swap3A_336], %swap3A_339 {strides = array<i32>} : memref<8x128xf32, #tpu.memory_space<vmem>>, vector<1x16xf32>,
      %swap3A_340 = arith.constant 2 : i32
      %swap3A_341 = arith.index_cast %swap3A_340 : i32 to index
      %swap3A_342 = arith.constant 64 : index
      %swap3A_343 = tpu.vector_load %arg7[%swap3A_341, %swap3A_342] {strides = array<i32>} : memref<8x128xf32, #tpu.memory_space<vmem>>, vector<1x16xf32>,
      %swap3A_344 = vector.shape_cast %swap3A_343 : vector<1x16xf32> to vector<16xf32>
      %swap3A_345 = vector.shape_cast %scan3A_302#4 : vector<16xf32> to vector<1x16xf32>
      tpu.vector_store %arg7[%swap3A_341, %swap3A_342], %swap3A_345 {strides = array<i32>} : memref<8x128xf32, #tpu.memory_space<vmem>>, vector<1x16xf32>,
      %swap3A_346 = arith.constant 2 : i32
      %swap3A_347 = arith.index_cast %swap3A_346 : i32 to index
      %swap3A_348 = arith.constant 80 : index
      %swap3A_349 = tpu.vector_load %arg7[%swap3A_347, %swap3A_348] {strides = array<i32>} : memref<8x128xf32, #tpu.memory_space<vmem>>, vector<1x16xf32>,
      %swap3A_350 = vector.shape_cast %swap3A_349 : vector<1x16xf32> to vector<16xf32>
      %swap3A_351 = vector.shape_cast %scan3A_302#5 : vector<16xf32> to vector<1x16xf32>
      tpu.vector_store %arg7[%swap3A_347, %swap3A_348], %swap3A_351 {strides = array<i32>} : memref<8x128xf32, #tpu.memory_space<vmem>>, vector<1x16xf32>,
      %swap3A_352 = arith.constant 2 : i32
      %swap3A_353 = arith.index_cast %swap3A_352 : i32 to index
      %swap3A_354 = arith.constant 96 : index
      %swap3A_355 = tpu.vector_load %arg7[%swap3A_353, %swap3A_354] {strides = array<i32>} : memref<8x128xf32, #tpu.memory_space<vmem>>, vector<1x16xf32>,
      %swap3A_356 = vector.shape_cast %swap3A_355 : vector<1x16xf32> to vector<16xf32>
      %swap3A_357 = vector.shape_cast %scan3A_302#6 : vector<16xf32> to vector<1x16xf32>
      tpu.vector_store %arg7[%swap3A_353, %swap3A_354], %swap3A_357 {strides = array<i32>} : memref<8x128xf32, #tpu.memory_space<vmem>>, vector<1x16xf32>,
      %swap3A_358 = arith.constant 2 : i32
      %swap3A_359 = arith.index_cast %swap3A_358 : i32 to index
      %swap3A_360 = arith.constant 112 : index
      %swap3A_361 = tpu.vector_load %arg7[%swap3A_359, %swap3A_360] {strides = array<i32>} : memref<8x128xf32, #tpu.memory_space<vmem>>, vector<1x16xf32>,
      %swap3A_362 = vector.shape_cast %swap3A_361 : vector<1x16xf32> to vector<16xf32>
      %swap3A_363 = vector.shape_cast %scan3A_302#7 : vector<16xf32> to vector<1x16xf32>
      tpu.vector_store %arg7[%swap3A_359, %swap3A_360], %swap3A_363 {strides = array<i32>} : memref<8x128xf32, #tpu.memory_space<vmem>>, vector<1x16xf32>,
      %get3A_364 = arith.constant 48 : i32
      %get3A_365 = arith.index_cast %get3A_364 : i32 to index
      %get3A_366 = arith.constant 0 : index
      %get3A_367 = tpu.vector_load %arg6[%get3A_365, %get3A_366] {strides = array<i32>} : memref<128x128xf32, #tpu.memory_space<vmem>>, vector<1x16xf32>,
      %get3A_368 = vector.shape_cast %get3A_367 : vector<1x16xf32> to vector<16xf32>
      %get3A_369 = arith.constant 48 : i32
      %get3A_370 = arith.index_cast %get3A_369 : i32 to index
      %get3A_371 = arith.constant 16 : index
      %get3A_372 = tpu.vector_load %arg6[%get3A_370, %get3A_371] {strides = array<i32>} : memref<128x128xf32, #tpu.memory_space<vmem>>, vector<1x16xf32>,
      %get3A_373 = vector.shape_cast %get3A_372 : vector<1x16xf32> to vector<16xf32>
      %get3A_374 = arith.constant 48 : i32
      %get3A_375 = arith.index_cast %get3A_374 : i32 to index
      %get3A_376 = arith.constant 32 : index
      %get3A_377 = tpu.vector_load %arg6[%get3A_375, %get3A_376] {strides = array<i32>} : memref<128x128xf32, #tpu.memory_space<vmem>>, vector<1x16xf32>,
      %get3A_378 = vector.shape_cast %get3A_377 : vector<1x16xf32> to vector<16xf32>
      %get3A_379 = arith.constant 48 : i32
      %get3A_380 = arith.index_cast %get3A_379 : i32 to index
      %get3A_381 = arith.constant 48 : index
      %get3A_382 = tpu.vector_load %arg6[%get3A_380, %get3A_381] {strides = array<i32>} : memref<128x128xf32, #tpu.memory_space<vmem>>, vector<1x16xf32>,
      %get3A_383 = vector.shape_cast %get3A_382 : vector<1x16xf32> to vector<16xf32>
      %scan3A_384 = arith.constant 1 : i32
      %scan3A_385 = arith.constant 15 : i32
      %scan3A_386 = arith.addi %scan3A_384, %scan3A_385 : i32
      %scan3A_387 = arith.constant 1 : i32
      %scan3A_388:8 = scf.for %scan3A_794 = %scan3A_384 to %scan3A_386 step %scan3A_387 iter_args(%scan3A_795 = %get3A_368, %scan3A_796 = %get3A_373, %scan3A_797 = %get3A_378, %scan3A_798 = %get3A_383, %scan3A_799 = %get3A_368, %scan3A_800 = %get3A_373, %scan3A_801 = %get3A_378, %scan3A_802 = %get3A_383) -> (vector<16xf32>, vector<16xf32>, vector<16xf32>, vector<16xf32>, vector<16xf32>, vector<16xf32>, vector<16xf32>, vector<16xf32>)  : i32 {
        %add3A_803 = arith.constant 48 : i32
        %add3A_804 = arith.addi %add3A_803, %scan3A_794 : i32
        %get3A_805 = arith.index_cast %add3A_804 : i32 to index
        %get3A_806 = arith.constant 0 : index
        %get3A_807 = tpu.vector_load %arg6[%get3A_805, %get3A_806] {strides = array<i32>} : memref<128x128xf32, #tpu.memory_space<vmem>>, vector<1x16xf32>,
        %get3A_808 = vector.shape_cast %get3A_807 : vector<1x16xf32> to vector<16xf32>
        %get3A_809 = arith.index_cast %add3A_804 : i32 to index
        %get3A_810 = arith.constant 16 : index
        %get3A_811 = tpu.vector_load %arg6[%get3A_809, %get3A_810] {strides = array<i32>} : memref<128x128xf32, #tpu.memory_space<vmem>>, vector<1x16xf32>,
        %get3A_812 = vector.shape_cast %get3A_811 : vector<1x16xf32> to vector<16xf32>
        %get3A_813 = arith.index_cast %add3A_804 : i32 to index
        %get3A_814 = arith.constant 32 : index
        %get3A_815 = tpu.vector_load %arg6[%get3A_813, %get3A_814] {strides = array<i32>} : memref<128x128xf32, #tpu.memory_space<vmem>>, vector<1x16xf32>,
        %get3A_816 = vector.shape_cast %get3A_815 : vector<1x16xf32> to vector<16xf32>
        %get3A_817 = arith.index_cast %add3A_804 : i32 to index
        %get3A_818 = arith.constant 48 : index
        %get3A_819 = tpu.vector_load %arg6[%get3A_817, %get3A_818] {strides = array<i32>} : memref<128x128xf32, #tpu.memory_space<vmem>>, vector<1x16xf32>,
        %get3A_820 = vector.shape_cast %get3A_819 : vector<1x16xf32> to vector<16xf32>
        %add3A_821 = arith.addf %scan3A_795, %get3A_808 : vector<16xf32>
        %add3A_822 = arith.addf %scan3A_796, %get3A_812 : vector<16xf32>
        %add3A_823 = arith.addf %scan3A_797, %get3A_816 : vector<16xf32>
        %add3A_824 = arith.addf %scan3A_798, %get3A_820 : vector<16xf32>
        %max3A = arith.maximumf %scan3A_799, %get3A_808 : vector<16xf32>
        %max3A_825 = arith.maximumf %scan3A_800, %get3A_812 : vector<16xf32>
        %max3A_826 = arith.maximumf %scan3A_801, %get3A_816 : vector<16xf32>
        %max3A_827 = arith.maximumf %scan3A_802, %get3A_820 : vector<16xf32>
        scf.yield %add3A_821, %add3A_822, %add3A_823, %add3A_824, %max3A, %max3A_825, %max3A_826, %max3A_827 : vector<16xf32>, vector<16xf32>, vector<16xf32>, vector<16xf32>, vector<16xf32>, vector<16xf32>, vector<16xf32>, vector<16xf32>
      }
      %scan3A_389 = arith.constant 15 : i32
      %mul3A_390 = arith.constant 6.250000e-02 : f32
      %mul3A_391 = vector.broadcast %mul3A_390 : f32 to vector<16xf32>
      %mul3A_392 = arith.mulf %scan3A_388#0, %mul3A_391 : vector<16xf32>
      %swap3A_393 = arith.constant 3 : i32
      %swap3A_394 = arith.index_cast %swap3A_393 : i32 to index
      %swap3A_395 = arith.constant 0 : index
      %swap3A_396 = tpu.vector_load %arg7[%swap3A_394, %swap3A_395] {strides = array<i32>} : memref<8x128xf32, #tpu.memory_space<vmem>>, vector<1x16xf32>,
      %swap3A_397 = vector.shape_cast %swap3A_396 : vector<1x16xf32> to vector<16xf32>
      %swap3A_398 = vector.shape_cast %mul3A_392 : vector<16xf32> to vector<1x16xf32>
      tpu.vector_store %arg7[%swap3A_394, %swap3A_395], %swap3A_398 {strides = array<i32>} : memref<8x128xf32, #tpu.memory_space<vmem>>, vector<1x16xf32>,
      %mul3A_399 = arith.constant 6.250000e-02 : f32
      %mul3A_400 = vector.broadcast %mul3A_399 : f32 to vector<16xf32>
      %mul3A_401 = arith.mulf %scan3A_388#1, %mul3A_400 : vector<16xf32>
      %swap3A_402 = arith.constant 3 : i32
      %swap3A_403 = arith.index_cast %swap3A_402 : i32 to index
      %swap3A_404 = arith.constant 16 : index
      %swap3A_405 = tpu.vector_load %arg7[%swap3A_403, %swap3A_404] {strides = array<i32>} : memref<8x128xf32, #tpu.memory_space<vmem>>, vector<1x16xf32>,
      %swap3A_406 = vector.shape_cast %swap3A_405 : vector<1x16xf32> to vector<16xf32>
      %swap3A_407 = vector.shape_cast %mul3A_401 : vector<16xf32> to vector<1x16xf32>
      tpu.vector_store %arg7[%swap3A_403, %swap3A_404], %swap3A_407 {strides = array<i32>} : memref<8x128xf32, #tpu.memory_space<vmem>>, vector<1x16xf32>,
      %mul3A_408 = arith.constant 6.250000e-02 : f32
      %mul3A_409 = vector.broadcast %mul3A_408 : f32 to vector<16xf32>
      %mul3A_410 = arith.mulf %scan3A_388#2, %mul3A_409 : vector<16xf32>
      %swap3A_411 = arith.constant 3 : i32
      %swap3A_412 = arith.index_cast %swap3A_411 : i32 to index
      %swap3A_413 = arith.constant 32 : index
      %swap3A_414 = tpu.vector_load %arg7[%swap3A_412, %swap3A_413] {strides = array<i32>} : memref<8x128xf32, #tpu.memory_space<vmem>>, vector<1x16xf32>,
      %swap3A_415 = vector.shape_cast %swap3A_414 : vector<1x16xf32> to vector<16xf32>
      %swap3A_416 = vector.shape_cast %mul3A_410 : vector<16xf32> to vector<1x16xf32>
      tpu.vector_store %arg7[%swap3A_412, %swap3A_413], %swap3A_416 {strides = array<i32>} : memref<8x128xf32, #tpu.memory_space<vmem>>, vector<1x16xf32>,
      %mul3A_417 = arith.constant 6.250000e-02 : f32
      %mul3A_418 = vector.broadcast %mul3A_417 : f32 to vector<16xf32>
      %mul3A_419 = arith.mulf %scan3A_388#3, %mul3A_418 : vector<16xf32>
      %swap3A_420 = arith.constant 3 : i32
      %swap3A_421 = arith.index_cast %swap3A_420 : i32 to index
      %swap3A_422 = arith.constant 48 : index
      %swap3A_423 = tpu.vector_load %arg7[%swap3A_421, %swap3A_422] {strides = array<i32>} : memref<8x128xf32, #tpu.memory_space<vmem>>, vector<1x16xf32>,
      %swap3A_424 = vector.shape_cast %swap3A_423 : vector<1x16xf32> to vector<16xf32>
      %swap3A_425 = vector.shape_cast %mul3A_419 : vector<16xf32> to vector<1x16xf32>
      tpu.vector_store %arg7[%swap3A_421, %swap3A_422], %swap3A_425 {strides = array<i32>} : memref<8x128xf32, #tpu.memory_space<vmem>>, vector<1x16xf32>,
      %swap3A_426 = arith.constant 3 : i32
      %swap3A_427 = arith.index_cast %swap3A_426 : i32 to index
      %swap3A_428 = arith.constant 64 : index
      %swap3A_429 = tpu.vector_load %arg7[%swap3A_427, %swap3A_428] {strides = array<i32>} : memref<8x128xf32, #tpu.memory_space<vmem>>, vector<1x16xf32>,
      %swap3A_430 = vector.shape_cast %swap3A_429 : vector<1x16xf32> to vector<16xf32>
      %swap3A_431 = vector.shape_cast %scan3A_388#4 : vector<16xf32> to vector<1x16xf32>
      tpu.vector_store %arg7[%swap3A_427, %swap3A_428], %swap3A_431 {strides = array<i32>} : memref<8x128xf32, #tpu.memory_space<vmem>>, vector<1x16xf32>,
      %swap3A_432 = arith.constant 3 : i32
      %swap3A_433 = arith.index_cast %swap3A_432 : i32 to index
      %swap3A_434 = arith.constant 80 : index
      %swap3A_435 = tpu.vector_load %arg7[%swap3A_433, %swap3A_434] {strides = array<i32>} : memref<8x128xf32, #tpu.memory_space<vmem>>, vector<1x16xf32>,
      %swap3A_436 = vector.shape_cast %swap3A_435 : vector<1x16xf32> to vector<16xf32>
      %swap3A_437 = vector.shape_cast %scan3A_388#5 : vector<16xf32> to vector<1x16xf32>
      tpu.vector_store %arg7[%swap3A_433, %swap3A_434], %swap3A_437 {strides = array<i32>} : memref<8x128xf32, #tpu.memory_space<vmem>>, vector<1x16xf32>,
      %swap3A_438 = arith.constant 3 : i32
      %swap3A_439 = arith.index_cast %swap3A_438 : i32 to index
      %swap3A_440 = arith.constant 96 : index
      %swap3A_441 = tpu.vector_load %arg7[%swap3A_439, %swap3A_440] {strides = array<i32>} : memref<8x128xf32, #tpu.memory_space<vmem>>, vector<1x16xf32>,
      %swap3A_442 = vector.shape_cast %swap3A_441 : vector<1x16xf32> to vector<16xf32>
      %swap3A_443 = vector.shape_cast %scan3A_388#6 : vector<16xf32> to vector<1x16xf32>
      tpu.vector_store %arg7[%swap3A_439, %swap3A_440], %swap3A_443 {strides = array<i32>} : memref<8x128xf32, #tpu.memory_space<vmem>>, vector<1x16xf32>,
      %swap3A_444 = arith.constant 3 : i32
      %swap3A_445 = arith.index_cast %swap3A_444 : i32 to index
      %swap3A_446 = arith.constant 112 : index
      %swap3A_447 = tpu.vector_load %arg7[%swap3A_445, %swap3A_446] {strides = array<i32>} : memref<8x128xf32, #tpu.memory_space<vmem>>, vector<1x16xf32>,
      %swap3A_448 = vector.shape_cast %swap3A_447 : vector<1x16xf32> to vector<16xf32>
      %swap3A_449 = vector.shape_cast %scan3A_388#7 : vector<16xf32> to vector<1x16xf32>
      tpu.vector_store %arg7[%swap3A_445, %swap3A_446], %swap3A_449 {strides = array<i32>} : memref<8x128xf32, #tpu.memory_space<vmem>>, vector<1x16xf32>,
      %get3A_450 = arith.constant 64 : i32
      %get3A_451 = arith.index_cast %get3A_450 : i32 to index
      %get3A_452 = arith.constant 0 : index
      %get3A_453 = tpu.vector_load %arg6[%get3A_451, %get3A_452] {strides = array<i32>} : memref<128x128xf32, #tpu.memory_space<vmem>>, vector<1x16xf32>,
      %get3A_454 = vector.shape_cast %get3A_453 : vector<1x16xf32> to vector<16xf32>
      %get3A_455 = arith.constant 64 : i32
      %get3A_456 = arith.index_cast %get3A_455 : i32 to index
      %get3A_457 = arith.constant 16 : index
      %get3A_458 = tpu.vector_load %arg6[%get3A_456, %get3A_457] {strides = array<i32>} : memref<128x128xf32, #tpu.memory_space<vmem>>, vector<1x16xf32>,
      %get3A_459 = vector.shape_cast %get3A_458 : vector<1x16xf32> to vector<16xf32>
      %get3A_460 = arith.constant 64 : i32
      %get3A_461 = arith.index_cast %get3A_460 : i32 to index
      %get3A_462 = arith.constant 32 : index
      %get3A_463 = tpu.vector_load %arg6[%get3A_461, %get3A_462] {strides = array<i32>} : memref<128x128xf32, #tpu.memory_space<vmem>>, vector<1x16xf32>,
      %get3A_464 = vector.shape_cast %get3A_463 : vector<1x16xf32> to vector<16xf32>
      %get3A_465 = arith.constant 64 : i32
      %get3A_466 = arith.index_cast %get3A_465 : i32 to index
      %get3A_467 = arith.constant 48 : index
      %get3A_468 = tpu.vector_load %arg6[%get3A_466, %get3A_467] {strides = array<i32>} : memref<128x128xf32, #tpu.memory_space<vmem>>, vector<1x16xf32>,
      %get3A_469 = vector.shape_cast %get3A_468 : vector<1x16xf32> to vector<16xf32>
      %scan3A_470 = arith.constant 1 : i32
      %scan3A_471 = arith.constant 15 : i32
      %scan3A_472 = arith.addi %scan3A_470, %scan3A_471 : i32
      %scan3A_473 = arith.constant 1 : i32
      %scan3A_474:8 = scf.for %scan3A_794 = %scan3A_470 to %scan3A_472 step %scan3A_473 iter_args(%scan3A_795 = %get3A_454, %scan3A_796 = %get3A_459, %scan3A_797 = %get3A_464, %scan3A_798 = %get3A_469, %scan3A_799 = %get3A_454, %scan3A_800 = %get3A_459, %scan3A_801 = %get3A_464, %scan3A_802 = %get3A_469) -> (vector<16xf32>, vector<16xf32>, vector<16xf32>, vector<16xf32>, vector<16xf32>, vector<16xf32>, vector<16xf32>, vector<16xf32>)  : i32 {
        %add3A_803 = arith.constant 64 : i32
        %add3A_804 = arith.addi %add3A_803, %scan3A_794 : i32
        %get3A_805 = arith.index_cast %add3A_804 : i32 to index
        %get3A_806 = arith.constant 0 : index
        %get3A_807 = tpu.vector_load %arg6[%get3A_805, %get3A_806] {strides = array<i32>} : memref<128x128xf32, #tpu.memory_space<vmem>>, vector<1x16xf32>,
        %get3A_808 = vector.shape_cast %get3A_807 : vector<1x16xf32> to vector<16xf32>
        %get3A_809 = arith.index_cast %add3A_804 : i32 to index
        %get3A_810 = arith.constant 16 : index
        %get3A_811 = tpu.vector_load %arg6[%get3A_809, %get3A_810] {strides = array<i32>} : memref<128x128xf32, #tpu.memory_space<vmem>>, vector<1x16xf32>,
        %get3A_812 = vector.shape_cast %get3A_811 : vector<1x16xf32> to vector<16xf32>
        %get3A_813 = arith.index_cast %add3A_804 : i32 to index
        %get3A_814 = arith.constant 32 : index
        %get3A_815 = tpu.vector_load %arg6[%get3A_813, %get3A_814] {strides = array<i32>} : memref<128x128xf32, #tpu.memory_space<vmem>>, vector<1x16xf32>,
        %get3A_816 = vector.shape_cast %get3A_815 : vector<1x16xf32> to vector<16xf32>
        %get3A_817 = arith.index_cast %add3A_804 : i32 to index
        %get3A_818 = arith.constant 48 : index
        %get3A_819 = tpu.vector_load %arg6[%get3A_817, %get3A_818] {strides = array<i32>} : memref<128x128xf32, #tpu.memory_space<vmem>>, vector<1x16xf32>,
        %get3A_820 = vector.shape_cast %get3A_819 : vector<1x16xf32> to vector<16xf32>
        %add3A_821 = arith.addf %scan3A_795, %get3A_808 : vector<16xf32>
        %add3A_822 = arith.addf %scan3A_796, %get3A_812 : vector<16xf32>
        %add3A_823 = arith.addf %scan3A_797, %get3A_816 : vector<16xf32>
        %add3A_824 = arith.addf %scan3A_798, %get3A_820 : vector<16xf32>
        %max3A = arith.maximumf %scan3A_799, %get3A_808 : vector<16xf32>
        %max3A_825 = arith.maximumf %scan3A_800, %get3A_812 : vector<16xf32>
        %max3A_826 = arith.maximumf %scan3A_801, %get3A_816 : vector<16xf32>
        %max3A_827 = arith.maximumf %scan3A_802, %get3A_820 : vector<16xf32>
        scf.yield %add3A_821, %add3A_822, %add3A_823, %add3A_824, %max3A, %max3A_825, %max3A_826, %max3A_827 : vector<16xf32>, vector<16xf32>, vector<16xf32>, vector<16xf32>, vector<16xf32>, vector<16xf32>, vector<16xf32>, vector<16xf32>
      }
      %scan3A_475 = arith.constant 15 : i32
      %mul3A_476 = arith.constant 6.250000e-02 : f32
      %mul3A_477 = vector.broadcast %mul3A_476 : f32 to vector<16xf32>
      %mul3A_478 = arith.mulf %scan3A_474#0, %mul3A_477 : vector<16xf32>
      %swap3A_479 = arith.constant 4 : i32
      %swap3A_480 = arith.index_cast %swap3A_479 : i32 to index
      %swap3A_481 = arith.constant 0 : index
      %swap3A_482 = tpu.vector_load %arg7[%swap3A_480, %swap3A_481] {strides = array<i32>} : memref<8x128xf32, #tpu.memory_space<vmem>>, vector<1x16xf32>,
      %swap3A_483 = vector.shape_cast %swap3A_482 : vector<1x16xf32> to vector<16xf32>
      %swap3A_484 = vector.shape_cast %mul3A_478 : vector<16xf32> to vector<1x16xf32>
      tpu.vector_store %arg7[%swap3A_480, %swap3A_481], %swap3A_484 {strides = array<i32>} : memref<8x128xf32, #tpu.memory_space<vmem>>, vector<1x16xf32>,
      %mul3A_485 = arith.constant 6.250000e-02 : f32
      %mul3A_486 = vector.broadcast %mul3A_485 : f32 to vector<16xf32>
      %mul3A_487 = arith.mulf %scan3A_474#1, %mul3A_486 : vector<16xf32>
      %swap3A_488 = arith.constant 4 : i32
      %swap3A_489 = arith.index_cast %swap3A_488 : i32 to index
      %swap3A_490 = arith.constant 16 : index
      %swap3A_491 = tpu.vector_load %arg7[%swap3A_489, %swap3A_490] {strides = array<i32>} : memref<8x128xf32, #tpu.memory_space<vmem>>, vector<1x16xf32>,
      %swap3A_492 = vector.shape_cast %swap3A_491 : vector<1x16xf32> to vector<16xf32>
      %swap3A_493 = vector.shape_cast %mul3A_487 : vector<16xf32> to vector<1x16xf32>
      tpu.vector_store %arg7[%swap3A_489, %swap3A_490], %swap3A_493 {strides = array<i32>} : memref<8x128xf32, #tpu.memory_space<vmem>>, vector<1x16xf32>,
      %mul3A_494 = arith.constant 6.250000e-02 : f32
      %mul3A_495 = vector.broadcast %mul3A_494 : f32 to vector<16xf32>
      %mul3A_496 = arith.mulf %scan3A_474#2, %mul3A_495 : vector<16xf32>
      %swap3A_497 = arith.constant 4 : i32
      %swap3A_498 = arith.index_cast %swap3A_497 : i32 to index
      %swap3A_499 = arith.constant 32 : index
      %swap3A_500 = tpu.vector_load %arg7[%swap3A_498, %swap3A_499] {strides = array<i32>} : memref<8x128xf32, #tpu.memory_space<vmem>>, vector<1x16xf32>,
      %swap3A_501 = vector.shape_cast %swap3A_500 : vector<1x16xf32> to vector<16xf32>
      %swap3A_502 = vector.shape_cast %mul3A_496 : vector<16xf32> to vector<1x16xf32>
      tpu.vector_store %arg7[%swap3A_498, %swap3A_499], %swap3A_502 {strides = array<i32>} : memref<8x128xf32, #tpu.memory_space<vmem>>, vector<1x16xf32>,
      %mul3A_503 = arith.constant 6.250000e-02 : f32
      %mul3A_504 = vector.broadcast %mul3A_503 : f32 to vector<16xf32>
      %mul3A_505 = arith.mulf %scan3A_474#3, %mul3A_504 : vector<16xf32>
      %swap3A_506 = arith.constant 4 : i32
      %swap3A_507 = arith.index_cast %swap3A_506 : i32 to index
      %swap3A_508 = arith.constant 48 : index
      %swap3A_509 = tpu.vector_load %arg7[%swap3A_507, %swap3A_508] {strides = array<i32>} : memref<8x128xf32, #tpu.memory_space<vmem>>, vector<1x16xf32>,
      %swap3A_510 = vector.shape_cast %swap3A_509 : vector<1x16xf32> to vector<16xf32>
      %swap3A_511 = vector.shape_cast %mul3A_505 : vector<16xf32> to vector<1x16xf32>
      tpu.vector_store %arg7[%swap3A_507, %swap3A_508], %swap3A_511 {strides = array<i32>} : memref<8x128xf32, #tpu.memory_space<vmem>>, vector<1x16xf32>,
      %swap3A_512 = arith.constant 4 : i32
      %swap3A_513 = arith.index_cast %swap3A_512 : i32 to index
      %swap3A_514 = arith.constant 64 : index
      %swap3A_515 = tpu.vector_load %arg7[%swap3A_513, %swap3A_514] {strides = array<i32>} : memref<8x128xf32, #tpu.memory_space<vmem>>, vector<1x16xf32>,
      %swap3A_516 = vector.shape_cast %swap3A_515 : vector<1x16xf32> to vector<16xf32>
      %swap3A_517 = vector.shape_cast %scan3A_474#4 : vector<16xf32> to vector<1x16xf32>
      tpu.vector_store %arg7[%swap3A_513, %swap3A_514], %swap3A_517 {strides = array<i32>} : memref<8x128xf32, #tpu.memory_space<vmem>>, vector<1x16xf32>,
      %swap3A_518 = arith.constant 4 : i32
      %swap3A_519 = arith.index_cast %swap3A_518 : i32 to index
      %swap3A_520 = arith.constant 80 : index
      %swap3A_521 = tpu.vector_load %arg7[%swap3A_519, %swap3A_520] {strides = array<i32>} : memref<8x128xf32, #tpu.memory_space<vmem>>, vector<1x16xf32>,
      %swap3A_522 = vector.shape_cast %swap3A_521 : vector<1x16xf32> to vector<16xf32>
      %swap3A_523 = vector.shape_cast %scan3A_474#5 : vector<16xf32> to vector<1x16xf32>
      tpu.vector_store %arg7[%swap3A_519, %swap3A_520], %swap3A_523 {strides = array<i32>} : memref<8x128xf32, #tpu.memory_space<vmem>>, vector<1x16xf32>,
      %swap3A_524 = arith.constant 4 : i32
      %swap3A_525 = arith.index_cast %swap3A_524 : i32 to index
      %swap3A_526 = arith.constant 96 : index
      %swap3A_527 = tpu.vector_load %arg7[%swap3A_525, %swap3A_526] {strides = array<i32>} : memref<8x128xf32, #tpu.memory_space<vmem>>, vector<1x16xf32>,
      %swap3A_528 = vector.shape_cast %swap3A_527 : vector<1x16xf32> to vector<16xf32>
      %swap3A_529 = vector.shape_cast %scan3A_474#6 : vector<16xf32> to vector<1x16xf32>
      tpu.vector_store %arg7[%swap3A_525, %swap3A_526], %swap3A_529 {strides = array<i32>} : memref<8x128xf32, #tpu.memory_space<vmem>>, vector<1x16xf32>,
      %swap3A_530 = arith.constant 4 : i32
      %swap3A_531 = arith.index_cast %swap3A_530 : i32 to index
      %swap3A_532 = arith.constant 112 : index
      %swap3A_533 = tpu.vector_load %arg7[%swap3A_531, %swap3A_532] {strides = array<i32>} : memref<8x128xf32, #tpu.memory_space<vmem>>, vector<1x16xf32>,
      %swap3A_534 = vector.shape_cast %swap3A_533 : vector<1x16xf32> to vector<16xf32>
      %swap3A_535 = vector.shape_cast %scan3A_474#7 : vector<16xf32> to vector<1x16xf32>
      tpu.vector_store %arg7[%swap3A_531, %swap3A_532], %swap3A_535 {strides = array<i32>} : memref<8x128xf32, #tpu.memory_space<vmem>>, vector<1x16xf32>,
      %get3A_536 = arith.constant 80 : i32
      %get3A_537 = arith.index_cast %get3A_536 : i32 to index
      %get3A_538 = arith.constant 0 : index
      %get3A_539 = tpu.vector_load %arg6[%get3A_537, %get3A_538] {strides = array<i32>} : memref<128x128xf32, #tpu.memory_space<vmem>>, vector<1x16xf32>,
      %get3A_540 = vector.shape_cast %get3A_539 : vector<1x16xf32> to vector<16xf32>
      %get3A_541 = arith.constant 80 : i32
      %get3A_542 = arith.index_cast %get3A_541 : i32 to index
      %get3A_543 = arith.constant 16 : index
      %get3A_544 = tpu.vector_load %arg6[%get3A_542, %get3A_543] {strides = array<i32>} : memref<128x128xf32, #tpu.memory_space<vmem>>, vector<1x16xf32>,
      %get3A_545 = vector.shape_cast %get3A_544 : vector<1x16xf32> to vector<16xf32>
      %get3A_546 = arith.constant 80 : i32
      %get3A_547 = arith.index_cast %get3A_546 : i32 to index
      %get3A_548 = arith.constant 32 : index
      %get3A_549 = tpu.vector_load %arg6[%get3A_547, %get3A_548] {strides = array<i32>} : memref<128x128xf32, #tpu.memory_space<vmem>>, vector<1x16xf32>,
      %get3A_550 = vector.shape_cast %get3A_549 : vector<1x16xf32> to vector<16xf32>
      %get3A_551 = arith.constant 80 : i32
      %get3A_552 = arith.index_cast %get3A_551 : i32 to index
      %get3A_553 = arith.constant 48 : index
      %get3A_554 = tpu.vector_load %arg6[%get3A_552, %get3A_553] {strides = array<i32>} : memref<128x128xf32, #tpu.memory_space<vmem>>, vector<1x16xf32>,
      %get3A_555 = vector.shape_cast %get3A_554 : vector<1x16xf32> to vector<16xf32>
      %scan3A_556 = arith.constant 1 : i32
      %scan3A_557 = arith.constant 15 : i32
      %scan3A_558 = arith.addi %scan3A_556, %scan3A_557 : i32
      %scan3A_559 = arith.constant 1 : i32
      %scan3A_560:8 = scf.for %scan3A_794 = %scan3A_556 to %scan3A_558 step %scan3A_559 iter_args(%scan3A_795 = %get3A_540, %scan3A_796 = %get3A_545, %scan3A_797 = %get3A_550, %scan3A_798 = %get3A_555, %scan3A_799 = %get3A_540, %scan3A_800 = %get3A_545, %scan3A_801 = %get3A_550, %scan3A_802 = %get3A_555) -> (vector<16xf32>, vector<16xf32>, vector<16xf32>, vector<16xf32>, vector<16xf32>, vector<16xf32>, vector<16xf32>, vector<16xf32>)  : i32 {
        %add3A_803 = arith.constant 80 : i32
        %add3A_804 = arith.addi %add3A_803, %scan3A_794 : i32
        %get3A_805 = arith.index_cast %add3A_804 : i32 to index
        %get3A_806 = arith.constant 0 : index
        %get3A_807 = tpu.vector_load %arg6[%get3A_805, %get3A_806] {strides = array<i32>} : memref<128x128xf32, #tpu.memory_space<vmem>>, vector<1x16xf32>,
        %get3A_808 = vector.shape_cast %get3A_807 : vector<1x16xf32> to vector<16xf32>
        %get3A_809 = arith.index_cast %add3A_804 : i32 to index
        %get3A_810 = arith.constant 16 : index
        %get3A_811 = tpu.vector_load %arg6[%get3A_809, %get3A_810] {strides = array<i32>} : memref<128x128xf32, #tpu.memory_space<vmem>>, vector<1x16xf32>,
        %get3A_812 = vector.shape_cast %get3A_811 : vector<1x16xf32> to vector<16xf32>
        %get3A_813 = arith.index_cast %add3A_804 : i32 to index
        %get3A_814 = arith.constant 32 : index
        %get3A_815 = tpu.vector_load %arg6[%get3A_813, %get3A_814] {strides = array<i32>} : memref<128x128xf32, #tpu.memory_space<vmem>>, vector<1x16xf32>,
        %get3A_816 = vector.shape_cast %get3A_815 : vector<1x16xf32> to vector<16xf32>
        %get3A_817 = arith.index_cast %add3A_804 : i32 to index
        %get3A_818 = arith.constant 48 : index
        %get3A_819 = tpu.vector_load %arg6[%get3A_817, %get3A_818] {strides = array<i32>} : memref<128x128xf32, #tpu.memory_space<vmem>>, vector<1x16xf32>,
        %get3A_820 = vector.shape_cast %get3A_819 : vector<1x16xf32> to vector<16xf32>
        %add3A_821 = arith.addf %scan3A_795, %get3A_808 : vector<16xf32>
        %add3A_822 = arith.addf %scan3A_796, %get3A_812 : vector<16xf32>
        %add3A_823 = arith.addf %scan3A_797, %get3A_816 : vector<16xf32>
        %add3A_824 = arith.addf %scan3A_798, %get3A_820 : vector<16xf32>
        %max3A = arith.maximumf %scan3A_799, %get3A_808 : vector<16xf32>
        %max3A_825 = arith.maximumf %scan3A_800, %get3A_812 : vector<16xf32>
        %max3A_826 = arith.maximumf %scan3A_801, %get3A_816 : vector<16xf32>
        %max3A_827 = arith.maximumf %scan3A_802, %get3A_820 : vector<16xf32>
        scf.yield %add3A_821, %add3A_822, %add3A_823, %add3A_824, %max3A, %max3A_825, %max3A_826, %max3A_827 : vector<16xf32>, vector<16xf32>, vector<16xf32>, vector<16xf32>, vector<16xf32>, vector<16xf32>, vector<16xf32>, vector<16xf32>
      }
      %scan3A_561 = arith.constant 15 : i32
      %mul3A_562 = arith.constant 6.250000e-02 : f32
      %mul3A_563 = vector.broadcast %mul3A_562 : f32 to vector<16xf32>
      %mul3A_564 = arith.mulf %scan3A_560#0, %mul3A_563 : vector<16xf32>
      %swap3A_565 = arith.constant 5 : i32
      %swap3A_566 = arith.index_cast %swap3A_565 : i32 to index
      %swap3A_567 = arith.constant 0 : index
      %swap3A_568 = tpu.vector_load %arg7[%swap3A_566, %swap3A_567] {strides = array<i32>} : memref<8x128xf32, #tpu.memory_space<vmem>>, vector<1x16xf32>,
      %swap3A_569 = vector.shape_cast %swap3A_568 : vector<1x16xf32> to vector<16xf32>
      %swap3A_570 = vector.shape_cast %mul3A_564 : vector<16xf32> to vector<1x16xf32>
      tpu.vector_store %arg7[%swap3A_566, %swap3A_567], %swap3A_570 {strides = array<i32>} : memref<8x128xf32, #tpu.memory_space<vmem>>, vector<1x16xf32>,
      %mul3A_571 = arith.constant 6.250000e-02 : f32
      %mul3A_572 = vector.broadcast %mul3A_571 : f32 to vector<16xf32>
      %mul3A_573 = arith.mulf %scan3A_560#1, %mul3A_572 : vector<16xf32>
      %swap3A_574 = arith.constant 5 : i32
      %swap3A_575 = arith.index_cast %swap3A_574 : i32 to index
      %swap3A_576 = arith.constant 16 : index
      %swap3A_577 = tpu.vector_load %arg7[%swap3A_575, %swap3A_576] {strides = array<i32>} : memref<8x128xf32, #tpu.memory_space<vmem>>, vector<1x16xf32>,
      %swap3A_578 = vector.shape_cast %swap3A_577 : vector<1x16xf32> to vector<16xf32>
      %swap3A_579 = vector.shape_cast %mul3A_573 : vector<16xf32> to vector<1x16xf32>
      tpu.vector_store %arg7[%swap3A_575, %swap3A_576], %swap3A_579 {strides = array<i32>} : memref<8x128xf32, #tpu.memory_space<vmem>>, vector<1x16xf32>,
      %mul3A_580 = arith.constant 6.250000e-02 : f32
      %mul3A_581 = vector.broadcast %mul3A_580 : f32 to vector<16xf32>
      %mul3A_582 = arith.mulf %scan3A_560#2, %mul3A_581 : vector<16xf32>
      %swap3A_583 = arith.constant 5 : i32
      %swap3A_584 = arith.index_cast %swap3A_583 : i32 to index
      %swap3A_585 = arith.constant 32 : index
      %swap3A_586 = tpu.vector_load %arg7[%swap3A_584, %swap3A_585] {strides = array<i32>} : memref<8x128xf32, #tpu.memory_space<vmem>>, vector<1x16xf32>,
      %swap3A_587 = vector.shape_cast %swap3A_586 : vector<1x16xf32> to vector<16xf32>
      %swap3A_588 = vector.shape_cast %mul3A_582 : vector<16xf32> to vector<1x16xf32>
      tpu.vector_store %arg7[%swap3A_584, %swap3A_585], %swap3A_588 {strides = array<i32>} : memref<8x128xf32, #tpu.memory_space<vmem>>, vector<1x16xf32>,
      %mul3A_589 = arith.constant 6.250000e-02 : f32
      %mul3A_590 = vector.broadcast %mul3A_589 : f32 to vector<16xf32>
      %mul3A_591 = arith.mulf %scan3A_560#3, %mul3A_590 : vector<16xf32>
      %swap3A_592 = arith.constant 5 : i32
      %swap3A_593 = arith.index_cast %swap3A_592 : i32 to index
      %swap3A_594 = arith.constant 48 : index
      %swap3A_595 = tpu.vector_load %arg7[%swap3A_593, %swap3A_594] {strides = array<i32>} : memref<8x128xf32, #tpu.memory_space<vmem>>, vector<1x16xf32>,
      %swap3A_596 = vector.shape_cast %swap3A_595 : vector<1x16xf32> to vector<16xf32>
      %swap3A_597 = vector.shape_cast %mul3A_591 : vector<16xf32> to vector<1x16xf32>
      tpu.vector_store %arg7[%swap3A_593, %swap3A_594], %swap3A_597 {strides = array<i32>} : memref<8x128xf32, #tpu.memory_space<vmem>>, vector<1x16xf32>,
      %swap3A_598 = arith.constant 5 : i32
      %swap3A_599 = arith.index_cast %swap3A_598 : i32 to index
      %swap3A_600 = arith.constant 64 : index
      %swap3A_601 = tpu.vector_load %arg7[%swap3A_599, %swap3A_600] {strides = array<i32>} : memref<8x128xf32, #tpu.memory_space<vmem>>, vector<1x16xf32>,
      %swap3A_602 = vector.shape_cast %swap3A_601 : vector<1x16xf32> to vector<16xf32>
      %swap3A_603 = vector.shape_cast %scan3A_560#4 : vector<16xf32> to vector<1x16xf32>
      tpu.vector_store %arg7[%swap3A_599, %swap3A_600], %swap3A_603 {strides = array<i32>} : memref<8x128xf32, #tpu.memory_space<vmem>>, vector<1x16xf32>,
      %swap3A_604 = arith.constant 5 : i32
      %swap3A_605 = arith.index_cast %swap3A_604 : i32 to index
      %swap3A_606 = arith.constant 80 : index
      %swap3A_607 = tpu.vector_load %arg7[%swap3A_605, %swap3A_606] {strides = array<i32>} : memref<8x128xf32, #tpu.memory_space<vmem>>, vector<1x16xf32>,
      %swap3A_608 = vector.shape_cast %swap3A_607 : vector<1x16xf32> to vector<16xf32>
      %swap3A_609 = vector.shape_cast %scan3A_560#5 : vector<16xf32> to vector<1x16xf32>
      tpu.vector_store %arg7[%swap3A_605, %swap3A_606], %swap3A_609 {strides = array<i32>} : memref<8x128xf32, #tpu.memory_space<vmem>>, vector<1x16xf32>,
      %swap3A_610 = arith.constant 5 : i32
      %swap3A_611 = arith.index_cast %swap3A_610 : i32 to index
      %swap3A_612 = arith.constant 96 : index
      %swap3A_613 = tpu.vector_load %arg7[%swap3A_611, %swap3A_612] {strides = array<i32>} : memref<8x128xf32, #tpu.memory_space<vmem>>, vector<1x16xf32>,
      %swap3A_614 = vector.shape_cast %swap3A_613 : vector<1x16xf32> to vector<16xf32>
      %swap3A_615 = vector.shape_cast %scan3A_560#6 : vector<16xf32> to vector<1x16xf32>
      tpu.vector_store %arg7[%swap3A_611, %swap3A_612], %swap3A_615 {strides = array<i32>} : memref<8x128xf32, #tpu.memory_space<vmem>>, vector<1x16xf32>,
      %swap3A_616 = arith.constant 5 : i32
      %swap3A_617 = arith.index_cast %swap3A_616 : i32 to index
      %swap3A_618 = arith.constant 112 : index
      %swap3A_619 = tpu.vector_load %arg7[%swap3A_617, %swap3A_618] {strides = array<i32>} : memref<8x128xf32, #tpu.memory_space<vmem>>, vector<1x16xf32>,
      %swap3A_620 = vector.shape_cast %swap3A_619 : vector<1x16xf32> to vector<16xf32>
      %swap3A_621 = vector.shape_cast %scan3A_560#7 : vector<16xf32> to vector<1x16xf32>
      tpu.vector_store %arg7[%swap3A_617, %swap3A_618], %swap3A_621 {strides = array<i32>} : memref<8x128xf32, #tpu.memory_space<vmem>>, vector<1x16xf32>,
      %get3A_622 = arith.constant 96 : i32
      %get3A_623 = arith.index_cast %get3A_622 : i32 to index
      %get3A_624 = arith.constant 0 : index
      %get3A_625 = tpu.vector_load %arg6[%get3A_623, %get3A_624] {strides = array<i32>} : memref<128x128xf32, #tpu.memory_space<vmem>>, vector<1x16xf32>,
      %get3A_626 = vector.shape_cast %get3A_625 : vector<1x16xf32> to vector<16xf32>
      %get3A_627 = arith.constant 96 : i32
      %get3A_628 = arith.index_cast %get3A_627 : i32 to index
      %get3A_629 = arith.constant 16 : index
      %get3A_630 = tpu.vector_load %arg6[%get3A_628, %get3A_629] {strides = array<i32>} : memref<128x128xf32, #tpu.memory_space<vmem>>, vector<1x16xf32>,
      %get3A_631 = vector.shape_cast %get3A_630 : vector<1x16xf32> to vector<16xf32>
      %get3A_632 = arith.constant 96 : i32
      %get3A_633 = arith.index_cast %get3A_632 : i32 to index
      %get3A_634 = arith.constant 32 : index
      %get3A_635 = tpu.vector_load %arg6[%get3A_633, %get3A_634] {strides = array<i32>} : memref<128x128xf32, #tpu.memory_space<vmem>>, vector<1x16xf32>,
      %get3A_636 = vector.shape_cast %get3A_635 : vector<1x16xf32> to vector<16xf32>
      %get3A_637 = arith.constant 96 : i32
      %get3A_638 = arith.index_cast %get3A_637 : i32 to index
      %get3A_639 = arith.constant 48 : index
      %get3A_640 = tpu.vector_load %arg6[%get3A_638, %get3A_639] {strides = array<i32>} : memref<128x128xf32, #tpu.memory_space<vmem>>, vector<1x16xf32>,
      %get3A_641 = vector.shape_cast %get3A_640 : vector<1x16xf32> to vector<16xf32>
      %scan3A_642 = arith.constant 1 : i32
      %scan3A_643 = arith.constant 15 : i32
      %scan3A_644 = arith.addi %scan3A_642, %scan3A_643 : i32
      %scan3A_645 = arith.constant 1 : i32
      %scan3A_646:8 = scf.for %scan3A_794 = %scan3A_642 to %scan3A_644 step %scan3A_645 iter_args(%scan3A_795 = %get3A_626, %scan3A_796 = %get3A_631, %scan3A_797 = %get3A_636, %scan3A_798 = %get3A_641, %scan3A_799 = %get3A_626, %scan3A_800 = %get3A_631, %scan3A_801 = %get3A_636, %scan3A_802 = %get3A_641) -> (vector<16xf32>, vector<16xf32>, vector<16xf32>, vector<16xf32>, vector<16xf32>, vector<16xf32>, vector<16xf32>, vector<16xf32>)  : i32 {
        %add3A_803 = arith.constant 96 : i32
        %add3A_804 = arith.addi %add3A_803, %scan3A_794 : i32
        %get3A_805 = arith.index_cast %add3A_804 : i32 to index
        %get3A_806 = arith.constant 0 : index
        %get3A_807 = tpu.vector_load %arg6[%get3A_805, %get3A_806] {strides = array<i32>} : memref<128x128xf32, #tpu.memory_space<vmem>>, vector<1x16xf32>,
        %get3A_808 = vector.shape_cast %get3A_807 : vector<1x16xf32> to vector<16xf32>
        %get3A_809 = arith.index_cast %add3A_804 : i32 to index
        %get3A_810 = arith.constant 16 : index
        %get3A_811 = tpu.vector_load %arg6[%get3A_809, %get3A_810] {strides = array<i32>} : memref<128x128xf32, #tpu.memory_space<vmem>>, vector<1x16xf32>,
        %get3A_812 = vector.shape_cast %get3A_811 : vector<1x16xf32> to vector<16xf32>
        %get3A_813 = arith.index_cast %add3A_804 : i32 to index
        %get3A_814 = arith.constant 32 : index
        %get3A_815 = tpu.vector_load %arg6[%get3A_813, %get3A_814] {strides = array<i32>} : memref<128x128xf32, #tpu.memory_space<vmem>>, vector<1x16xf32>,
        %get3A_816 = vector.shape_cast %get3A_815 : vector<1x16xf32> to vector<16xf32>
        %get3A_817 = arith.index_cast %add3A_804 : i32 to index
        %get3A_818 = arith.constant 48 : index
        %get3A_819 = tpu.vector_load %arg6[%get3A_817, %get3A_818] {strides = array<i32>} : memref<128x128xf32, #tpu.memory_space<vmem>>, vector<1x16xf32>,
        %get3A_820 = vector.shape_cast %get3A_819 : vector<1x16xf32> to vector<16xf32>
        %add3A_821 = arith.addf %scan3A_795, %get3A_808 : vector<16xf32>
        %add3A_822 = arith.addf %scan3A_796, %get3A_812 : vector<16xf32>
        %add3A_823 = arith.addf %scan3A_797, %get3A_816 : vector<16xf32>
        %add3A_824 = arith.addf %scan3A_798, %get3A_820 : vector<16xf32>
        %max3A = arith.maximumf %scan3A_799, %get3A_808 : vector<16xf32>
        %max3A_825 = arith.maximumf %scan3A_800, %get3A_812 : vector<16xf32>
        %max3A_826 = arith.maximumf %scan3A_801, %get3A_816 : vector<16xf32>
        %max3A_827 = arith.maximumf %scan3A_802, %get3A_820 : vector<16xf32>
        scf.yield %add3A_821, %add3A_822, %add3A_823, %add3A_824, %max3A, %max3A_825, %max3A_826, %max3A_827 : vector<16xf32>, vector<16xf32>, vector<16xf32>, vector<16xf32>, vector<16xf32>, vector<16xf32>, vector<16xf32>, vector<16xf32>
      }
      %scan3A_647 = arith.constant 15 : i32
      %mul3A_648 = arith.constant 6.250000e-02 : f32
      %mul3A_649 = vector.broadcast %mul3A_648 : f32 to vector<16xf32>
      %mul3A_650 = arith.mulf %scan3A_646#0, %mul3A_649 : vector<16xf32>
      %swap3A_651 = arith.constant 6 : i32
      %swap3A_652 = arith.index_cast %swap3A_651 : i32 to index
      %swap3A_653 = arith.constant 0 : index
      %swap3A_654 = tpu.vector_load %arg7[%swap3A_652, %swap3A_653] {strides = array<i32>} : memref<8x128xf32, #tpu.memory_space<vmem>>, vector<1x16xf32>,
      %swap3A_655 = vector.shape_cast %swap3A_654 : vector<1x16xf32> to vector<16xf32>
      %swap3A_656 = vector.shape_cast %mul3A_650 : vector<16xf32> to vector<1x16xf32>
      tpu.vector_store %arg7[%swap3A_652, %swap3A_653], %swap3A_656 {strides = array<i32>} : memref<8x128xf32, #tpu.memory_space<vmem>>, vector<1x16xf32>,
      %mul3A_657 = arith.constant 6.250000e-02 : f32
      %mul3A_658 = vector.broadcast %mul3A_657 : f32 to vector<16xf32>
      %mul3A_659 = arith.mulf %scan3A_646#1, %mul3A_658 : vector<16xf32>
      %swap3A_660 = arith.constant 6 : i32
      %swap3A_661 = arith.index_cast %swap3A_660 : i32 to index
      %swap3A_662 = arith.constant 16 : index
      %swap3A_663 = tpu.vector_load %arg7[%swap3A_661, %swap3A_662] {strides = array<i32>} : memref<8x128xf32, #tpu.memory_space<vmem>>, vector<1x16xf32>,
      %swap3A_664 = vector.shape_cast %swap3A_663 : vector<1x16xf32> to vector<16xf32>
      %swap3A_665 = vector.shape_cast %mul3A_659 : vector<16xf32> to vector<1x16xf32>
      tpu.vector_store %arg7[%swap3A_661, %swap3A_662], %swap3A_665 {strides = array<i32>} : memref<8x128xf32, #tpu.memory_space<vmem>>, vector<1x16xf32>,
      %mul3A_666 = arith.constant 6.250000e-02 : f32
      %mul3A_667 = vector.broadcast %mul3A_666 : f32 to vector<16xf32>
      %mul3A_668 = arith.mulf %scan3A_646#2, %mul3A_667 : vector<16xf32>
      %swap3A_669 = arith.constant 6 : i32
      %swap3A_670 = arith.index_cast %swap3A_669 : i32 to index
      %swap3A_671 = arith.constant 32 : index
      %swap3A_672 = tpu.vector_load %arg7[%swap3A_670, %swap3A_671] {strides = array<i32>} : memref<8x128xf32, #tpu.memory_space<vmem>>, vector<1x16xf32>,
      %swap3A_673 = vector.shape_cast %swap3A_672 : vector<1x16xf32> to vector<16xf32>
      %swap3A_674 = vector.shape_cast %mul3A_668 : vector<16xf32> to vector<1x16xf32>
      tpu.vector_store %arg7[%swap3A_670, %swap3A_671], %swap3A_674 {strides = array<i32>} : memref<8x128xf32, #tpu.memory_space<vmem>>, vector<1x16xf32>,
      %mul3A_675 = arith.constant 6.250000e-02 : f32
      %mul3A_676 = vector.broadcast %mul3A_675 : f32 to vector<16xf32>
      %mul3A_677 = arith.mulf %scan3A_646#3, %mul3A_676 : vector<16xf32>
      %swap3A_678 = arith.constant 6 : i32
      %swap3A_679 = arith.index_cast %swap3A_678 : i32 to index
      %swap3A_680 = arith.constant 48 : index
      %swap3A_681 = tpu.vector_load %arg7[%swap3A_679, %swap3A_680] {strides = array<i32>} : memref<8x128xf32, #tpu.memory_space<vmem>>, vector<1x16xf32>,
      %swap3A_682 = vector.shape_cast %swap3A_681 : vector<1x16xf32> to vector<16xf32>
      %swap3A_683 = vector.shape_cast %mul3A_677 : vector<16xf32> to vector<1x16xf32>
      tpu.vector_store %arg7[%swap3A_679, %swap3A_680], %swap3A_683 {strides = array<i32>} : memref<8x128xf32, #tpu.memory_space<vmem>>, vector<1x16xf32>,
      %swap3A_684 = arith.constant 6 : i32
      %swap3A_685 = arith.index_cast %swap3A_684 : i32 to index
      %swap3A_686 = arith.constant 64 : index
      %swap3A_687 = tpu.vector_load %arg7[%swap3A_685, %swap3A_686] {strides = array<i32>} : memref<8x128xf32, #tpu.memory_space<vmem>>, vector<1x16xf32>,
      %swap3A_688 = vector.shape_cast %swap3A_687 : vector<1x16xf32> to vector<16xf32>
      %swap3A_689 = vector.shape_cast %scan3A_646#4 : vector<16xf32> to vector<1x16xf32>
      tpu.vector_store %arg7[%swap3A_685, %swap3A_686], %swap3A_689 {strides = array<i32>} : memref<8x128xf32, #tpu.memory_space<vmem>>, vector<1x16xf32>,
      %swap3A_690 = arith.constant 6 : i32
      %swap3A_691 = arith.index_cast %swap3A_690 : i32 to index
      %swap3A_692 = arith.constant 80 : index
      %swap3A_693 = tpu.vector_load %arg7[%swap3A_691, %swap3A_692] {strides = array<i32>} : memref<8x128xf32, #tpu.memory_space<vmem>>, vector<1x16xf32>,
      %swap3A_694 = vector.shape_cast %swap3A_693 : vector<1x16xf32> to vector<16xf32>
      %swap3A_695 = vector.shape_cast %scan3A_646#5 : vector<16xf32> to vector<1x16xf32>
      tpu.vector_store %arg7[%swap3A_691, %swap3A_692], %swap3A_695 {strides = array<i32>} : memref<8x128xf32, #tpu.memory_space<vmem>>, vector<1x16xf32>,
      %swap3A_696 = arith.constant 6 : i32
      %swap3A_697 = arith.index_cast %swap3A_696 : i32 to index
      %swap3A_698 = arith.constant 96 : index
      %swap3A_699 = tpu.vector_load %arg7[%swap3A_697, %swap3A_698] {strides = array<i32>} : memref<8x128xf32, #tpu.memory_space<vmem>>, vector<1x16xf32>,
      %swap3A_700 = vector.shape_cast %swap3A_699 : vector<1x16xf32> to vector<16xf32>
      %swap3A_701 = vector.shape_cast %scan3A_646#6 : vector<16xf32> to vector<1x16xf32>
      tpu.vector_store %arg7[%swap3A_697, %swap3A_698], %swap3A_701 {strides = array<i32>} : memref<8x128xf32, #tpu.memory_space<vmem>>, vector<1x16xf32>,
      %swap3A_702 = arith.constant 6 : i32
      %swap3A_703 = arith.index_cast %swap3A_702 : i32 to index
      %swap3A_704 = arith.constant 112 : index
      %swap3A_705 = tpu.vector_load %arg7[%swap3A_703, %swap3A_704] {strides = array<i32>} : memref<8x128xf32, #tpu.memory_space<vmem>>, vector<1x16xf32>,
      %swap3A_706 = vector.shape_cast %swap3A_705 : vector<1x16xf32> to vector<16xf32>
      %swap3A_707 = vector.shape_cast %scan3A_646#7 : vector<16xf32> to vector<1x16xf32>
      tpu.vector_store %arg7[%swap3A_703, %swap3A_704], %swap3A_707 {strides = array<i32>} : memref<8x128xf32, #tpu.memory_space<vmem>>, vector<1x16xf32>,
      %get3A_708 = arith.constant 112 : i32
      %get3A_709 = arith.index_cast %get3A_708 : i32 to index
      %get3A_710 = arith.constant 0 : index
      %get3A_711 = tpu.vector_load %arg6[%get3A_709, %get3A_710] {strides = array<i32>} : memref<128x128xf32, #tpu.memory_space<vmem>>, vector<1x16xf32>,
      %get3A_712 = vector.shape_cast %get3A_711 : vector<1x16xf32> to vector<16xf32>
      %get3A_713 = arith.constant 112 : i32
      %get3A_714 = arith.index_cast %get3A_713 : i32 to index
      %get3A_715 = arith.constant 16 : index
      %get3A_716 = tpu.vector_load %arg6[%get3A_714, %get3A_715] {strides = array<i32>} : memref<128x128xf32, #tpu.memory_space<vmem>>, vector<1x16xf32>,
      %get3A_717 = vector.shape_cast %get3A_716 : vector<1x16xf32> to vector<16xf32>
      %get3A_718 = arith.constant 112 : i32
      %get3A_719 = arith.index_cast %get3A_718 : i32 to index
      %get3A_720 = arith.constant 32 : index
      %get3A_721 = tpu.vector_load %arg6[%get3A_719, %get3A_720] {strides = array<i32>} : memref<128x128xf32, #tpu.memory_space<vmem>>, vector<1x16xf32>,
      %get3A_722 = vector.shape_cast %get3A_721 : vector<1x16xf32> to vector<16xf32>
      %get3A_723 = arith.constant 112 : i32
      %get3A_724 = arith.index_cast %get3A_723 : i32 to index
      %get3A_725 = arith.constant 48 : index
      %get3A_726 = tpu.vector_load %arg6[%get3A_724, %get3A_725] {strides = array<i32>} : memref<128x128xf32, #tpu.memory_space<vmem>>, vector<1x16xf32>,
      %get3A_727 = vector.shape_cast %get3A_726 : vector<1x16xf32> to vector<16xf32>
      %scan3A_728 = arith.constant 1 : i32
      %scan3A_729 = arith.constant 15 : i32
      %scan3A_730 = arith.addi %scan3A_728, %scan3A_729 : i32
      %scan3A_731 = arith.constant 1 : i32
      %scan3A_732:8 = scf.for %scan3A_794 = %scan3A_728 to %scan3A_730 step %scan3A_731 iter_args(%scan3A_795 = %get3A_712, %scan3A_796 = %get3A_717, %scan3A_797 = %get3A_722, %scan3A_798 = %get3A_727, %scan3A_799 = %get3A_712, %scan3A_800 = %get3A_717, %scan3A_801 = %get3A_722, %scan3A_802 = %get3A_727) -> (vector<16xf32>, vector<16xf32>, vector<16xf32>, vector<16xf32>, vector<16xf32>, vector<16xf32>, vector<16xf32>, vector<16xf32>)  : i32 {
        %add3A_803 = arith.constant 112 : i32
        %add3A_804 = arith.addi %add3A_803, %scan3A_794 : i32
        %get3A_805 = arith.index_cast %add3A_804 : i32 to index
        %get3A_806 = arith.constant 0 : index
        %get3A_807 = tpu.vector_load %arg6[%get3A_805, %get3A_806] {strides = array<i32>} : memref<128x128xf32, #tpu.memory_space<vmem>>, vector<1x16xf32>,
        %get3A_808 = vector.shape_cast %get3A_807 : vector<1x16xf32> to vector<16xf32>
        %get3A_809 = arith.index_cast %add3A_804 : i32 to index
        %get3A_810 = arith.constant 16 : index
        %get3A_811 = tpu.vector_load %arg6[%get3A_809, %get3A_810] {strides = array<i32>} : memref<128x128xf32, #tpu.memory_space<vmem>>, vector<1x16xf32>,
        %get3A_812 = vector.shape_cast %get3A_811 : vector<1x16xf32> to vector<16xf32>
        %get3A_813 = arith.index_cast %add3A_804 : i32 to index
        %get3A_814 = arith.constant 32 : index
        %get3A_815 = tpu.vector_load %arg6[%get3A_813, %get3A_814] {strides = array<i32>} : memref<128x128xf32, #tpu.memory_space<vmem>>, vector<1x16xf32>,
        %get3A_816 = vector.shape_cast %get3A_815 : vector<1x16xf32> to vector<16xf32>
        %get3A_817 = arith.index_cast %add3A_804 : i32 to index
        %get3A_818 = arith.constant 48 : index
        %get3A_819 = tpu.vector_load %arg6[%get3A_817, %get3A_818] {strides = array<i32>} : memref<128x128xf32, #tpu.memory_space<vmem>>, vector<1x16xf32>,
        %get3A_820 = vector.shape_cast %get3A_819 : vector<1x16xf32> to vector<16xf32>
        %add3A_821 = arith.addf %scan3A_795, %get3A_808 : vector<16xf32>
        %add3A_822 = arith.addf %scan3A_796, %get3A_812 : vector<16xf32>
        %add3A_823 = arith.addf %scan3A_797, %get3A_816 : vector<16xf32>
        %add3A_824 = arith.addf %scan3A_798, %get3A_820 : vector<16xf32>
        %max3A = arith.maximumf %scan3A_799, %get3A_808 : vector<16xf32>
        %max3A_825 = arith.maximumf %scan3A_800, %get3A_812 : vector<16xf32>
        %max3A_826 = arith.maximumf %scan3A_801, %get3A_816 : vector<16xf32>
        %max3A_827 = arith.maximumf %scan3A_802, %get3A_820 : vector<16xf32>
        scf.yield %add3A_821, %add3A_822, %add3A_823, %add3A_824, %max3A, %max3A_825, %max3A_826, %max3A_827 : vector<16xf32>, vector<16xf32>, vector<16xf32>, vector<16xf32>, vector<16xf32>, vector<16xf32>, vector<16xf32>, vector<16xf32>
      }
      %scan3A_733 = arith.constant 15 : i32
      %mul3A_734 = arith.constant 6.250000e-02 : f32
      %mul3A_735 = vector.broadcast %mul3A_734 : f32 to vector<16xf32>
      %mul3A_736 = arith.mulf %scan3A_732#0, %mul3A_735 : vector<16xf32>
      %swap3A_737 = arith.constant 7 : i32
      %swap3A_738 = arith.index_cast %swap3A_737 : i32 to index
      %swap3A_739 = arith.constant 0 : index
      %swap3A_740 = tpu.vector_load %arg7[%swap3A_738, %swap3A_739] {strides = array<i32>} : memref<8x128xf32, #tpu.memory_space<vmem>>, vector<1x16xf32>,
      %swap3A_741 = vector.shape_cast %swap3A_740 : vector<1x16xf32> to vector<16xf32>
      %swap3A_742 = vector.shape_cast %mul3A_736 : vector<16xf32> to vector<1x16xf32>
      tpu.vector_store %arg7[%swap3A_738, %swap3A_739], %swap3A_742 {strides = array<i32>} : memref<8x128xf32, #tpu.memory_space<vmem>>, vector<1x16xf32>,
      %mul3A_743 = arith.constant 6.250000e-02 : f32
      %mul3A_744 = vector.broadcast %mul3A_743 : f32 to vector<16xf32>
      %mul3A_745 = arith.mulf %scan3A_732#1, %mul3A_744 : vector<16xf32>
      %swap3A_746 = arith.constant 7 : i32
      %swap3A_747 = arith.index_cast %swap3A_746 : i32 to index
      %swap3A_748 = arith.constant 16 : index
      %swap3A_749 = tpu.vector_load %arg7[%swap3A_747, %swap3A_748] {strides = array<i32>} : memref<8x128xf32, #tpu.memory_space<vmem>>, vector<1x16xf32>,
      %swap3A_750 = vector.shape_cast %swap3A_749 : vector<1x16xf32> to vector<16xf32>
      %swap3A_751 = vector.shape_cast %mul3A_745 : vector<16xf32> to vector<1x16xf32>
      tpu.vector_store %arg7[%swap3A_747, %swap3A_748], %swap3A_751 {strides = array<i32>} : memref<8x128xf32, #tpu.memory_space<vmem>>, vector<1x16xf32>,
      %mul3A_752 = arith.constant 6.250000e-02 : f32
      %mul3A_753 = vector.broadcast %mul3A_752 : f32 to vector<16xf32>
      %mul3A_754 = arith.mulf %scan3A_732#2, %mul3A_753 : vector<16xf32>
      %swap3A_755 = arith.constant 7 : i32
      %swap3A_756 = arith.index_cast %swap3A_755 : i32 to index
      %swap3A_757 = arith.constant 32 : index
      %swap3A_758 = tpu.vector_load %arg7[%swap3A_756, %swap3A_757] {strides = array<i32>} : memref<8x128xf32, #tpu.memory_space<vmem>>, vector<1x16xf32>,
      %swap3A_759 = vector.shape_cast %swap3A_758 : vector<1x16xf32> to vector<16xf32>
      %swap3A_760 = vector.shape_cast %mul3A_754 : vector<16xf32> to vector<1x16xf32>
      tpu.vector_store %arg7[%swap3A_756, %swap3A_757], %swap3A_760 {strides = array<i32>} : memref<8x128xf32, #tpu.memory_space<vmem>>, vector<1x16xf32>,
      %mul3A_761 = arith.constant 6.250000e-02 : f32
      %mul3A_762 = vector.broadcast %mul3A_761 : f32 to vector<16xf32>
      %mul3A_763 = arith.mulf %scan3A_732#3, %mul3A_762 : vector<16xf32>
      %swap3A_764 = arith.constant 7 : i32
      %swap3A_765 = arith.index_cast %swap3A_764 : i32 to index
      %swap3A_766 = arith.constant 48 : index
      %swap3A_767 = tpu.vector_load %arg7[%swap3A_765, %swap3A_766] {strides = array<i32>} : memref<8x128xf32, #tpu.memory_space<vmem>>, vector<1x16xf32>,
      %swap3A_768 = vector.shape_cast %swap3A_767 : vector<1x16xf32> to vector<16xf32>
      %swap3A_769 = vector.shape_cast %mul3A_763 : vector<16xf32> to vector<1x16xf32>
      tpu.vector_store %arg7[%swap3A_765, %swap3A_766], %swap3A_769 {strides = array<i32>} : memref<8x128xf32, #tpu.memory_space<vmem>>, vector<1x16xf32>,
      %swap3A_770 = arith.constant 7 : i32
      %swap3A_771 = arith.index_cast %swap3A_770 : i32 to index
      %swap3A_772 = arith.constant 64 : index
      %swap3A_773 = tpu.vector_load %arg7[%swap3A_771, %swap3A_772] {strides = array<i32>} : memref<8x128xf32, #tpu.memory_space<vmem>>, vector<1x16xf32>,
      %swap3A_774 = vector.shape_cast %swap3A_773 : vector<1x16xf32> to vector<16xf32>
      %swap3A_775 = vector.shape_cast %scan3A_732#4 : vector<16xf32> to vector<1x16xf32>
      tpu.vector_store %arg7[%swap3A_771, %swap3A_772], %swap3A_775 {strides = array<i32>} : memref<8x128xf32, #tpu.memory_space<vmem>>, vector<1x16xf32>,
      %swap3A_776 = arith.constant 7 : i32
      %swap3A_777 = arith.index_cast %swap3A_776 : i32 to index
      %swap3A_778 = arith.constant 80 : index
      %swap3A_779 = tpu.vector_load %arg7[%swap3A_777, %swap3A_778] {strides = array<i32>} : memref<8x128xf32, #tpu.memory_space<vmem>>, vector<1x16xf32>,
      %swap3A_780 = vector.shape_cast %swap3A_779 : vector<1x16xf32> to vector<16xf32>
      %swap3A_781 = vector.shape_cast %scan3A_732#5 : vector<16xf32> to vector<1x16xf32>
      tpu.vector_store %arg7[%swap3A_777, %swap3A_778], %swap3A_781 {strides = array<i32>} : memref<8x128xf32, #tpu.memory_space<vmem>>, vector<1x16xf32>,
      %swap3A_782 = arith.constant 7 : i32
      %swap3A_783 = arith.index_cast %swap3A_782 : i32 to index
      %swap3A_784 = arith.constant 96 : index
      %swap3A_785 = tpu.vector_load %arg7[%swap3A_783, %swap3A_784] {strides = array<i32>} : memref<8x128xf32, #tpu.memory_space<vmem>>, vector<1x16xf32>,
      %swap3A_786 = vector.shape_cast %swap3A_785 : vector<1x16xf32> to vector<16xf32>
      %swap3A_787 = vector.shape_cast %scan3A_732#6 : vector<16xf32> to vector<1x16xf32>
      tpu.vector_store %arg7[%swap3A_783, %swap3A_784], %swap3A_787 {strides = array<i32>} : memref<8x128xf32, #tpu.memory_space<vmem>>, vector<1x16xf32>,
      %swap3A_788 = arith.constant 7 : i32
      %swap3A_789 = arith.index_cast %swap3A_788 : i32 to index
      %swap3A_790 = arith.constant 112 : index
      %swap3A_791 = tpu.vector_load %arg7[%swap3A_789, %swap3A_790] {strides = array<i32>} : memref<8x128xf32, #tpu.memory_space<vmem>>, vector<1x16xf32>,
      %swap3A_792 = vector.shape_cast %swap3A_791 : vector<1x16xf32> to vector<16xf32>
      %swap3A_793 = vector.shape_cast %scan3A_732#7 : vector<16xf32> to vector<1x16xf32>
      tpu.vector_store %arg7[%swap3A_789, %swap3A_790], %swap3A_793 {strides = array<i32>} : memref<8x128xf32, #tpu.memory_space<vmem>>, vector<1x16xf32>,
      "tpu.region"() ({
        %run_scoped3A = tpu.sem_alloc : memref<!tpu.dma_semaphore, #tpu.memory_space<semaphore_mem>>
        %dma_start3A_794 = arith.constant 0 : i32
        %dma_start3A_795 = tpu.memref_slice %arg4[%add3A_29, %dma_start3A_794] : memref<4096x128xf32, #tpu.memory_space<hbm>> -> memref<8x128xf32, #tpu.memory_space<hbm>>
        %dma_start3A_796 = arith.constant 0 : i32
        %dma_start3A_797 = tpu.memref_slice %arg4[%add3A_29, %dma_start3A_796] : memref<4096x128xf32, #tpu.memory_space<hbm>> -> memref<8x128xf32, #tpu.memory_space<hbm>>
        tpu.enqueue_dma source(%arg7 : memref<8x128xf32, #tpu.memory_space<vmem>>) target(%dma_start3A_797 : memref<8x128xf32, #tpu.memory_space<hbm>>) target_semaphore(%run_scoped3A : memref<!tpu.dma_semaphore, #tpu.memory_space<semaphore_mem>>)
        %dma_wait3A_798 = arith.constant 0 : i32
        %dma_wait3A_799 = tpu.memref_slice %arg4[%add3A_29, %dma_wait3A_798] : memref<4096x128xf32, #tpu.memory_space<hbm>> -> memref<8x128xf32, #tpu.memory_space<hbm>>
        %dma_wait3A_800 = arith.constant 0 : i32
        %dma_wait3A_801 = tpu.memref_slice %arg4[%add3A_29, %dma_wait3A_800] : memref<4096x128xf32, #tpu.memory_space<hbm>> -> memref<8x128xf32, #tpu.memory_space<hbm>>
        tpu.wait_dma2 semaphore(%run_scoped3A : memref<!tpu.dma_semaphore, #tpu.memory_space<semaphore_mem>>) src(%arg7 : memref<8x128xf32, #tpu.memory_space<vmem>>) dst(%dma_wait3A_801 : memref<8x128xf32, #tpu.memory_space<hbm>>)
        tpu.yield
      }) : () -> ()
    }
    %scan3A_25 = arith.constant 16 : i32
    return
  }
}

module attributes {stable_mosaic.version = 14 : i64} {
  func.func @_topk_body(%arg0: i32, %arg1: i32, %arg2: memref<1x4096x64xbf16, #tpu.memory_space<vmem>>, %arg3: memref<1x512x64xbf16, #tpu.memory_space<vmem>>, %arg4: memref<1x512x16xi32, #tpu.memory_space<vmem>>, %arg5: memref<512x4096xf32, #tpu.memory_space<vmem>>) attributes {dimension_semantics = [#tpu.dimension_semantics<arbitrary>, #tpu.dimension_semantics<arbitrary>], iteration_bounds = array<i64: 1, 8>, scalar_prefetch = 0 : i64, scratch_operands = 1 : i64, tpu.core_type = #tpu.core_type<tc>, window_params = [{transform_indices = @transform_0, window_bounds = array<i64: 1, 4096, 64>}, {transform_indices = @transform_1, window_bounds = array<i64: 1, 512, 64>}, {transform_indices = @transform_2, window_bounds = array<i64: 1, 512, 16>}]} {
    %get3A = arith.constant 0 : index
    %get3A_0 = arith.constant 0 : index
    %get3A_1 = arith.constant 0 : index
    %get3A_2 = vector.load %arg2[%get3A, %get3A_0, %get3A_1] : memref<1x4096x64xbf16, #tpu.memory_space<vmem>>, vector<1x4096x64xbf16>
    %get3A_3 = vector.shape_cast %get3A_2 : vector<1x4096x64xbf16> to vector<4096x64xbf16>
    %get3A_4 = arith.constant 0 : index
    %get3A_5 = arith.constant 0 : index
    %get3A_6 = arith.constant 0 : index
    %get3A_7 = vector.load %arg3[%get3A_4, %get3A_5, %get3A_6] : memref<1x512x64xbf16, #tpu.memory_space<vmem>>, vector<1x512x64xbf16>
    %get3A_8 = vector.shape_cast %get3A_7 : vector<1x512x64xbf16> to vector<512x64xbf16>
    %dot_general3A = arith.constant dense<0.000000e+00> : vector<512x4096xf32>
    %dot_general3A_9 = tpu.matmul %get3A_8, %get3A_3, %dot_general3A {dimension_numbers = #tpu.dot_dimension_numbers<[1], [1], [0], [0], [0, 0, 1, 0], [], []>, transpose_lhs_hint = false} : vector<512x64xbf16>, vector<4096x64xbf16>, vector<512x4096xf32> -> vector<512x4096xf32>
    %swap3A = arith.constant 0 : index
    %swap3A_10 = arith.constant 0 : index
    %swap3A_11 = vector.load %arg5[%swap3A, %swap3A_10] : memref<512x4096xf32, #tpu.memory_space<vmem>>, vector<512x4096xf32>
    tpu.vector_store %arg5[%swap3A, %swap3A_10], %dot_general3A_9 {strides = array<i32>} : memref<512x4096xf32, #tpu.memory_space<vmem>>, vector<512x4096xf32>,
    %iota3A = tpu.iota {dimensions = array<i32: 1>} : vector<512x4096xi32>
    %get3A_12 = arith.constant 0 : index
    %get3A_13 = arith.constant 0 : index
    %get3A_14 = vector.load %arg5[%get3A_12, %get3A_13] : memref<512x4096xf32, #tpu.memory_space<vmem>>, vector<512x4096xf32>
    %reduce_max3A = arith.constant dense<0xFF800000> : vector<512xf32>
    %reduce_max3A_15 = vector.multi_reduction <maximumf>, %get3A_14, %reduce_max3A [1] : vector<512x4096xf32> to vector<512xf32>
    %broadcast_in_dim3A = vector.shape_cast %reduce_max3A_15 : vector<512xf32> to vector<512x1xf32>
    %get3A_16 = arith.constant 0 : index
    %get3A_17 = arith.constant 0 : index
    %get3A_18 = vector.load %arg5[%get3A_16, %get3A_17] : memref<512x4096xf32, #tpu.memory_space<vmem>>, vector<512x4096xf32>
    %eq3A = vector.broadcast %broadcast_in_dim3A : vector<512x1xf32> to vector<512x4096xf32>
    %eq3A_19 = arith.cmpf oeq, %get3A_18, %eq3A : vector<512x4096xf32>
    %jit3A = arith.constant 4096 : i32
    %broadcast_in_dim3A_20 = vector.broadcast %jit3A : i32 to vector<512x4096xi32>
    %select_n3A = arith.select %eq3A_19, %iota3A, %broadcast_in_dim3A_20 : vector<512x4096xi1>, vector<512x4096xi32>
    %reduce_min3A = arith.constant dense<2147483647> : vector<512xi32>
    %reduce_min3A_21 = vector.multi_reduction <minsi>, %select_n3A, %reduce_min3A [1] : vector<512x4096xi32> to vector<512xi32>
    %broadcast_in_dim3A_22 = vector.shape_cast %reduce_min3A_21 : vector<512xi32> to vector<512x1xi32>
    %eq3A_23 = vector.broadcast %broadcast_in_dim3A_22 : vector<512x1xi32> to vector<512x4096xi32>
    %eq3A_24 = arith.cmpi eq, %iota3A, %eq3A_23 : vector<512x4096xi32>
    %jit3A_25 = arith.constant -2.000000e+00 : f32
    %broadcast_in_dim3A_26 = vector.broadcast %jit3A_25 : f32 to vector<512x4096xf32>
    %select_n3A_27 = arith.select %eq3A_24, %broadcast_in_dim3A_26, %get3A_18 : vector<512x4096xi1>, vector<512x4096xf32>
    %swap3A_28 = arith.constant 0 : index
    %swap3A_29 = arith.constant 0 : index
    %swap3A_30 = vector.load %arg5[%swap3A_28, %swap3A_29] : memref<512x4096xf32, #tpu.memory_space<vmem>>, vector<512x4096xf32>
    tpu.vector_store %arg5[%swap3A_28, %swap3A_29], %select_n3A_27 {strides = array<i32>} : memref<512x4096xf32, #tpu.memory_space<vmem>>, vector<512x4096xf32>,
    %reduce_max3A_31 = arith.constant dense<0xFF800000> : vector<512xf32>
    %reduce_max3A_32 = vector.multi_reduction <maximumf>, %select_n3A_27, %reduce_max3A_31 [1] : vector<512x4096xf32> to vector<512xf32>
    %broadcast_in_dim3A_33 = vector.shape_cast %reduce_max3A_32 : vector<512xf32> to vector<512x1xf32>
    %get3A_34 = arith.constant 0 : index
    %get3A_35 = arith.constant 0 : index
    %get3A_36 = vector.load %arg5[%get3A_34, %get3A_35] : memref<512x4096xf32, #tpu.memory_space<vmem>>, vector<512x4096xf32>
    %eq3A_37 = vector.broadcast %broadcast_in_dim3A_33 : vector<512x1xf32> to vector<512x4096xf32>
    %eq3A_38 = arith.cmpf oeq, %get3A_36, %eq3A_37 : vector<512x4096xf32>
    %jit3A_39 = arith.constant 4096 : i32
    %broadcast_in_dim3A_40 = vector.broadcast %jit3A_39 : i32 to vector<512x4096xi32>
    %select_n3A_41 = arith.select %eq3A_38, %iota3A, %broadcast_in_dim3A_40 : vector<512x4096xi1>, vector<512x4096xi32>
    %reduce_min3A_42 = arith.constant dense<2147483647> : vector<512xi32>
    %reduce_min3A_43 = vector.multi_reduction <minsi>, %select_n3A_41, %reduce_min3A_42 [1] : vector<512x4096xi32> to vector<512xi32>
    %broadcast_in_dim3A_44 = vector.shape_cast %reduce_min3A_43 : vector<512xi32> to vector<512x1xi32>
    %eq3A_45 = vector.broadcast %broadcast_in_dim3A_44 : vector<512x1xi32> to vector<512x4096xi32>
    %eq3A_46 = arith.cmpi eq, %iota3A, %eq3A_45 : vector<512x4096xi32>
    %jit3A_47 = arith.constant -2.000000e+00 : f32
    %broadcast_in_dim3A_48 = vector.broadcast %jit3A_47 : f32 to vector<512x4096xf32>
    %select_n3A_49 = arith.select %eq3A_46, %broadcast_in_dim3A_48, %get3A_36 : vector<512x4096xi1>, vector<512x4096xf32>
    %swap3A_50 = arith.constant 0 : index
    %swap3A_51 = arith.constant 0 : index
    %swap3A_52 = vector.load %arg5[%swap3A_50, %swap3A_51] : memref<512x4096xf32, #tpu.memory_space<vmem>>, vector<512x4096xf32>
    tpu.vector_store %arg5[%swap3A_50, %swap3A_51], %select_n3A_49 {strides = array<i32>} : memref<512x4096xf32, #tpu.memory_space<vmem>>, vector<512x4096xf32>,
    %reduce_max3A_53 = arith.constant dense<0xFF800000> : vector<512xf32>
    %reduce_max3A_54 = vector.multi_reduction <maximumf>, %select_n3A_49, %reduce_max3A_53 [1] : vector<512x4096xf32> to vector<512xf32>
    %broadcast_in_dim3A_55 = vector.shape_cast %reduce_max3A_54 : vector<512xf32> to vector<512x1xf32>
    %get3A_56 = arith.constant 0 : index
    %get3A_57 = arith.constant 0 : index
    %get3A_58 = vector.load %arg5[%get3A_56, %get3A_57] : memref<512x4096xf32, #tpu.memory_space<vmem>>, vector<512x4096xf32>
    %eq3A_59 = vector.broadcast %broadcast_in_dim3A_55 : vector<512x1xf32> to vector<512x4096xf32>
    %eq3A_60 = arith.cmpf oeq, %get3A_58, %eq3A_59 : vector<512x4096xf32>
    %jit3A_61 = arith.constant 4096 : i32
    %broadcast_in_dim3A_62 = vector.broadcast %jit3A_61 : i32 to vector<512x4096xi32>
    %select_n3A_63 = arith.select %eq3A_60, %iota3A, %broadcast_in_dim3A_62 : vector<512x4096xi1>, vector<512x4096xi32>
    %reduce_min3A_64 = arith.constant dense<2147483647> : vector<512xi32>
    %reduce_min3A_65 = vector.multi_reduction <minsi>, %select_n3A_63, %reduce_min3A_64 [1] : vector<512x4096xi32> to vector<512xi32>
    %broadcast_in_dim3A_66 = vector.shape_cast %reduce_min3A_65 : vector<512xi32> to vector<512x1xi32>
    %eq3A_67 = vector.broadcast %broadcast_in_dim3A_66 : vector<512x1xi32> to vector<512x4096xi32>
    %eq3A_68 = arith.cmpi eq, %iota3A, %eq3A_67 : vector<512x4096xi32>
    %jit3A_69 = arith.constant -2.000000e+00 : f32
    %broadcast_in_dim3A_70 = vector.broadcast %jit3A_69 : f32 to vector<512x4096xf32>
    %select_n3A_71 = arith.select %eq3A_68, %broadcast_in_dim3A_70, %get3A_58 : vector<512x4096xi1>, vector<512x4096xf32>
    %swap3A_72 = arith.constant 0 : index
    %swap3A_73 = arith.constant 0 : index
    %swap3A_74 = vector.load %arg5[%swap3A_72, %swap3A_73] : memref<512x4096xf32, #tpu.memory_space<vmem>>, vector<512x4096xf32>
    tpu.vector_store %arg5[%swap3A_72, %swap3A_73], %select_n3A_71 {strides = array<i32>} : memref<512x4096xf32, #tpu.memory_space<vmem>>, vector<512x4096xf32>,
    %reduce_max3A_75 = arith.constant dense<0xFF800000> : vector<512xf32>
    %reduce_max3A_76 = vector.multi_reduction <maximumf>, %select_n3A_71, %reduce_max3A_75 [1] : vector<512x4096xf32> to vector<512xf32>
    %broadcast_in_dim3A_77 = vector.shape_cast %reduce_max3A_76 : vector<512xf32> to vector<512x1xf32>
    %get3A_78 = arith.constant 0 : index
    %get3A_79 = arith.constant 0 : index
    %get3A_80 = vector.load %arg5[%get3A_78, %get3A_79] : memref<512x4096xf32, #tpu.memory_space<vmem>>, vector<512x4096xf32>
    %eq3A_81 = vector.broadcast %broadcast_in_dim3A_77 : vector<512x1xf32> to vector<512x4096xf32>
    %eq3A_82 = arith.cmpf oeq, %get3A_80, %eq3A_81 : vector<512x4096xf32>
    %jit3A_83 = arith.constant 4096 : i32
    %broadcast_in_dim3A_84 = vector.broadcast %jit3A_83 : i32 to vector<512x4096xi32>
    %select_n3A_85 = arith.select %eq3A_82, %iota3A, %broadcast_in_dim3A_84 : vector<512x4096xi1>, vector<512x4096xi32>
    %reduce_min3A_86 = arith.constant dense<2147483647> : vector<512xi32>
    %reduce_min3A_87 = vector.multi_reduction <minsi>, %select_n3A_85, %reduce_min3A_86 [1] : vector<512x4096xi32> to vector<512xi32>
    %broadcast_in_dim3A_88 = vector.shape_cast %reduce_min3A_87 : vector<512xi32> to vector<512x1xi32>
    %eq3A_89 = vector.broadcast %broadcast_in_dim3A_88 : vector<512x1xi32> to vector<512x4096xi32>
    %eq3A_90 = arith.cmpi eq, %iota3A, %eq3A_89 : vector<512x4096xi32>
    %jit3A_91 = arith.constant -2.000000e+00 : f32
    %broadcast_in_dim3A_92 = vector.broadcast %jit3A_91 : f32 to vector<512x4096xf32>
    %select_n3A_93 = arith.select %eq3A_90, %broadcast_in_dim3A_92, %get3A_80 : vector<512x4096xi1>, vector<512x4096xf32>
    %swap3A_94 = arith.constant 0 : index
    %swap3A_95 = arith.constant 0 : index
    %swap3A_96 = vector.load %arg5[%swap3A_94, %swap3A_95] : memref<512x4096xf32, #tpu.memory_space<vmem>>, vector<512x4096xf32>
    tpu.vector_store %arg5[%swap3A_94, %swap3A_95], %select_n3A_93 {strides = array<i32>} : memref<512x4096xf32, #tpu.memory_space<vmem>>, vector<512x4096xf32>,
    %reduce_max3A_97 = arith.constant dense<0xFF800000> : vector<512xf32>
    %reduce_max3A_98 = vector.multi_reduction <maximumf>, %select_n3A_93, %reduce_max3A_97 [1] : vector<512x4096xf32> to vector<512xf32>
    %broadcast_in_dim3A_99 = vector.shape_cast %reduce_max3A_98 : vector<512xf32> to vector<512x1xf32>
    %get3A_100 = arith.constant 0 : index
    %get3A_101 = arith.constant 0 : index
    %get3A_102 = vector.load %arg5[%get3A_100, %get3A_101] : memref<512x4096xf32, #tpu.memory_space<vmem>>, vector<512x4096xf32>
    %eq3A_103 = vector.broadcast %broadcast_in_dim3A_99 : vector<512x1xf32> to vector<512x4096xf32>
    %eq3A_104 = arith.cmpf oeq, %get3A_102, %eq3A_103 : vector<512x4096xf32>
    %jit3A_105 = arith.constant 4096 : i32
    %broadcast_in_dim3A_106 = vector.broadcast %jit3A_105 : i32 to vector<512x4096xi32>
    %select_n3A_107 = arith.select %eq3A_104, %iota3A, %broadcast_in_dim3A_106 : vector<512x4096xi1>, vector<512x4096xi32>
    %reduce_min3A_108 = arith.constant dense<2147483647> : vector<512xi32>
    %reduce_min3A_109 = vector.multi_reduction <minsi>, %select_n3A_107, %reduce_min3A_108 [1] : vector<512x4096xi32> to vector<512xi32>
    %broadcast_in_dim3A_110 = vector.shape_cast %reduce_min3A_109 : vector<512xi32> to vector<512x1xi32>
    %eq3A_111 = vector.broadcast %broadcast_in_dim3A_110 : vector<512x1xi32> to vector<512x4096xi32>
    %eq3A_112 = arith.cmpi eq, %iota3A, %eq3A_111 : vector<512x4096xi32>
    %jit3A_113 = arith.constant -2.000000e+00 : f32
    %broadcast_in_dim3A_114 = vector.broadcast %jit3A_113 : f32 to vector<512x4096xf32>
    %select_n3A_115 = arith.select %eq3A_112, %broadcast_in_dim3A_114, %get3A_102 : vector<512x4096xi1>, vector<512x4096xf32>
    %swap3A_116 = arith.constant 0 : index
    %swap3A_117 = arith.constant 0 : index
    %swap3A_118 = vector.load %arg5[%swap3A_116, %swap3A_117] : memref<512x4096xf32, #tpu.memory_space<vmem>>, vector<512x4096xf32>
    tpu.vector_store %arg5[%swap3A_116, %swap3A_117], %select_n3A_115 {strides = array<i32>} : memref<512x4096xf32, #tpu.memory_space<vmem>>, vector<512x4096xf32>,
    %reduce_max3A_119 = arith.constant dense<0xFF800000> : vector<512xf32>
    %reduce_max3A_120 = vector.multi_reduction <maximumf>, %select_n3A_115, %reduce_max3A_119 [1] : vector<512x4096xf32> to vector<512xf32>
    %broadcast_in_dim3A_121 = vector.shape_cast %reduce_max3A_120 : vector<512xf32> to vector<512x1xf32>
    %get3A_122 = arith.constant 0 : index
    %get3A_123 = arith.constant 0 : index
    %get3A_124 = vector.load %arg5[%get3A_122, %get3A_123] : memref<512x4096xf32, #tpu.memory_space<vmem>>, vector<512x4096xf32>
    %eq3A_125 = vector.broadcast %broadcast_in_dim3A_121 : vector<512x1xf32> to vector<512x4096xf32>
    %eq3A_126 = arith.cmpf oeq, %get3A_124, %eq3A_125 : vector<512x4096xf32>
    %jit3A_127 = arith.constant 4096 : i32
    %broadcast_in_dim3A_128 = vector.broadcast %jit3A_127 : i32 to vector<512x4096xi32>
    %select_n3A_129 = arith.select %eq3A_126, %iota3A, %broadcast_in_dim3A_128 : vector<512x4096xi1>, vector<512x4096xi32>
    %reduce_min3A_130 = arith.constant dense<2147483647> : vector<512xi32>
    %reduce_min3A_131 = vector.multi_reduction <minsi>, %select_n3A_129, %reduce_min3A_130 [1] : vector<512x4096xi32> to vector<512xi32>
    %broadcast_in_dim3A_132 = vector.shape_cast %reduce_min3A_131 : vector<512xi32> to vector<512x1xi32>
    %eq3A_133 = vector.broadcast %broadcast_in_dim3A_132 : vector<512x1xi32> to vector<512x4096xi32>
    %eq3A_134 = arith.cmpi eq, %iota3A, %eq3A_133 : vector<512x4096xi32>
    %jit3A_135 = arith.constant -2.000000e+00 : f32
    %broadcast_in_dim3A_136 = vector.broadcast %jit3A_135 : f32 to vector<512x4096xf32>
    %select_n3A_137 = arith.select %eq3A_134, %broadcast_in_dim3A_136, %get3A_124 : vector<512x4096xi1>, vector<512x4096xf32>
    %swap3A_138 = arith.constant 0 : index
    %swap3A_139 = arith.constant 0 : index
    %swap3A_140 = vector.load %arg5[%swap3A_138, %swap3A_139] : memref<512x4096xf32, #tpu.memory_space<vmem>>, vector<512x4096xf32>
    tpu.vector_store %arg5[%swap3A_138, %swap3A_139], %select_n3A_137 {strides = array<i32>} : memref<512x4096xf32, #tpu.memory_space<vmem>>, vector<512x4096xf32>,
    %reduce_max3A_141 = arith.constant dense<0xFF800000> : vector<512xf32>
    %reduce_max3A_142 = vector.multi_reduction <maximumf>, %select_n3A_137, %reduce_max3A_141 [1] : vector<512x4096xf32> to vector<512xf32>
    %broadcast_in_dim3A_143 = vector.shape_cast %reduce_max3A_142 : vector<512xf32> to vector<512x1xf32>
    %get3A_144 = arith.constant 0 : index
    %get3A_145 = arith.constant 0 : index
    %get3A_146 = vector.load %arg5[%get3A_144, %get3A_145] : memref<512x4096xf32, #tpu.memory_space<vmem>>, vector<512x4096xf32>
    %eq3A_147 = vector.broadcast %broadcast_in_dim3A_143 : vector<512x1xf32> to vector<512x4096xf32>
    %eq3A_148 = arith.cmpf oeq, %get3A_146, %eq3A_147 : vector<512x4096xf32>
    %jit3A_149 = arith.constant 4096 : i32
    %broadcast_in_dim3A_150 = vector.broadcast %jit3A_149 : i32 to vector<512x4096xi32>
    %select_n3A_151 = arith.select %eq3A_148, %iota3A, %broadcast_in_dim3A_150 : vector<512x4096xi1>, vector<512x4096xi32>
    %reduce_min3A_152 = arith.constant dense<2147483647> : vector<512xi32>
    %reduce_min3A_153 = vector.multi_reduction <minsi>, %select_n3A_151, %reduce_min3A_152 [1] : vector<512x4096xi32> to vector<512xi32>
    %broadcast_in_dim3A_154 = vector.shape_cast %reduce_min3A_153 : vector<512xi32> to vector<512x1xi32>
    %eq3A_155 = vector.broadcast %broadcast_in_dim3A_154 : vector<512x1xi32> to vector<512x4096xi32>
    %eq3A_156 = arith.cmpi eq, %iota3A, %eq3A_155 : vector<512x4096xi32>
    %jit3A_157 = arith.constant -2.000000e+00 : f32
    %broadcast_in_dim3A_158 = vector.broadcast %jit3A_157 : f32 to vector<512x4096xf32>
    %select_n3A_159 = arith.select %eq3A_156, %broadcast_in_dim3A_158, %get3A_146 : vector<512x4096xi1>, vector<512x4096xf32>
    %swap3A_160 = arith.constant 0 : index
    %swap3A_161 = arith.constant 0 : index
    %swap3A_162 = vector.load %arg5[%swap3A_160, %swap3A_161] : memref<512x4096xf32, #tpu.memory_space<vmem>>, vector<512x4096xf32>
    tpu.vector_store %arg5[%swap3A_160, %swap3A_161], %select_n3A_159 {strides = array<i32>} : memref<512x4096xf32, #tpu.memory_space<vmem>>, vector<512x4096xf32>,
    %reduce_max3A_163 = arith.constant dense<0xFF800000> : vector<512xf32>
    %reduce_max3A_164 = vector.multi_reduction <maximumf>, %select_n3A_159, %reduce_max3A_163 [1] : vector<512x4096xf32> to vector<512xf32>
    %broadcast_in_dim3A_165 = vector.shape_cast %reduce_max3A_164 : vector<512xf32> to vector<512x1xf32>
    %get3A_166 = arith.constant 0 : index
    %get3A_167 = arith.constant 0 : index
    %get3A_168 = vector.load %arg5[%get3A_166, %get3A_167] : memref<512x4096xf32, #tpu.memory_space<vmem>>, vector<512x4096xf32>
    %eq3A_169 = vector.broadcast %broadcast_in_dim3A_165 : vector<512x1xf32> to vector<512x4096xf32>
    %eq3A_170 = arith.cmpf oeq, %get3A_168, %eq3A_169 : vector<512x4096xf32>
    %jit3A_171 = arith.constant 4096 : i32
    %broadcast_in_dim3A_172 = vector.broadcast %jit3A_171 : i32 to vector<512x4096xi32>
    %select_n3A_173 = arith.select %eq3A_170, %iota3A, %broadcast_in_dim3A_172 : vector<512x4096xi1>, vector<512x4096xi32>
    %reduce_min3A_174 = arith.constant dense<2147483647> : vector<512xi32>
    %reduce_min3A_175 = vector.multi_reduction <minsi>, %select_n3A_173, %reduce_min3A_174 [1] : vector<512x4096xi32> to vector<512xi32>
    %broadcast_in_dim3A_176 = vector.shape_cast %reduce_min3A_175 : vector<512xi32> to vector<512x1xi32>
    %eq3A_177 = vector.broadcast %broadcast_in_dim3A_176 : vector<512x1xi32> to vector<512x4096xi32>
    %eq3A_178 = arith.cmpi eq, %iota3A, %eq3A_177 : vector<512x4096xi32>
    %jit3A_179 = arith.constant -2.000000e+00 : f32
    %broadcast_in_dim3A_180 = vector.broadcast %jit3A_179 : f32 to vector<512x4096xf32>
    %select_n3A_181 = arith.select %eq3A_178, %broadcast_in_dim3A_180, %get3A_168 : vector<512x4096xi1>, vector<512x4096xf32>
    %swap3A_182 = arith.constant 0 : index
    %swap3A_183 = arith.constant 0 : index
    %swap3A_184 = vector.load %arg5[%swap3A_182, %swap3A_183] : memref<512x4096xf32, #tpu.memory_space<vmem>>, vector<512x4096xf32>
    tpu.vector_store %arg5[%swap3A_182, %swap3A_183], %select_n3A_181 {strides = array<i32>} : memref<512x4096xf32, #tpu.memory_space<vmem>>, vector<512x4096xf32>,
    %reduce_max3A_185 = arith.constant dense<0xFF800000> : vector<512xf32>
    %reduce_max3A_186 = vector.multi_reduction <maximumf>, %select_n3A_181, %reduce_max3A_185 [1] : vector<512x4096xf32> to vector<512xf32>
    %broadcast_in_dim3A_187 = vector.shape_cast %reduce_max3A_186 : vector<512xf32> to vector<512x1xf32>
    %get3A_188 = arith.constant 0 : index
    %get3A_189 = arith.constant 0 : index
    %get3A_190 = vector.load %arg5[%get3A_188, %get3A_189] : memref<512x4096xf32, #tpu.memory_space<vmem>>, vector<512x4096xf32>
    %eq3A_191 = vector.broadcast %broadcast_in_dim3A_187 : vector<512x1xf32> to vector<512x4096xf32>
    %eq3A_192 = arith.cmpf oeq, %get3A_190, %eq3A_191 : vector<512x4096xf32>
    %jit3A_193 = arith.constant 4096 : i32
    %broadcast_in_dim3A_194 = vector.broadcast %jit3A_193 : i32 to vector<512x4096xi32>
    %select_n3A_195 = arith.select %eq3A_192, %iota3A, %broadcast_in_dim3A_194 : vector<512x4096xi1>, vector<512x4096xi32>
    %reduce_min3A_196 = arith.constant dense<2147483647> : vector<512xi32>
    %reduce_min3A_197 = vector.multi_reduction <minsi>, %select_n3A_195, %reduce_min3A_196 [1] : vector<512x4096xi32> to vector<512xi32>
    %broadcast_in_dim3A_198 = vector.shape_cast %reduce_min3A_197 : vector<512xi32> to vector<512x1xi32>
    %eq3A_199 = vector.broadcast %broadcast_in_dim3A_198 : vector<512x1xi32> to vector<512x4096xi32>
    %eq3A_200 = arith.cmpi eq, %iota3A, %eq3A_199 : vector<512x4096xi32>
    %jit3A_201 = arith.constant -2.000000e+00 : f32
    %broadcast_in_dim3A_202 = vector.broadcast %jit3A_201 : f32 to vector<512x4096xf32>
    %select_n3A_203 = arith.select %eq3A_200, %broadcast_in_dim3A_202, %get3A_190 : vector<512x4096xi1>, vector<512x4096xf32>
    %swap3A_204 = arith.constant 0 : index
    %swap3A_205 = arith.constant 0 : index
    %swap3A_206 = vector.load %arg5[%swap3A_204, %swap3A_205] : memref<512x4096xf32, #tpu.memory_space<vmem>>, vector<512x4096xf32>
    tpu.vector_store %arg5[%swap3A_204, %swap3A_205], %select_n3A_203 {strides = array<i32>} : memref<512x4096xf32, #tpu.memory_space<vmem>>, vector<512x4096xf32>,
    %reduce_max3A_207 = arith.constant dense<0xFF800000> : vector<512xf32>
    %reduce_max3A_208 = vector.multi_reduction <maximumf>, %select_n3A_203, %reduce_max3A_207 [1] : vector<512x4096xf32> to vector<512xf32>
    %broadcast_in_dim3A_209 = vector.shape_cast %reduce_max3A_208 : vector<512xf32> to vector<512x1xf32>
    %get3A_210 = arith.constant 0 : index
    %get3A_211 = arith.constant 0 : index
    %get3A_212 = vector.load %arg5[%get3A_210, %get3A_211] : memref<512x4096xf32, #tpu.memory_space<vmem>>, vector<512x4096xf32>
    %eq3A_213 = vector.broadcast %broadcast_in_dim3A_209 : vector<512x1xf32> to vector<512x4096xf32>
    %eq3A_214 = arith.cmpf oeq, %get3A_212, %eq3A_213 : vector<512x4096xf32>
    %jit3A_215 = arith.constant 4096 : i32
    %broadcast_in_dim3A_216 = vector.broadcast %jit3A_215 : i32 to vector<512x4096xi32>
    %select_n3A_217 = arith.select %eq3A_214, %iota3A, %broadcast_in_dim3A_216 : vector<512x4096xi1>, vector<512x4096xi32>
    %reduce_min3A_218 = arith.constant dense<2147483647> : vector<512xi32>
    %reduce_min3A_219 = vector.multi_reduction <minsi>, %select_n3A_217, %reduce_min3A_218 [1] : vector<512x4096xi32> to vector<512xi32>
    %broadcast_in_dim3A_220 = vector.shape_cast %reduce_min3A_219 : vector<512xi32> to vector<512x1xi32>
    %eq3A_221 = vector.broadcast %broadcast_in_dim3A_220 : vector<512x1xi32> to vector<512x4096xi32>
    %eq3A_222 = arith.cmpi eq, %iota3A, %eq3A_221 : vector<512x4096xi32>
    %jit3A_223 = arith.constant -2.000000e+00 : f32
    %broadcast_in_dim3A_224 = vector.broadcast %jit3A_223 : f32 to vector<512x4096xf32>
    %select_n3A_225 = arith.select %eq3A_222, %broadcast_in_dim3A_224, %get3A_212 : vector<512x4096xi1>, vector<512x4096xf32>
    %swap3A_226 = arith.constant 0 : index
    %swap3A_227 = arith.constant 0 : index
    %swap3A_228 = vector.load %arg5[%swap3A_226, %swap3A_227] : memref<512x4096xf32, #tpu.memory_space<vmem>>, vector<512x4096xf32>
    tpu.vector_store %arg5[%swap3A_226, %swap3A_227], %select_n3A_225 {strides = array<i32>} : memref<512x4096xf32, #tpu.memory_space<vmem>>, vector<512x4096xf32>,
    %reduce_max3A_229 = arith.constant dense<0xFF800000> : vector<512xf32>
    %reduce_max3A_230 = vector.multi_reduction <maximumf>, %select_n3A_225, %reduce_max3A_229 [1] : vector<512x4096xf32> to vector<512xf32>
    %broadcast_in_dim3A_231 = vector.shape_cast %reduce_max3A_230 : vector<512xf32> to vector<512x1xf32>
    %get3A_232 = arith.constant 0 : index
    %get3A_233 = arith.constant 0 : index
    %get3A_234 = vector.load %arg5[%get3A_232, %get3A_233] : memref<512x4096xf32, #tpu.memory_space<vmem>>, vector<512x4096xf32>
    %eq3A_235 = vector.broadcast %broadcast_in_dim3A_231 : vector<512x1xf32> to vector<512x4096xf32>
    %eq3A_236 = arith.cmpf oeq, %get3A_234, %eq3A_235 : vector<512x4096xf32>
    %jit3A_237 = arith.constant 4096 : i32
    %broadcast_in_dim3A_238 = vector.broadcast %jit3A_237 : i32 to vector<512x4096xi32>
    %select_n3A_239 = arith.select %eq3A_236, %iota3A, %broadcast_in_dim3A_238 : vector<512x4096xi1>, vector<512x4096xi32>
    %reduce_min3A_240 = arith.constant dense<2147483647> : vector<512xi32>
    %reduce_min3A_241 = vector.multi_reduction <minsi>, %select_n3A_239, %reduce_min3A_240 [1] : vector<512x4096xi32> to vector<512xi32>
    %broadcast_in_dim3A_242 = vector.shape_cast %reduce_min3A_241 : vector<512xi32> to vector<512x1xi32>
    %eq3A_243 = vector.broadcast %broadcast_in_dim3A_242 : vector<512x1xi32> to vector<512x4096xi32>
    %eq3A_244 = arith.cmpi eq, %iota3A, %eq3A_243 : vector<512x4096xi32>
    %jit3A_245 = arith.constant -2.000000e+00 : f32
    %broadcast_in_dim3A_246 = vector.broadcast %jit3A_245 : f32 to vector<512x4096xf32>
    %select_n3A_247 = arith.select %eq3A_244, %broadcast_in_dim3A_246, %get3A_234 : vector<512x4096xi1>, vector<512x4096xf32>
    %swap3A_248 = arith.constant 0 : index
    %swap3A_249 = arith.constant 0 : index
    %swap3A_250 = vector.load %arg5[%swap3A_248, %swap3A_249] : memref<512x4096xf32, #tpu.memory_space<vmem>>, vector<512x4096xf32>
    tpu.vector_store %arg5[%swap3A_248, %swap3A_249], %select_n3A_247 {strides = array<i32>} : memref<512x4096xf32, #tpu.memory_space<vmem>>, vector<512x4096xf32>,
    %reduce_max3A_251 = arith.constant dense<0xFF800000> : vector<512xf32>
    %reduce_max3A_252 = vector.multi_reduction <maximumf>, %select_n3A_247, %reduce_max3A_251 [1] : vector<512x4096xf32> to vector<512xf32>
    %broadcast_in_dim3A_253 = vector.shape_cast %reduce_max3A_252 : vector<512xf32> to vector<512x1xf32>
    %get3A_254 = arith.constant 0 : index
    %get3A_255 = arith.constant 0 : index
    %get3A_256 = vector.load %arg5[%get3A_254, %get3A_255] : memref<512x4096xf32, #tpu.memory_space<vmem>>, vector<512x4096xf32>
    %eq3A_257 = vector.broadcast %broadcast_in_dim3A_253 : vector<512x1xf32> to vector<512x4096xf32>
    %eq3A_258 = arith.cmpf oeq, %get3A_256, %eq3A_257 : vector<512x4096xf32>
    %jit3A_259 = arith.constant 4096 : i32
    %broadcast_in_dim3A_260 = vector.broadcast %jit3A_259 : i32 to vector<512x4096xi32>
    %select_n3A_261 = arith.select %eq3A_258, %iota3A, %broadcast_in_dim3A_260 : vector<512x4096xi1>, vector<512x4096xi32>
    %reduce_min3A_262 = arith.constant dense<2147483647> : vector<512xi32>
    %reduce_min3A_263 = vector.multi_reduction <minsi>, %select_n3A_261, %reduce_min3A_262 [1] : vector<512x4096xi32> to vector<512xi32>
    %broadcast_in_dim3A_264 = vector.shape_cast %reduce_min3A_263 : vector<512xi32> to vector<512x1xi32>
    %eq3A_265 = vector.broadcast %broadcast_in_dim3A_264 : vector<512x1xi32> to vector<512x4096xi32>
    %eq3A_266 = arith.cmpi eq, %iota3A, %eq3A_265 : vector<512x4096xi32>
    %jit3A_267 = arith.constant -2.000000e+00 : f32
    %broadcast_in_dim3A_268 = vector.broadcast %jit3A_267 : f32 to vector<512x4096xf32>
    %select_n3A_269 = arith.select %eq3A_266, %broadcast_in_dim3A_268, %get3A_256 : vector<512x4096xi1>, vector<512x4096xf32>
    %swap3A_270 = arith.constant 0 : index
    %swap3A_271 = arith.constant 0 : index
    %swap3A_272 = vector.load %arg5[%swap3A_270, %swap3A_271] : memref<512x4096xf32, #tpu.memory_space<vmem>>, vector<512x4096xf32>
    tpu.vector_store %arg5[%swap3A_270, %swap3A_271], %select_n3A_269 {strides = array<i32>} : memref<512x4096xf32, #tpu.memory_space<vmem>>, vector<512x4096xf32>,
    %reduce_max3A_273 = arith.constant dense<0xFF800000> : vector<512xf32>
    %reduce_max3A_274 = vector.multi_reduction <maximumf>, %select_n3A_269, %reduce_max3A_273 [1] : vector<512x4096xf32> to vector<512xf32>
    %broadcast_in_dim3A_275 = vector.shape_cast %reduce_max3A_274 : vector<512xf32> to vector<512x1xf32>
    %get3A_276 = arith.constant 0 : index
    %get3A_277 = arith.constant 0 : index
    %get3A_278 = vector.load %arg5[%get3A_276, %get3A_277] : memref<512x4096xf32, #tpu.memory_space<vmem>>, vector<512x4096xf32>
    %eq3A_279 = vector.broadcast %broadcast_in_dim3A_275 : vector<512x1xf32> to vector<512x4096xf32>
    %eq3A_280 = arith.cmpf oeq, %get3A_278, %eq3A_279 : vector<512x4096xf32>
    %jit3A_281 = arith.constant 4096 : i32
    %broadcast_in_dim3A_282 = vector.broadcast %jit3A_281 : i32 to vector<512x4096xi32>
    %select_n3A_283 = arith.select %eq3A_280, %iota3A, %broadcast_in_dim3A_282 : vector<512x4096xi1>, vector<512x4096xi32>
    %reduce_min3A_284 = arith.constant dense<2147483647> : vector<512xi32>
    %reduce_min3A_285 = vector.multi_reduction <minsi>, %select_n3A_283, %reduce_min3A_284 [1] : vector<512x4096xi32> to vector<512xi32>
    %broadcast_in_dim3A_286 = vector.shape_cast %reduce_min3A_285 : vector<512xi32> to vector<512x1xi32>
    %eq3A_287 = vector.broadcast %broadcast_in_dim3A_286 : vector<512x1xi32> to vector<512x4096xi32>
    %eq3A_288 = arith.cmpi eq, %iota3A, %eq3A_287 : vector<512x4096xi32>
    %jit3A_289 = arith.constant -2.000000e+00 : f32
    %broadcast_in_dim3A_290 = vector.broadcast %jit3A_289 : f32 to vector<512x4096xf32>
    %select_n3A_291 = arith.select %eq3A_288, %broadcast_in_dim3A_290, %get3A_278 : vector<512x4096xi1>, vector<512x4096xf32>
    %swap3A_292 = arith.constant 0 : index
    %swap3A_293 = arith.constant 0 : index
    %swap3A_294 = vector.load %arg5[%swap3A_292, %swap3A_293] : memref<512x4096xf32, #tpu.memory_space<vmem>>, vector<512x4096xf32>
    tpu.vector_store %arg5[%swap3A_292, %swap3A_293], %select_n3A_291 {strides = array<i32>} : memref<512x4096xf32, #tpu.memory_space<vmem>>, vector<512x4096xf32>,
    %reduce_max3A_295 = arith.constant dense<0xFF800000> : vector<512xf32>
    %reduce_max3A_296 = vector.multi_reduction <maximumf>, %select_n3A_291, %reduce_max3A_295 [1] : vector<512x4096xf32> to vector<512xf32>
    %broadcast_in_dim3A_297 = vector.shape_cast %reduce_max3A_296 : vector<512xf32> to vector<512x1xf32>
    %get3A_298 = arith.constant 0 : index
    %get3A_299 = arith.constant 0 : index
    %get3A_300 = vector.load %arg5[%get3A_298, %get3A_299] : memref<512x4096xf32, #tpu.memory_space<vmem>>, vector<512x4096xf32>
    %eq3A_301 = vector.broadcast %broadcast_in_dim3A_297 : vector<512x1xf32> to vector<512x4096xf32>
    %eq3A_302 = arith.cmpf oeq, %get3A_300, %eq3A_301 : vector<512x4096xf32>
    %jit3A_303 = arith.constant 4096 : i32
    %broadcast_in_dim3A_304 = vector.broadcast %jit3A_303 : i32 to vector<512x4096xi32>
    %select_n3A_305 = arith.select %eq3A_302, %iota3A, %broadcast_in_dim3A_304 : vector<512x4096xi1>, vector<512x4096xi32>
    %reduce_min3A_306 = arith.constant dense<2147483647> : vector<512xi32>
    %reduce_min3A_307 = vector.multi_reduction <minsi>, %select_n3A_305, %reduce_min3A_306 [1] : vector<512x4096xi32> to vector<512xi32>
    %broadcast_in_dim3A_308 = vector.shape_cast %reduce_min3A_307 : vector<512xi32> to vector<512x1xi32>
    %eq3A_309 = vector.broadcast %broadcast_in_dim3A_308 : vector<512x1xi32> to vector<512x4096xi32>
    %eq3A_310 = arith.cmpi eq, %iota3A, %eq3A_309 : vector<512x4096xi32>
    %jit3A_311 = arith.constant -2.000000e+00 : f32
    %broadcast_in_dim3A_312 = vector.broadcast %jit3A_311 : f32 to vector<512x4096xf32>
    %select_n3A_313 = arith.select %eq3A_310, %broadcast_in_dim3A_312, %get3A_300 : vector<512x4096xi1>, vector<512x4096xf32>
    %swap3A_314 = arith.constant 0 : index
    %swap3A_315 = arith.constant 0 : index
    %swap3A_316 = vector.load %arg5[%swap3A_314, %swap3A_315] : memref<512x4096xf32, #tpu.memory_space<vmem>>, vector<512x4096xf32>
    tpu.vector_store %arg5[%swap3A_314, %swap3A_315], %select_n3A_313 {strides = array<i32>} : memref<512x4096xf32, #tpu.memory_space<vmem>>, vector<512x4096xf32>,
    %reduce_max3A_317 = arith.constant dense<0xFF800000> : vector<512xf32>
    %reduce_max3A_318 = vector.multi_reduction <maximumf>, %select_n3A_313, %reduce_max3A_317 [1] : vector<512x4096xf32> to vector<512xf32>
    %broadcast_in_dim3A_319 = vector.shape_cast %reduce_max3A_318 : vector<512xf32> to vector<512x1xf32>
    %get3A_320 = arith.constant 0 : index
    %get3A_321 = arith.constant 0 : index
    %get3A_322 = vector.load %arg5[%get3A_320, %get3A_321] : memref<512x4096xf32, #tpu.memory_space<vmem>>, vector<512x4096xf32>
    %eq3A_323 = vector.broadcast %broadcast_in_dim3A_319 : vector<512x1xf32> to vector<512x4096xf32>
    %eq3A_324 = arith.cmpf oeq, %get3A_322, %eq3A_323 : vector<512x4096xf32>
    %jit3A_325 = arith.constant 4096 : i32
    %broadcast_in_dim3A_326 = vector.broadcast %jit3A_325 : i32 to vector<512x4096xi32>
    %select_n3A_327 = arith.select %eq3A_324, %iota3A, %broadcast_in_dim3A_326 : vector<512x4096xi1>, vector<512x4096xi32>
    %reduce_min3A_328 = arith.constant dense<2147483647> : vector<512xi32>
    %reduce_min3A_329 = vector.multi_reduction <minsi>, %select_n3A_327, %reduce_min3A_328 [1] : vector<512x4096xi32> to vector<512xi32>
    %broadcast_in_dim3A_330 = vector.shape_cast %reduce_min3A_329 : vector<512xi32> to vector<512x1xi32>
    %eq3A_331 = vector.broadcast %broadcast_in_dim3A_330 : vector<512x1xi32> to vector<512x4096xi32>
    %eq3A_332 = arith.cmpi eq, %iota3A, %eq3A_331 : vector<512x4096xi32>
    %jit3A_333 = arith.constant -2.000000e+00 : f32
    %broadcast_in_dim3A_334 = vector.broadcast %jit3A_333 : f32 to vector<512x4096xf32>
    %select_n3A_335 = arith.select %eq3A_332, %broadcast_in_dim3A_334, %get3A_322 : vector<512x4096xi1>, vector<512x4096xf32>
    %swap3A_336 = arith.constant 0 : index
    %swap3A_337 = arith.constant 0 : index
    %swap3A_338 = vector.load %arg5[%swap3A_336, %swap3A_337] : memref<512x4096xf32, #tpu.memory_space<vmem>>, vector<512x4096xf32>
    tpu.vector_store %arg5[%swap3A_336, %swap3A_337], %select_n3A_335 {strides = array<i32>} : memref<512x4096xf32, #tpu.memory_space<vmem>>, vector<512x4096xf32>,
    %reduce_max3A_339 = arith.constant dense<0xFF800000> : vector<512xf32>
    %reduce_max3A_340 = vector.multi_reduction <maximumf>, %select_n3A_335, %reduce_max3A_339 [1] : vector<512x4096xf32> to vector<512xf32>
    %broadcast_in_dim3A_341 = vector.shape_cast %reduce_max3A_340 : vector<512xf32> to vector<512x1xf32>
    %get3A_342 = arith.constant 0 : index
    %get3A_343 = arith.constant 0 : index
    %get3A_344 = vector.load %arg5[%get3A_342, %get3A_343] : memref<512x4096xf32, #tpu.memory_space<vmem>>, vector<512x4096xf32>
    %eq3A_345 = vector.broadcast %broadcast_in_dim3A_341 : vector<512x1xf32> to vector<512x4096xf32>
    %eq3A_346 = arith.cmpf oeq, %get3A_344, %eq3A_345 : vector<512x4096xf32>
    %jit3A_347 = arith.constant 4096 : i32
    %broadcast_in_dim3A_348 = vector.broadcast %jit3A_347 : i32 to vector<512x4096xi32>
    %select_n3A_349 = arith.select %eq3A_346, %iota3A, %broadcast_in_dim3A_348 : vector<512x4096xi1>, vector<512x4096xi32>
    %reduce_min3A_350 = arith.constant dense<2147483647> : vector<512xi32>
    %reduce_min3A_351 = vector.multi_reduction <minsi>, %select_n3A_349, %reduce_min3A_350 [1] : vector<512x4096xi32> to vector<512xi32>
    %broadcast_in_dim3A_352 = vector.shape_cast %reduce_min3A_351 : vector<512xi32> to vector<512x1xi32>
    %concatenate3A = tpu.concatenate %broadcast_in_dim3A_22, %broadcast_in_dim3A_44, %broadcast_in_dim3A_66, %broadcast_in_dim3A_88, %broadcast_in_dim3A_110, %broadcast_in_dim3A_132, %broadcast_in_dim3A_154, %broadcast_in_dim3A_176, %broadcast_in_dim3A_198, %broadcast_in_dim3A_220, %broadcast_in_dim3A_242, %broadcast_in_dim3A_264, %broadcast_in_dim3A_286, %broadcast_in_dim3A_308, %broadcast_in_dim3A_330, %broadcast_in_dim3A_352 in 1 : vector<512x1xi32>, vector<512x1xi32>, vector<512x1xi32>, vector<512x1xi32>, vector<512x1xi32>, vector<512x1xi32>, vector<512x1xi32>, vector<512x1xi32>, vector<512x1xi32>, vector<512x1xi32>, vector<512x1xi32>, vector<512x1xi32>, vector<512x1xi32>, vector<512x1xi32>, vector<512x1xi32>, vector<512x1xi32> -> vector<512x16xi32>
    %swap3A_353 = arith.constant 0 : index
    %swap3A_354 = arith.constant 0 : index
    %swap3A_355 = arith.constant 0 : index
    %swap3A_356 = vector.load %arg4[%swap3A_353, %swap3A_354, %swap3A_355] : memref<1x512x16xi32, #tpu.memory_space<vmem>>, vector<1x512x16xi32>
    %swap3A_357 = vector.shape_cast %swap3A_356 : vector<1x512x16xi32> to vector<512x16xi32>
    %swap3A_358 = vector.shape_cast %concatenate3A : vector<512x16xi32> to vector<1x512x16xi32>
    tpu.vector_store %arg4[%swap3A_353, %swap3A_354, %swap3A_355], %swap3A_358 {strides = array<i32>} : memref<1x512x16xi32, #tpu.memory_space<vmem>>, vector<1x512x16xi32>,
    return
  }
  func.func @transform_0(%arg0: i32, %arg1: i32) -> (i32, i32, i32) {
    %c0_i32 = arith.constant 0 : i32
    %c0_i32_0 = arith.constant 0 : i32
    %c0_i32_1 = arith.constant 0 : i32
    return %arg0, %c0_i32, %c0_i32_0 : i32, i32, i32
  }
  func.func @transform_1(%arg0: i32, %arg1: i32) -> (i32, i32, i32) {
    %c0_i32 = arith.constant 0 : i32
    %c0_i32_0 = arith.constant 0 : i32
    return %arg0, %arg1, %c0_i32 : i32, i32, i32
  }
  func.func @transform_2(%arg0: i32, %arg1: i32) -> (i32, i32, i32) {
    %c0_i32 = arith.constant 0 : i32
    %c0_i32_0 = arith.constant 0 : i32
    return %arg0, %arg1, %c0_i32 : i32, i32, i32
  }
}

</mosaic_0001>

<sc_bundles>
// kernel: kernel.6.cloned.1.call-start
scs
__scs_entry_jumppad:
0x0: {  	(pc) =	sbr.rel $0x88, $3  }
0x1: {  	(tag) =	ssettag $0x0;
	lr =	simm.s32 $0x1  }
0x2: {  	[smem:$0x3F9E] =	sst lr;
	_ =	strace $0xD0000000  }
0x3: {  	_ = 	snop  }
0x4: {  	_ = 	snop  }
0x5: {  	_ = 	snop  }
0x6: {  	_ = 	snop  }
0x7: {  	_ = 	snop  }
__scs_overlays_trampoline_lowered:
0x8: {  	[smem:$0x3FAD] =	sst s0  }
0x9: {  	[smem:$0x3FAE] =	sst s1  }
0xa: {  	[smem:$0x3FAF] =	sst s2  }
0xb: {  	[smem:$0x3FB0] =	sst s3  }
0xc: {  	[smem:$0x3FB1] =	sst s4  }
0xd: {  	[smem:$0x3FB2] =	sst s5  }
0xe: {  	[smem:$0x3FB3] =	sst s6  }
0xf: {  	[smem:$0x3FB4] =	sst s7  }
0x10: {  	[smem:$0x3FB5] =	sst s8  }
0x11: {  	[smem:$0x3FB6] =	sst s9;
	s0 =	simm.s32 @!p0 $0x0  }
0x12: {  	s1 =	sld [smem:$0x3F9C];
	s0 =	simm.s32 @p0 $0x1  }
0x13: {  	[smem:$0x3FB7] =	sst s0;
	s0 =	simm.s32 @!p1 $0x0  }
0x14: {  	s2 =	sld [smem:$0x3F9B];
	s0 =	simm.s32 @p1 $0x1  }
0x15: {  	[smem:$0x3FB8] =	sst s0;
	s0 =	simm.s32 @!p2 $0x0  }
0x16: {  	s3 =	sld [smem:$0x3FDB];
	s0 =	simm.s32 @p2 $0x1  }
0x17: {  	s4 =	simm.s32 $0x1BF5;
	[smem:$0x3FBA] =	sst s0  }
0x18: {  	s0 =	sld [smem:$0x3F9D];
	_ =	swait.ge [sflag:s4], $0x0  }
0x19: {  	s7 =	sld [smem:$0x3F9E]  }
0x1a: {  	s8 =	sadd.s32 $0xFFFFE003, lr  }
0x1b: {  	s9 =	sadd.s32 $0xFFFFFEF7, lr;
	s5 =	simm.s32 $0xFFFFFFFF;
	p2 =	slt.u32 s8, $0xFFFFF086  }
0x1c: {  	p1 =	slt.u32 s9, $0xF7A;
	s5 =	simm.s32 @!p2 $0x0  }
0x1d: {  	s5 =	simm.s32 @p1 $0x1;
	p0 =	seq.s32 s7, s2  }
0x1e: {  	s7 =	smul.u32 @!p0 $0xF7A, s2;
	p2 =	seq.s32 @!p0 s5, $0x0  }
0x1f: {  	s9 =	smul.u32 $0xF7A, s1;
	s8 =	simm.s32 @!p0 $0x1BF5;
	p2 =	por !p2, p0  }
0x20: {  	[sflag:s8] =	ssyncset.s32 @!p0 $0xFFFFF086;
	s6 =	sadd.s32 @!p0 s3, s7;
	s7 =	simm.s32 @!p0 $0x108  }
0x21: {  	s3 =	sadd.s32 s3, s9;
	s6 =	sadd.s32 @!p0 $0x88, s6;
	s7 =	simm.s32 @p2 $0x1082  }
0x22: {  	[simem:s7], [sflag:s8] =	dma.local @!p0 [hbm:s6], $0xF7A  }
0x23: {  	s9 =	sor.u32 $0xD0000000, s2;
	s6 =	simm.s32 $0x108;
	_ =	swait.ge @!p0 [sflag:s8], $0x0  }
0x24: {  	s3 =	sadd.s32 $0x88, s3;
	s6 =	simm.s32 @!p1 $0x1082;
	[sflag:s4] =	ssyncset.s32 $0xFFFFF086  }
0x25: {  	[simem:s6], [sflag:s4] =	dma.local [hbm:s3], $0xF7A  }
0x26: {  	[smem:$0x3F9E] =	sst s1;
	(tag) =	ssettag s2;
	_ =	strace s9  }
0x27: {  	s1 =	sld [smem:$0x3FAE]  }
0x28: {  	s2 =	sld [smem:$0x3FAF]  }
0x29: {  	s4 =	sld [smem:$0x3FB1]  }
0x2a: {  	p0 =	seq.s32 s5, $0x0;
	s5 =	sld [smem:$0x3FB2]  }
0x2b: {  	s6 =	sld [smem:$0x3FB3]  }
0x2c: {  	s7 =	sld [smem:$0x3FB4]  }
0x2d: {  	s3 =	simm.s32 $0x108;
	s8 =	sld [smem:$0x3FB5]  }
0x2e: {  	s3 =	simm.s32 @!p0 $0x1082;
	s9 =	sld [smem:$0x3FB6]  }
0x2f: {  	lr =	sadd.s32 s0, s3;
	s0 =	sld [smem:$0x3FAD]  }
0x30: {  	s3 =	sld [smem:$0x3FB0]  }
0x31: {  	[smem:$0x3FB9] =	sst s10  }
0x32: {  	s10 =	sld [smem:$0x3FB7];
	_ =	sdelay $0x3  }
0x33: {  	p0 =	seq.s32 s10, $0x1;
	s10 =	sld [smem:$0x3FB9];
	_ =	sdelay $0x3  }
0x34: {  	[smem:$0x3FB9] =	sst s10  }
0x35: {  	s10 =	sld [smem:$0x3FB8];
	_ =	sdelay $0x3  }
0x36: {  	p1 =	seq.s32 s10, $0x1;
	s10 =	sld [smem:$0x3FB9];
	_ =	sdelay $0x3  }
0x37: {  	[smem:$0x3FB9] =	sst s10  }
0x38: {  	s10 =	sld [smem:$0x3FBA]  }
0x39: {  	_ = 	snop;
	(pc) =	sbr.ind lr, $3  }
0x3a: {  	_ = 	snop  }
0x3b: {  	_ = 	snop  }
0x3c: {  	p2 =	seq.s32 s10, $0x1;
	s10 =	sld [smem:$0x3FB9]  }
0x3d: {  	_ =	shalt  }
0x3e: {  	_ =	shalt  }
0x3f: {  	_ =	shalt  }
0x40: {  	_ =	shalt  }
0x41: {  	_ =	shalt  }
0x42: {  	_ =	shalt  }
0x43: {  	_ =	shalt  }
0x44: {  	_ =	shalt  }
0x45: {  	_ =	shalt  }
0x46: {  	_ =	shalt  }
0x47: {  	_ =	shalt  }
0x48: {  	_ =	shalt  }
0x49: {  	_ =	shalt  }
0x4a: {  	_ =	shalt  }
0x4b: {  	_ =	shalt  }
0x4c: {  	_ =	shalt  }
0x4d: {  	_ =	shalt  }
0x4e: {  	_ =	shalt  }
0x4f: {  	_ =	shalt  }
0x50: {  	_ =	shalt  }
0x51: {  	_ =	shalt  }
0x52: {  	_ =	shalt  }
0x53: {  	_ =	shalt  }
0x54: {  	_ =	shalt  }
0x55: {  	_ =	shalt  }
0x56: {  	_ =	shalt  }
0x57: {  	_ =	shalt  }
0x58: {  	_ =	shalt  }
0x59: {  	_ =	shalt  }
0x5a: {  	_ =	shalt  }
0x5b: {  	_ =	shalt  }
0x5c: {  	_ =	shalt  }
0x5d: {  	_ =	shalt  }
0x5e: {  	_ =	shalt  }
0x5f: {  	_ =	shalt  }
0x60: {  	_ =	shalt  }
0x61: {  	_ =	shalt  }
0x62: {  	_ =	shalt  }
0x63: {  	_ =	shalt  }
0x64: {  	_ =	shalt  }
0x65: {  	_ =	shalt  }
0x66: {  	_ =	shalt  }
0x67: {  	_ =	shalt  }
0x68: {  	_ =	shalt  }
0x69: {  	_ =	shalt  }
0x6a: {  	_ =	shalt  }
0x6b: {  	_ =	shalt  }
0x6c: {  	_ =	shalt  }
0x6d: {  	_ =	shalt  }
0x6e: {  	_ =	shalt  }
0x6f: {  	_ =	shalt  }
0x70: {  	_ =	shalt  }
0x71: {  	_ =	shalt  }
0x72: {  	_ =	shalt  }
0x73: {  	_ =	shalt  }
0x74: {  	_ =	shalt  }
0x75: {  	_ =	shalt  }
0x76: {  	_ =	shalt  }
0x77: {  	_ =	shalt  }
0x78: {  	_ =	shalt  }
0x79: {  	_ =	shalt  }
0x7a: {  	_ =	shalt  }
0x7b: {  	_ =	shalt  }
0x7c: {  	_ =	shalt  }
0x7d: {  	_ =	shalt  }
0x7e: {  	_ =	shalt  }
0x7f: {  	_ =	shalt  }
0x80: {  	_ =	shalt  }
0x81: {  	_ =	shalt  }
0x82: {  	_ =	shalt  }
0x83: {  	_ =	shalt  }
0x84: {  	_ =	shalt  }
0x85: {  	_ =	shalt  }
0x86: {  	_ =	shalt  }
0x87: {  	_ =	shalt  }
.Lfunc_end0:
.L_simem_size_0:
called_computation_lowered:
.L_overlay_start_0:
0x88: {  	s2 =	sld [smem:$0x3FD9]  }
0x89: {  	s3 =	sld [smem:$0x3FFE];
	_ =	sdelay $0x1  }
0x8a: {  	s1 =	srdreg.scid  }
0x8b: {  	s0 =	sand.u32 $0x1, s1  }
0x8c: {  	s17 =	sshll.u32 s0, $0xA;
	s2 =	sadd.s32 s3, s2  }
0x8d: {  	s2 =	sadd.s32 s2, s17  }
0x8e: {  	[smem:$0x3FC5] =	sst s2  }
0x8f: {  	_ = 	snop  }
0x90: {  	(tm) =	ssettm $0x1  }
0x91: {  	s18 =	sld [smem:$0x3FFB];
	_ =	sdelay $0x3  }
0x92: {  	_ =	strace s18  }
0x93: {  	s2 =	sld [smem:$0x3FFC];
	_ =	sdelay $0x3  }
0x94: {  	_ =	strace s2  }
0x95: {  	s2 =	sld [smem:$0x3FFD];
	_ =	sdelay $0x3  }
0x96: {  	_ =	strace s2  }
0x97: {  	_ =	strace $0x8FFFFFFF  }
0x98: {  	s19 =	sld [smem:$0x3FDB];
	_ =	sdelay $0x1  }
0x99: {  	s20 =	simm.s32 $_scs_section_size  }
0x9a: {  	s4 =	simm.s32 $_size__tile_overlayer_lowered;
	s5 =	simm.s32 $_tile_overlayer_lowered  }
0x9b: {  	s6 =	simm.s32 $0x1BFF;
	s21 =	sshll.u32 s5, $0x1;
	s3 =	sadd.s32 s20, s19  }
0x9c: {  	s22 =	simm.s32 $0x0;
	s4 =	sshll.u32 s4, $0x1;
	s5 =	sadd.s32 s21, s3  }
0x9d: {  	[timem:s22], [sflag:s6] =	dma.local [hbm:s5], s4  }
0x9e: {  	_ =	swait.ge [sflag:s6], s4  }
0x9f: {  	s4 =	ssub.s32 $0x0, s4;
	[sflag:s6] =	ssyncset.done $0x0  }
0xa0: {  	[sflag:s6] =	ssyncadd.s32 s4;
	_ =	sdelay $0x1  }
0xa1: {  	s23 =	simm.s32 $0x1B8B  }
0xa2: {  	_ =	swait.ge [sflag:s23], $0x1  }
0xa3: {  	[sflag:s23] =	ssyncset.done $0x0  }
0xa4: {  	[sflag:s23] =	ssyncadd.s32 $0xFFFFFFFF  }
0xa5: {  	s4 =	sld [smem:$0x0]  }
0xa6: {  	s5 =	sand.u32 $0xFFFFFFFE, s1  }
0xa7: {  	p0 =	sne.s32 s1, s5  }
0xa8: {  	s5 =	sshll.u32 @p0 s5, $0xE  }
0xa9: {  	s5 =	sadd.s32 @p0 $0x11B8D, s5;
	s6 =	sshll.u32 @p0 s4, $0x11  }
0xaa: {  	s5 =	sor.u32 @p0 s6, s5  }
0xab: {  	[sflag:s5] =	ssyncadd.remote.s32 @p0 $0x1;
	_ =	sdelay $0x1  }
0xac: {  	s5 =	simm.s32 @p0 $0x1B8D  }
0xad: {  	_ =	swait.eq @p0 [sflag:s5], $0x1  }
0xae: {  	[sflag:s5] =	ssyncadd.s32 @p0 $0xFFFFFFFF  }
0xaf: {  	s6 =	sshll.u32 @!p0 s1, $0xE  }
0xb0: {  	s6 =	sor.u32 @!p0 $0x4000, s6;
	s5 =	simm.s32 @!p0 $0x1B8D  }
0xb1: {  	s4 =	sshll.u32 @!p0 s4, $0x11;
	s6 =	sadd.s32 @!p0 $0x11B8D, s6;
	_ =	swait.eq @!p0 [sflag:s5], $0x1  }
0xb2: {  	s4 =	sor.u32 @!p0 s4, s6;
	[sflag:s5] =	ssyncadd.s32 @!p0 $0xFFFFFFFF  }
0xb3: {  	s25 =	simm.s32 $0x1B8E;
	s24 =	sld [smem:$0x3FFE];
	[sflag:s4] =	ssyncadd.remote.s32 @!p0 $0x1  }
0xb4: {  	s26 =	simm.s32 $execute0_lowered;
	[smem:$0x3FD2] =	sst s25  }
0xb5: {  	s5 =	sshll.u32 s26, $0x1;
	_ =	strace $0x80000049;
	[dreg:$0x1] =	wrdreg $0xFFFFFFFF  }
0xb6: {  	s28 =	simm.s32 $_size_execute0_lowered;
	s3 =	sadd.s32 s3, s5;
	[dreg:$0x0] =	wrdreg $0x0  }
0xb7: {  	s5 =	sshll.u32 s28, $0x1;
	[dreg:$0x2] =	wrdreg s3  }
0xb8: {  	[dreg:$0x3] =	wrdreg s5  }
0xb9: {  	[dreg:$0x4] =	wrdreg $0xC0  }
0xba: {  	_ =	task [dreg:s22], $0x5FFFF  }
0xbb: {  	[dreg:$0x1] =	wrdreg $0xFFFFFFFF  }
0xbc: {  	[dreg:$0x0] =	wrdreg $0x60  }
0xbd: {  	[dreg:$0x2] =	wrdreg s24  }
0xbe: {  	[dreg:$0x3] =	wrdreg $0x9  }
0xbf: {  	_ =	task.clear_ibuf [dreg:s22], $0x4FFFF;
	_ =	strace $0x90000049  }
0xc0: {  	s29 =	simm.s32 $0x9;
	_ =	strace $0x8000004B  }
0xc1: {  	_ =	swait.ge [sflag:s29], $0x1  }
0xc2: {  	[sflag:s29] =	ssyncadd.s32 $0xFFFFFFFF  }
0xc3: {  	_ =	strace $0x9000004B  }
0xc4: {  	_ =	sfence  }
0xc5: {  	s30 =	sld [smem:$0x0];
	_ =	sdelay $0x2  }
0xc6: {  	s31 =	sshll.u32 s1, $0xD;
	s1 =	sshrl.u32 s1, $0x2  }
0xc7: {  	s4 =	sand.u32 $0x4000, s31;
	s1 =	sadd.s32 s1, s30  }
0xc8: {  	s0 =	sor.u32 s4, s0;
	s1 =	sshll.u32 s1, $0x11  }
0xc9: {  	s0 =	sor.u32 s1, s0  }
0xca: {  	s0 =	sadd.s32 $0x8F2B, s0  }
0xcb: {  	[sflag:s0] =	ssyncadd.remote.s32 $0x1  }
0xcc: {  	_ =	sfence.sel $0xFFFF  }
0xcd: {  	[dreg:$0x0] =	wrdreg $0xFFFFFFFF;
	(pc) =	sbr.abs _section_cstart, $3  }
0xce: {  	[dreg:$0x1] =	wrdreg $0xFFFFFFFF  }
0xcf: {  	_ =	task.clear_ibuf [dreg:s22], $0x2FFFF;
	_ =	strace $0x9FFFFFFF  }
0xd0: {  	(tm) =	ssettm $0x7FFFFFFF  }
0xd1: {  	_ =	shalt  }
tec
execute0_lowered:
.L_overlay_start_1:
0x0: {  	(tag) =	ssettag $0x1  }
0x1: {  	s5 =	rddreg [dreg:$0x0]  }
0x2: {  	s0 =	rddreg [dreg:$0x1]  }
0x3: {  	s1 =	simm.s32 $0x0;
	s2 =	srdreg.scid;
	s10 =	simm.s32 $0x1  }
0x4: {  	s11 =	simm.s32 $0x4080;
	s12 =	simm.s32 $0x0;
	[smem:$0x7FF] =	sst s1  }
0x5: {  	s3 =	sadd.s32 $0x12600, s5;
	s6 =	sand.u32 $0x1, s2;
	s4 =	sadd.s32 $0x22600, s5  }
0x6: {  	s2 =	stileid.u32;
	s5 =	sadd.s32 $0x24600, s5;
	s7 =	ssub.s32 $0x2, s6  }
0x7: {  	s9 =	sshll.u32 s2, $0x8;
	s6 =	sshll.u32 s6, $0x7;
	s8 =	sshrl.u32 s7, $0x1  }
0x8: {  	_ =	strace $0x8000004A;
	s6 =	sor.u32 s6, s9;
	s7 =	ssub.s32 s7, s8  }
0x9: {  	s9 =	simm.s32 $0x80;
	s8 =	simm.s32 $0x2;
	s7 =	smax.u32 s7, $0x1  }
.LBB2_1:
0xa: {  	s13 =	simm.s32 $0x0  }
.LBB2_2:
0xb: {  	s14 =	sshll.u32 s13, $0x3  }
0xc: {  	s14 =	sadd.s32 s6, s14  }
0xd: {  	s15 =	sshll.u32 s14, $0x1  }
0xe: {  	s16 =	simm.s32 $0x0;
	s15 =	sadd.s32 s4, s15  }
0xf: {  	[tilespmem:s16], [sflag:$0x2] =	stream.linear.gather [hbm4b:s15+s16], $0x80, $0x38;
	[tilespmem:$0x4480] =	vst v63  }
0x10: {  	_ =	swait.ge [sflag:s8], $0x80  }
0x11: {  	[sflag:s8] =	ssyncset.done $0x0  }
0x12: {  	[sflag:s8] =	ssyncadd.s32 $0xFFFFFF80  }
0x13: {  	[tilespmem:s9], [sflag:$0x1] =	stream.indirect.gather [hbm4b:s3+s9], $0x80, s16, s9, $0xb8;
	[tilespmem:$0x4480] =	vst v63  }
0x14: {  	_ =	swait.ge [sflag:s10], $0x4000  }
0x15: {  	[sflag:s10] =	ssyncset.done $0x0  }
0x16: {  	[sflag:s10] =	ssyncadd.s32 $0xFFFFC000  }
0x17: {  	v8 =	vld [tilespmem:$0x80]  }
0x18: {  	v10 =	vld [tilespmem:$0x90]  }
0x19: {  	v11 =	vld [tilespmem:$0xA0]  }
0x1a: {  	v7 =	vld [tilespmem:$0xB0]  }
0x1b: {  	s31 =	simm.s32 $0x0  }
0x1c: {  	v0 =	vld [tilespmem:s31+$0x130]  }
0x1d: {  	v2 =	vld [tilespmem:s31+$0x100]  }
0x1e: {  	v4 =	vld [tilespmem:s31+$0x110]  }
0x1f: {  	s15 =	simm.s32 $0x200;
	v3 =	vld [tilespmem:s31+$0x120];
	v1 =	vmovc v7;
	v9 =	vmov v8;
	v6 =	vmov v10;
	v5 =	vmov v11  }
.LBB2_3:
0x20: {  	p0 =	sne.s32 s15, $0x1C00  }
.Ltmp0:
0x21: {  	s16 =	sshra.s32 s15, $0x2;
	s15 =	sadd.s32 $0x200, s15;
	v7 =	vadd.f32 v0, v7;
	v1 =	vmax.f32 v1, v0;
	(pc) =	sbr.rel @p0 .LBB2_3-.Ltmp0, $4  }
0x22: {  	v0 =	vld [tilespmem:s16+$0x130];
	v8 =	vadd.f32 v2, v8;
	v9 =	vmax.f32 v9, v2  }
0x23: {  	v2 =	vld [tilespmem:s16+$0x100];
	v10 =	vadd.f32 v4, v10;
	v6 =	vmax.f32 v6, v4  }
0x24: {  	v4 =	vld [tilespmem:s16+$0x110];
	v11 =	vadd.f32 v3, v11;
	v5 =	vmax.f32 v5, v3  }
0x25: {  	v3 =	vld [tilespmem:s16+$0x120]  }
0x26: {  	_ =	sdelay $0x1  }
0x27: {  	v8 =	vadd.f32 v2, v8  }
0x28: {  	v7 =	vadd.f32 v0, v7;
	v0 =	vmax.f32 v1, v0  }
0x29: {  	[tilespmem:$0x40F0] =	vst v0;
	v6 =	vmax.f32 v6, v4;
	v11 =	vadd.f32 v3, v11;
	v8 =	vmul.f32 $6.250000000e-02, v8  }
0x2a: {  	v7 =	vmul.f32 $6.250000000e-02, v7;
	[tilespmem:$0x40D0] =	vst v6  }
0x2b: {  	[tilespmem:$0x4080] =	vst v8;
	v8 =	vmul.f32 $6.250000000e-02, v11  }
0x2c: {  	v10 =	vadd.f32 v4, v10;
	v4 =	vld [tilespmem:$0x890];
	[tilespmem:$0x40B0] =	vst v7  }
0x2d: {  	v3 =	vmax.f32 v5, v3;
	[tilespmem:$0x40A0] =	vst v8;
	v8 =	vmax.f32 v9, v2;
	v2 =	vld [tilespmem:$0x880]  }
0x2e: {  	v10 =	vmul.f32 $6.250000000e-02, v10;
	[tilespmem:$0x40E0] =	vst v3;
	v9 =	vld [tilespmem:$0x8B0]  }
0x2f: {  	[tilespmem:$0x40C0] =	vst v8;
	v8 =	vld [tilespmem:$0x8A0]  }
0x30: {  	s16 =	simm.s32 $0x0;
	[tilespmem:$0x4090] =	vst v10  }
0x31: {  	v0 =	vld [tilespmem:s16+$0x930]  }
0x32: {  	v7 =	vld [tilespmem:s16+$0x900]  }
0x33: {  	v5 =	vld [tilespmem:s16+$0x910]  }
0x34: {  	s15 =	simm.s32 $0x200;
	v10 =	vmovc v4;
	v3 =	vld [tilespmem:s16+$0x920];
	v1 =	vmov v9;
	v11 =	vmov v2;
	v6 =	vmov v8  }
.LBB2_5:
0x35: {  	p0 =	sne.s32 s15, $0x1C00  }
.Ltmp1:
0x36: {  	s16 =	sshra.s32 s15, $0x2;
	s15 =	sadd.s32 $0x200, s15;
	v9 =	vadd.f32 v0, v9;
	v1 =	vmax.f32 v1, v0;
	(pc) =	sbr.rel @p0 .LBB2_5-.Ltmp1, $4  }
0x37: {  	v0 =	vld [tilespmem:s16+$0x930];
	v2 =	vadd.f32 v7, v2;
	v11 =	vmax.f32 v11, v7  }
0x38: {  	v7 =	vld [tilespmem:s16+$0x900];
	v4 =	vadd.f32 v5, v4;
	v10 =	vmax.f32 v10, v5  }
0x39: {  	v5 =	vld [tilespmem:s16+$0x910];
	v8 =	vadd.f32 v3, v8;
	v6 =	vmax.f32 v6, v3  }
0x3a: {  	v3 =	vld [tilespmem:s16+$0x920]  }
0x3b: {  	_ =	sdelay $0x1  }
0x3c: {  	v9 =	vadd.f32 v0, v9;
	v0 =	vmax.f32 v1, v0;
	v2 =	vadd.f32 v7, v2  }
0x3d: {  	v7 =	vmax.f32 v11, v7;
	[tilespmem:$0x4170] =	vst v0;
	v4 =	vadd.f32 v5, v4  }
0x3e: {  	v5 =	vmax.f32 v10, v5;
	[tilespmem:$0x4140] =	vst v7;
	v8 =	vadd.f32 v3, v8;
	v2 =	vmul.f32 $6.250000000e-02, v2  }
0x3f: {  	[tilespmem:$0x4150] =	vst v5;
	v4 =	vmul.f32 $6.250000000e-02, v4  }
0x40: {  	[tilespmem:$0x4100] =	vst v2;
	v2 =	vmul.f32 $6.250000000e-02, v8;
	v8 =	vld [tilespmem:$0x10A0]  }
0x41: {  	[tilespmem:$0x4110] =	vst v4;
	v4 =	vmul.f32 $6.250000000e-02, v9;
	v9 =	vld [tilespmem:$0x10B0]  }
0x42: {  	[tilespmem:$0x4120] =	vst v2;
	v2 =	vld [tilespmem:$0x1080]  }
0x43: {  	v3 =	vmax.f32 v6, v3;
	[tilespmem:$0x4130] =	vst v4;
	v4 =	vld [tilespmem:$0x1090]  }
0x44: {  	s16 =	simm.s32 $0x0;
	[tilespmem:$0x4160] =	vst v3  }
0x45: {  	v0 =	vld [tilespmem:s16+$0x1130]  }
0x46: {  	v7 =	vld [tilespmem:s16+$0x1100]  }
0x47: {  	v5 =	vld [tilespmem:s16+$0x1110]  }
0x48: {  	s15 =	simm.s32 $0x200;
	v3 =	vld [tilespmem:s16+$0x1120];
	v6 =	vmovc v8;
	v1 =	vmov v9;
	v11 =	vmov v2;
	v10 =	vmov v4  }
.LBB2_7:
0x49: {  	p0 =	sne.s32 s15, $0x1C00  }
.Ltmp2:
0x4a: {  	s16 =	sshra.s32 s15, $0x2;
	s15 =	sadd.s32 $0x200, s15;
	v9 =	vadd.f32 v0, v9;
	v1 =	vmax.f32 v1, v0;
	(pc) =	sbr.rel @p0 .LBB2_7-.Ltmp2, $4  }
0x4b: {  	v0 =	vld [tilespmem:s16+$0x1130];
	v2 =	vadd.f32 v7, v2;
	v11 =	vmax.f32 v11, v7  }
0x4c: {  	v7 =	vld [tilespmem:s16+$0x1100];
	v4 =	vadd.f32 v5, v4;
	v10 =	vmax.f32 v10, v5  }
0x4d: {  	v5 =	vld [tilespmem:s16+$0x1110];
	v8 =	vadd.f32 v3, v8;
	v6 =	vmax.f32 v6, v3  }
0x4e: {  	v3 =	vld [tilespmem:s16+$0x1120]  }
0x4f: {  	_ =	sdelay $0x1  }
0x50: {  	v9 =	vadd.f32 v0, v9;
	v0 =	vmax.f32 v1, v0;
	v2 =	vadd.f32 v7, v2  }
0x51: {  	v7 =	vmax.f32 v11, v7;
	[tilespmem:$0x41F0] =	vst v0;
	v4 =	vadd.f32 v5, v4  }
0x52: {  	v5 =	vmax.f32 v10, v5;
	[tilespmem:$0x41C0] =	vst v7;
	v8 =	vadd.f32 v3, v8;
	v2 =	vmul.f32 $6.250000000e-02, v2  }
0x53: {  	[tilespmem:$0x41D0] =	vst v5;
	v4 =	vmul.f32 $6.250000000e-02, v4  }
0x54: {  	[tilespmem:$0x4180] =	vst v2;
	v2 =	vmul.f32 $6.250000000e-02, v8;
	v8 =	vld [tilespmem:$0x18A0]  }
0x55: {  	[tilespmem:$0x4190] =	vst v4;
	v4 =	vmul.f32 $6.250000000e-02, v9;
	v9 =	vld [tilespmem:$0x18B0]  }
0x56: {  	[tilespmem:$0x41A0] =	vst v2;
	v2 =	vld [tilespmem:$0x1880]  }
0x57: {  	v3 =	vmax.f32 v6, v3;
	[tilespmem:$0x41B0] =	vst v4;
	v4 =	vld [tilespmem:$0x1890]  }
0x58: {  	s16 =	simm.s32 $0x0;
	[tilespmem:$0x41E0] =	vst v3  }
0x59: {  	v0 =	vld [tilespmem:s16+$0x1930]  }
0x5a: {  	v7 =	vld [tilespmem:s16+$0x1900]  }
0x5b: {  	v5 =	vld [tilespmem:s16+$0x1910]  }
0x5c: {  	s15 =	simm.s32 $0x200;
	v3 =	vld [tilespmem:s16+$0x1920];
	v6 =	vmovc v8;
	v1 =	vmov v9;
	v11 =	vmov v2;
	v10 =	vmov v4  }
.LBB2_9:
0x5d: {  	p0 =	sne.s32 s15, $0x1C00  }
.Ltmp3:
0x5e: {  	s16 =	sshra.s32 s15, $0x2;
	s15 =	sadd.s32 $0x200, s15;
	v9 =	vadd.f32 v0, v9;
	v1 =	vmax.f32 v1, v0;
	(pc) =	sbr.rel @p0 .LBB2_9-.Ltmp3, $4  }
0x5f: {  	v0 =	vld [tilespmem:s16+$0x1930];
	v2 =	vadd.f32 v7, v2;
	v11 =	vmax.f32 v11, v7  }
0x60: {  	v7 =	vld [tilespmem:s16+$0x1900];
	v4 =	vadd.f32 v5, v4;
	v10 =	vmax.f32 v10, v5  }
0x61: {  	v5 =	vld [tilespmem:s16+$0x1910];
	v8 =	vadd.f32 v3, v8;
	v6 =	vmax.f32 v6, v3  }
0x62: {  	v3 =	vld [tilespmem:s16+$0x1920]  }
0x63: {  	_ =	sdelay $0x1  }
0x64: {  	v9 =	vadd.f32 v0, v9;
	v0 =	vmax.f32 v1, v0;
	v2 =	vadd.f32 v7, v2  }
0x65: {  	v7 =	vmax.f32 v11, v7;
	[tilespmem:$0x4270] =	vst v0;
	v4 =	vadd.f32 v5, v4  }
0x66: {  	v5 =	vmax.f32 v10, v5;
	[tilespmem:$0x4240] =	vst v7;
	v8 =	vadd.f32 v3, v8;
	v2 =	vmul.f32 $6.250000000e-02, v2  }
0x67: {  	[tilespmem:$0x4250] =	vst v5;
	v4 =	vmul.f32 $6.250000000e-02, v4  }
0x68: {  	[tilespmem:$0x4200] =	vst v2;
	v2 =	vmul.f32 $6.250000000e-02, v8;
	v8 =	vld [tilespmem:$0x20A0]  }
0x69: {  	[tilespmem:$0x4210] =	vst v4;
	v4 =	vmul.f32 $6.250000000e-02, v9;
	v9 =	vld [tilespmem:$0x20B0]  }
0x6a: {  	[tilespmem:$0x4220] =	vst v2;
	v2 =	vld [tilespmem:$0x2080]  }
0x6b: {  	v3 =	vmax.f32 v6, v3;
	[tilespmem:$0x4230] =	vst v4;
	v4 =	vld [tilespmem:$0x2090]  }
0x6c: {  	s16 =	simm.s32 $0x0;
	[tilespmem:$0x4260] =	vst v3  }
0x6d: {  	v0 =	vld [tilespmem:s16+$0x2130]  }
0x6e: {  	v7 =	vld [tilespmem:s16+$0x2100]  }
0x6f: {  	v5 =	vld [tilespmem:s16+$0x2110]  }
0x70: {  	s15 =	simm.s32 $0x200;
	v3 =	vld [tilespmem:s16+$0x2120];
	v6 =	vmovc v8;
	v1 =	vmov v9;
	v11 =	vmov v2;
	v10 =	vmov v4  }
.LBB2_11:
0x71: {  	p0 =	sne.s32 s15, $0x1C00  }
.Ltmp4:
0x72: {  	s16 =	sshra.s32 s15, $0x2;
	s15 =	sadd.s32 $0x200, s15;
	v9 =	vadd.f32 v0, v9;
	v1 =	vmax.f32 v1, v0;
	(pc) =	sbr.rel @p0 .LBB2_11-.Ltmp4, $4  }
0x73: {  	v0 =	vld [tilespmem:s16+$0x2130];
	v2 =	vadd.f32 v7, v2;
	v11 =	vmax.f32 v11, v7  }
0x74: {  	v7 =	vld [tilespmem:s16+$0x2100];
	v4 =	vadd.f32 v5, v4;
	v10 =	vmax.f32 v10, v5  }
0x75: {  	v5 =	vld [tilespmem:s16+$0x2110];
	v8 =	vadd.f32 v3, v8;
	v6 =	vmax.f32 v6, v3  }
0x76: {  	v3 =	vld [tilespmem:s16+$0x2120]  }
0x77: {  	_ =	sdelay $0x1  }
0x78: {  	v9 =	vadd.f32 v0, v9;
	v0 =	vmax.f32 v1, v0;
	v2 =	vadd.f32 v7, v2  }
0x79: {  	v7 =	vmax.f32 v11, v7;
	[tilespmem:$0x42F0] =	vst v0;
	v4 =	vadd.f32 v5, v4  }
0x7a: {  	v5 =	vmax.f32 v10, v5;
	[tilespmem:$0x42C0] =	vst v7;
	v8 =	vadd.f32 v3, v8;
	v2 =	vmul.f32 $6.250000000e-02, v2  }
0x7b: {  	[tilespmem:$0x42D0] =	vst v5;
	v4 =	vmul.f32 $6.250000000e-02, v4  }
0x7c: {  	[tilespmem:$0x4280] =	vst v2;
	v2 =	vmul.f32 $6.250000000e-02, v8;
	v8 =	vld [tilespmem:$0x28A0]  }
0x7d: {  	[tilespmem:$0x4290] =	vst v4;
	v4 =	vmul.f32 $6.250000000e-02, v9;
	v9 =	vld [tilespmem:$0x28B0]  }
0x7e: {  	[tilespmem:$0x42A0] =	vst v2;
	v2 =	vld [tilespmem:$0x2880]  }
0x7f: {  	v3 =	vmax.f32 v6, v3;
	[tilespmem:$0x42B0] =	vst v4;
	v4 =	vld [tilespmem:$0x2890]  }
0x80: {  	s16 =	simm.s32 $0x0;
	[tilespmem:$0x42E0] =	vst v3  }
0x81: {  	v0 =	vld [tilespmem:s16+$0x2930]  }
0x82: {  	v7 =	vld [tilespmem:s16+$0x2900]  }
0x83: {  	v5 =	vld [tilespmem:s16+$0x2910]  }
0x84: {  	s15 =	simm.s32 $0x200;
	v3 =	vld [tilespmem:s16+$0x2920];
	v6 =	vmovc v8;
	v1 =	vmov v9;
	v11 =	vmov v2;
	v10 =	vmov v4  }
.LBB2_13:
0x85: {  	p0 =	sne.s32 s15, $0x1C00  }
.Ltmp5:
0x86: {  	s16 =	sshra.s32 s15, $0x2;
	s15 =	sadd.s32 $0x200, s15;
	v9 =	vadd.f32 v0, v9;
	v1 =	vmax.f32 v1, v0;
	(pc) =	sbr.rel @p0 .LBB2_13-.Ltmp5, $4  }
0x87: {  	v0 =	vld [tilespmem:s16+$0x2930];
	v2 =	vadd.f32 v7, v2;
	v11 =	vmax.f32 v11, v7  }
0x88: {  	v7 =	vld [tilespmem:s16+$0x2900];
	v4 =	vadd.f32 v5, v4;
	v10 =	vmax.f32 v10, v5  }
0x89: {  	v5 =	vld [tilespmem:s16+$0x2910];
	v8 =	vadd.f32 v3, v8;
	v6 =	vmax.f32 v6, v3  }
0x8a: {  	v3 =	vld [tilespmem:s16+$0x2920]  }
0x8b: {  	_ =	sdelay $0x1  }
0x8c: {  	v9 =	vadd.f32 v0, v9;
	v0 =	vmax.f32 v1, v0;
	v2 =	vadd.f32 v7, v2  }
0x8d: {  	v7 =	vmax.f32 v11, v7;
	[tilespmem:$0x4370] =	vst v0;
	v4 =	vadd.f32 v5, v4  }
0x8e: {  	v5 =	vmax.f32 v10, v5;
	[tilespmem:$0x4340] =	vst v7;
	v8 =	vadd.f32 v3, v8;
	v2 =	vmul.f32 $6.250000000e-02, v2  }
0x8f: {  	[tilespmem:$0x4350] =	vst v5;
	v4 =	vmul.f32 $6.250000000e-02, v4  }
0x90: {  	[tilespmem:$0x4300] =	vst v2;
	v2 =	vmul.f32 $6.250000000e-02, v8;
	v8 =	vld [tilespmem:$0x30A0]  }
0x91: {  	[tilespmem:$0x4310] =	vst v4;
	v4 =	vmul.f32 $6.250000000e-02, v9;
	v9 =	vld [tilespmem:$0x30B0]  }
0x92: {  	[tilespmem:$0x4320] =	vst v2;
	v2 =	vld [tilespmem:$0x3080]  }
0x93: {  	v3 =	vmax.f32 v6, v3;
	[tilespmem:$0x4330] =	vst v4;
	v4 =	vld [tilespmem:$0x3090]  }
0x94: {  	s16 =	simm.s32 $0x0;
	[tilespmem:$0x4360] =	vst v3  }
0x95: {  	v0 =	vld [tilespmem:s16+$0x3130]  }
0x96: {  	v7 =	vld [tilespmem:s16+$0x3100]  }
0x97: {  	v5 =	vld [tilespmem:s16+$0x3110]  }
0x98: {  	s15 =	simm.s32 $0x200;
	v3 =	vld [tilespmem:s16+$0x3120];
	v6 =	vmovc v8;
	v1 =	vmov v9;
	v11 =	vmov v2;
	v10 =	vmov v4  }
.LBB2_15:
0x99: {  	p0 =	sne.s32 s15, $0x1C00  }
.Ltmp6:
0x9a: {  	s16 =	sshra.s32 s15, $0x2;
	s15 =	sadd.s32 $0x200, s15;
	v9 =	vadd.f32 v0, v9;
	v1 =	vmax.f32 v1, v0;
	(pc) =	sbr.rel @p0 .LBB2_15-.Ltmp6, $4  }
0x9b: {  	v0 =	vld [tilespmem:s16+$0x3130];
	v2 =	vadd.f32 v7, v2;
	v11 =	vmax.f32 v11, v7  }
0x9c: {  	v7 =	vld [tilespmem:s16+$0x3100];
	v4 =	vadd.f32 v5, v4;
	v10 =	vmax.f32 v10, v5  }
0x9d: {  	v5 =	vld [tilespmem:s16+$0x3110];
	v8 =	vadd.f32 v3, v8;
	v6 =	vmax.f32 v6, v3  }
0x9e: {  	v3 =	vld [tilespmem:s16+$0x3120]  }
0x9f: {  	_ =	sdelay $0x1  }
0xa0: {  	v9 =	vadd.f32 v0, v9;
	v0 =	vmax.f32 v1, v0;
	v2 =	vadd.f32 v7, v2  }
0xa1: {  	v7 =	vmax.f32 v11, v7;
	[tilespmem:$0x43F0] =	vst v0;
	v4 =	vadd.f32 v5, v4  }
0xa2: {  	v5 =	vmax.f32 v10, v5;
	[tilespmem:$0x43C0] =	vst v7;
	v8 =	vadd.f32 v3, v8;
	v2 =	vmul.f32 $6.250000000e-02, v2  }
0xa3: {  	[tilespmem:$0x43D0] =	vst v5;
	v4 =	vmul.f32 $6.250000000e-02, v4  }
0xa4: {  	v7 =	vld [tilespmem:$0x38A0];
	[tilespmem:$0x4380] =	vst v2;
	v2 =	vmul.f32 $6.250000000e-02, v8  }
0xa5: {  	v8 =	vld [tilespmem:$0x38B0];
	[tilespmem:$0x4390] =	vst v4;
	v4 =	vmul.f32 $6.250000000e-02, v9  }
0xa6: {  	[tilespmem:$0x43A0] =	vst v2;
	v2 =	vld [tilespmem:$0x3880]  }
0xa7: {  	v3 =	vmax.f32 v6, v3;
	[tilespmem:$0x43B0] =	vst v4;
	v4 =	vld [tilespmem:$0x3890]  }
0xa8: {  	s16 =	simm.s32 $0x0;
	[tilespmem:$0x43E0] =	vst v3  }
0xa9: {  	v0 =	vld [tilespmem:s16+$0x3930]  }
0xaa: {  	v6 =	vld [tilespmem:s16+$0x3900]  }
0xab: {  	v3 =	vld [tilespmem:s16+$0x3910]  }
0xac: {  	s15 =	simm.s32 $0x200;
	v9 =	vmovc v7;
	v5 =	vld [tilespmem:s16+$0x3920];
	v1 =	vmov v8;
	v11 =	vmov v2;
	v10 =	vmov v4  }
.LBB2_17:
0xad: {  	p0 =	sne.s32 s15, $0x1C00  }
.Ltmp7:
0xae: {  	s16 =	sshra.s32 s15, $0x2;
	s15 =	sadd.s32 $0x200, s15;
	v8 =	vadd.f32 v0, v8;
	v1 =	vmax.f32 v1, v0;
	(pc) =	sbr.rel @p0 .LBB2_17-.Ltmp7, $4  }
0xaf: {  	v0 =	vld [tilespmem:s16+$0x3930];
	v2 =	vadd.f32 v6, v2;
	v11 =	vmax.f32 v11, v6  }
0xb0: {  	v6 =	vld [tilespmem:s16+$0x3900];
	v4 =	vadd.f32 v3, v4;
	v10 =	vmax.f32 v10, v3  }
0xb1: {  	v3 =	vld [tilespmem:s16+$0x3910];
	v7 =	vadd.f32 v5, v7;
	v9 =	vmax.f32 v9, v5  }
0xb2: {  	v5 =	vld [tilespmem:s16+$0x3920]  }
0xb3: {  	_ = 	snop  }
0xb4: {  	v8 =	vadd.f32 v0, v8;
	v63 =	vmax.f32 v1, v0  }
0xb5: {  	v60 =	vmax.f32 v11, v6;
	[tilespmem:$0x4470] =	vst v63  }
0xb6: {  	v2 =	vadd.f32 v6, v2;
	v59 =	vmul.f32 $6.250000000e-02, v8;
	v61 =	vmax.f32 v10, v3;
	[tilespmem:$0x4440] =	vst v60  }
0xb7: {  	v4 =	vadd.f32 v3, v4;
	[tilespmem:$0x4450] =	vst v61  }
0xb8: {  	v7 =	vadd.f32 v5, v7;
	v2 =	vmul.f32 $6.250000000e-02, v2;
	v62 =	vmax.f32 v9, v5;
	[tilespmem:$0x4430] =	vst v59  }
0xb9: {  	v4 =	vmul.f32 $6.250000000e-02, v4;
	[tilespmem:$0x4460] =	vst v62  }
0xba: {  	s13 =	sadd.s32 $0x1, s13;
	[tilespmem:$0x4400] =	vst v2;
	v58 =	vmul.f32 $6.250000000e-02, v7  }
0xbb: {  	s14 =	sshll.u32 s14, $0x4;
	p0 =	sne.s32 s13, $0x10;
	[tilespmem:$0x4410] =	vst v4  }
.Ltmp8:
0xbc: {  	s14 =	sadd.s32 s5, s14;
	[tilespmem:$0x4420] =	vst v58;
	(pc) =	sbr.rel @p0 .LBB2_2-.Ltmp8, $4  }
0xbd: {  	[hbm4b:s14+s1] =	stream.linear.scatter [tilespmem:s11], [sflag:$0x2], $0x400, $0x38;
	[tilespmem:$0x4480] =	vst v63  }
0xbe: {  	_ =	swait.ge [sflag:s8], $0x400  }
0xbf: {  	[sflag:s8] =	ssyncset.done $0x0  }
0xc0: {  	[sflag:s8] =	ssyncadd.s32 $0xFFFFFC00  }
0xc1: {  	s12 =	sadd.s32 $0x1, s12  }
0xc2: {  	p0 =	sne.s32 s12, s7  }
.Ltmp9:
0xc3: {  	_ = 	snop;
	(pc) =	sbr.rel @p0 .LBB2_1-.Ltmp9, $1  }
0xc4: {  	_ =	sdelay $0x3  }
0xc5: {  	_ =	sfence.sel $0x180000  }
0xc6: {  	[bflag:$0x0] =	sbarrier.arrive $0xFFFF  }
0xc7: {  	p0 =	sne.s32 s2, $0x0;
	_ =	strace $0x9000004A  }
0xc8: {  	s0 =	sadd.s32 @!p0 $0x100000, s0;
	[bflag:$0x2] =	sbarrier.arrive $0xFFFF  }
0xc9: {  	[sflag:s0] =	ssyncadd.tile.s32 @!p0 $0x1;
	_ =	shalt  }
.Lfunc_end2:
_tile_overlayer_lowered:
.L_overlay_start_2:
0xca: {  	(tag) =	ssettag $0x2  }
0xcb: {  	s0 =	rddreg [dreg:$0x0];
	s2 =	stileid.u32  }
0xcc: {  	s1 =	rddreg [dreg:$0x1];
	p0 =	sne.s32 s2, $0x0  }
0xcd: {  	s3 =	rddreg [dreg:$0x2];
	[bflag:$0x3] =	sbarrier.arrive $0xFFFF;
	s2 =	simm.s32 @!p0 $0x1C02  }
0xce: {  	[timem:s3], [sflag:s2] =	dma.local @!p0 [hbm:s0], s1  }
0xcf: {  	s0 =	simm.s32 @!p0 $0x2  }
0xd0: {  	_ =	swait.ge @!p0 [sflag:s0], s1  }
0xd1: {  	s1 =	ssub.s32 @!p0 $0x0, s1;
	[sflag:s0] =	ssyncset.done @!p0 $0x0  }
0xd2: {  	[sflag:s0] =	ssyncadd.s32 @!p0 s1  }
0xd3: {  	[bflag:$0x3] =	sbarrier.arrive $0xFFFF  }
0xd4: {  	_ =	shalt  }

// kernel: kernel.9.cloned.1.call-start
scs
__scs_entry_jumppad:
0x0: {  	(pc) =	sbr.rel $0x88, $3  }
0x1: {  	(tag) =	ssettag $0x0;
	lr =	simm.s32 $0x1  }
0x2: {  	[smem:$0x3F9E] =	sst lr;
	_ =	strace $0xD0000000  }
0x3: {  	_ = 	snop  }
0x4: {  	_ = 	snop  }
0x5: {  	_ = 	snop  }
0x6: {  	_ = 	snop  }
0x7: {  	_ = 	snop  }
__scs_overlays_trampoline_lowered:
0x8: {  	[smem:$0x3FAD] =	sst s0  }
0x9: {  	[smem:$0x3FAE] =	sst s1  }
0xa: {  	[smem:$0x3FAF] =	sst s2  }
0xb: {  	[smem:$0x3FB0] =	sst s3  }
0xc: {  	[smem:$0x3FB1] =	sst s4  }
0xd: {  	[smem:$0x3FB2] =	sst s5  }
0xe: {  	[smem:$0x3FB3] =	sst s6  }
0xf: {  	[smem:$0x3FB4] =	sst s7  }
0x10: {  	[smem:$0x3FB5] =	sst s8  }
0x11: {  	[smem:$0x3FB6] =	sst s9;
	s0 =	simm.s32 @!p0 $0x0  }
0x12: {  	s1 =	sld [smem:$0x3F9C];
	s0 =	simm.s32 @p0 $0x1  }
0x13: {  	[smem:$0x3FB7] =	sst s0;
	s0 =	simm.s32 @!p1 $0x0  }
0x14: {  	s2 =	sld [smem:$0x3F9B];
	s0 =	simm.s32 @p1 $0x1  }
0x15: {  	[smem:$0x3FB8] =	sst s0;
	s0 =	simm.s32 @!p2 $0x0  }
0x16: {  	s3 =	sld [smem:$0x3FDB];
	s0 =	simm.s32 @p2 $0x1  }
0x17: {  	s4 =	simm.s32 $0x1BF5;
	[smem:$0x3FBA] =	sst s0  }
0x18: {  	s0 =	sld [smem:$0x3F9D];
	_ =	swait.ge [sflag:s4], $0x0  }
0x19: {  	s7 =	sld [smem:$0x3F9E]  }
0x1a: {  	s8 =	sadd.s32 $0xFFFFE003, lr  }
0x1b: {  	s9 =	sadd.s32 $0xFFFFFEF7, lr;
	s5 =	simm.s32 $0xFFFFFFFF;
	p2 =	slt.u32 s8, $0xFFFFF086  }
0x1c: {  	p1 =	slt.u32 s9, $0xF7A;
	s5 =	simm.s32 @!p2 $0x0  }
0x1d: {  	s5 =	simm.s32 @p1 $0x1;
	p0 =	seq.s32 s7, s2  }
0x1e: {  	s7 =	smul.u32 @!p0 $0xF7A, s2;
	p2 =	seq.s32 @!p0 s5, $0x0  }
0x1f: {  	s9 =	smul.u32 $0xF7A, s1;
	s8 =	simm.s32 @!p0 $0x1BF5;
	p2 =	por !p2, p0  }
0x20: {  	[sflag:s8] =	ssyncset.s32 @!p0 $0xFFFFF086;
	s6 =	sadd.s32 @!p0 s3, s7;
	s7 =	simm.s32 @!p0 $0x108  }
0x21: {  	s3 =	sadd.s32 s3, s9;
	s6 =	sadd.s32 @!p0 $0x88, s6;
	s7 =	simm.s32 @p2 $0x1082  }
0x22: {  	[simem:s7], [sflag:s8] =	dma.local @!p0 [hbm:s6], $0xF7A  }
0x23: {  	s9 =	sor.u32 $0xD0000000, s2;
	s6 =	simm.s32 $0x108;
	_ =	swait.ge @!p0 [sflag:s8], $0x0  }
0x24: {  	s3 =	sadd.s32 $0x88, s3;
	s6 =	simm.s32 @!p1 $0x1082;
	[sflag:s4] =	ssyncset.s32 $0xFFFFF086  }
0x25: {  	[simem:s6], [sflag:s4] =	dma.local [hbm:s3], $0xF7A  }
0x26: {  	[smem:$0x3F9E] =	sst s1;
	(tag) =	ssettag s2;
	_ =	strace s9  }
0x27: {  	s1 =	sld [smem:$0x3FAE]  }
0x28: {  	s2 =	sld [smem:$0x3FAF]  }
0x29: {  	s4 =	sld [smem:$0x3FB1]  }
0x2a: {  	p0 =	seq.s32 s5, $0x0;
	s5 =	sld [smem:$0x3FB2]  }
0x2b: {  	s6 =	sld [smem:$0x3FB3]  }
0x2c: {  	s7 =	sld [smem:$0x3FB4]  }
0x2d: {  	s3 =	simm.s32 $0x108;
	s8 =	sld [smem:$0x3FB5]  }
0x2e: {  	s3 =	simm.s32 @!p0 $0x1082;
	s9 =	sld [smem:$0x3FB6]  }
0x2f: {  	lr =	sadd.s32 s0, s3;
	s0 =	sld [smem:$0x3FAD]  }
0x30: {  	s3 =	sld [smem:$0x3FB0]  }
0x31: {  	[smem:$0x3FB9] =	sst s10  }
0x32: {  	s10 =	sld [smem:$0x3FB7];
	_ =	sdelay $0x3  }
0x33: {  	p0 =	seq.s32 s10, $0x1;
	s10 =	sld [smem:$0x3FB9];
	_ =	sdelay $0x3  }
0x34: {  	[smem:$0x3FB9] =	sst s10  }
0x35: {  	s10 =	sld [smem:$0x3FB8];
	_ =	sdelay $0x3  }
0x36: {  	p1 =	seq.s32 s10, $0x1;
	s10 =	sld [smem:$0x3FB9];
	_ =	sdelay $0x3  }
0x37: {  	[smem:$0x3FB9] =	sst s10  }
0x38: {  	s10 =	sld [smem:$0x3FBA]  }
0x39: {  	_ = 	snop;
	(pc) =	sbr.ind lr, $3  }
0x3a: {  	_ = 	snop  }
0x3b: {  	_ = 	snop  }
0x3c: {  	p2 =	seq.s32 s10, $0x1;
	s10 =	sld [smem:$0x3FB9]  }
0x3d: {  	_ =	shalt  }
0x3e: {  	_ =	shalt  }
0x3f: {  	_ =	shalt  }
0x40: {  	_ =	shalt  }
0x41: {  	_ =	shalt  }
0x42: {  	_ =	shalt  }
0x43: {  	_ =	shalt  }
0x44: {  	_ =	shalt  }
0x45: {  	_ =	shalt  }
0x46: {  	_ =	shalt  }
0x47: {  	_ =	shalt  }
0x48: {  	_ =	shalt  }
0x49: {  	_ =	shalt  }
0x4a: {  	_ =	shalt  }
0x4b: {  	_ =	shalt  }
0x4c: {  	_ =	shalt  }
0x4d: {  	_ =	shalt  }
0x4e: {  	_ =	shalt  }
0x4f: {  	_ =	shalt  }
0x50: {  	_ =	shalt  }
0x51: {  	_ =	shalt  }
0x52: {  	_ =	shalt  }
0x53: {  	_ =	shalt  }
0x54: {  	_ =	shalt  }
0x55: {  	_ =	shalt  }
0x56: {  	_ =	shalt  }
0x57: {  	_ =	shalt  }
0x58: {  	_ =	shalt  }
0x59: {  	_ =	shalt  }
0x5a: {  	_ =	shalt  }
0x5b: {  	_ =	shalt  }
0x5c: {  	_ =	shalt  }
0x5d: {  	_ =	shalt  }
0x5e: {  	_ =	shalt  }
0x5f: {  	_ =	shalt  }
0x60: {  	_ =	shalt  }
0x61: {  	_ =	shalt  }
0x62: {  	_ =	shalt  }
0x63: {  	_ =	shalt  }
0x64: {  	_ =	shalt  }
0x65: {  	_ =	shalt  }
0x66: {  	_ =	shalt  }
0x67: {  	_ =	shalt  }
0x68: {  	_ =	shalt  }
0x69: {  	_ =	shalt  }
0x6a: {  	_ =	shalt  }
0x6b: {  	_ =	shalt  }
0x6c: {  	_ =	shalt  }
0x6d: {  	_ =	shalt  }
0x6e: {  	_ =	shalt  }
0x6f: {  	_ =	shalt  }
0x70: {  	_ =	shalt  }
0x71: {  	_ =	shalt  }
0x72: {  	_ =	shalt  }
0x73: {  	_ =	shalt  }
0x74: {  	_ =	shalt  }
0x75: {  	_ =	shalt  }
0x76: {  	_ =	shalt  }
0x77: {  	_ =	shalt  }
0x78: {  	_ =	shalt  }
0x79: {  	_ =	shalt  }
0x7a: {  	_ =	shalt  }
0x7b: {  	_ =	shalt  }
0x7c: {  	_ =	shalt  }
0x7d: {  	_ =	shalt  }
0x7e: {  	_ =	shalt  }
0x7f: {  	_ =	shalt  }
0x80: {  	_ =	shalt  }
0x81: {  	_ =	shalt  }
0x82: {  	_ =	shalt  }
0x83: {  	_ =	shalt  }
0x84: {  	_ =	shalt  }
0x85: {  	_ =	shalt  }
0x86: {  	_ =	shalt  }
0x87: {  	_ =	shalt  }
.Lfunc_end0:
.L_simem_size_0:
called_computation.1_lowered:
.L_overlay_start_0:
0x88: {  	s2 =	sld [smem:$0x3FD9]  }
0x89: {  	s3 =	sld [smem:$0x3FFE];
	_ =	sdelay $0x1  }
0x8a: {  	s1 =	srdreg.scid  }
0x8b: {  	s0 =	sand.u32 $0x1, s1  }
0x8c: {  	s14 =	sshll.u32 s0, $0xA;
	s2 =	sadd.s32 s3, s2  }
0x8d: {  	s2 =	sadd.s32 s2, s14  }
0x8e: {  	[smem:$0x3FC5] =	sst s2  }
0x8f: {  	_ = 	snop  }
0x90: {  	s2 =	sld [smem:$0x3FD0];
	_ =	sdelay $0x2  }
0x91: {  	s15 =	simm.s32 $0xB;
	s4 =	simm.s32 $0x10  }
0x92: {  	[smem:s4], [sflag:s15] =	dma.local [hbm:s2], $0x1  }
0x93: {  	_ =	swait.eq [sflag:s15], $0x1  }
0x94: {  	[sflag:s15] =	ssyncset.done $0x0  }
0x95: {  	[sflag:s15] =	ssyncadd.s32 $0xFFFFFFFF  }
0x96: {  	s16 =	sld [smem:$0x10];
	(tm) =	ssettm $0x1  }
0x97: {  	s17 =	sld [smem:$0x3FFB];
	_ =	sdelay $0x3  }
0x98: {  	_ =	strace s17  }
0x99: {  	s3 =	sld [smem:$0x3FFC];
	_ =	sdelay $0x3  }
0x9a: {  	_ =	strace s3  }
0x9b: {  	s3 =	sld [smem:$0x3FFD];
	_ =	sdelay $0x3  }
0x9c: {  	_ =	strace s3  }
0x9d: {  	_ =	strace $0x8FFFFFFF  }
0x9e: {  	s18 =	sld [smem:$0x3FDB];
	_ =	sdelay $0x1  }
0x9f: {  	s19 =	simm.s32 $_scs_section_size  }
0xa0: {  	s5 =	simm.s32 $_size__tile_overlayer_lowered;
	s6 =	simm.s32 $_tile_overlayer_lowered  }
0xa1: {  	s22 =	simm.s32 $0x1BFF;
	s21 =	sshll.u32 s6, $0x1;
	s3 =	sadd.s32 s19, s18  }
0xa2: {  	s7 =	simm.s32 $0x0;
	s20 =	sshll.u32 s5, $0x1;
	s5 =	sadd.s32 s21, s3  }
0xa3: {  	[timem:s7], [sflag:s22] =	dma.local [hbm:s5], s20  }
0xa4: {  	_ =	swait.ge [sflag:s22], s20  }
0xa5: {  	s4 =	ssub.s32 $0x0, s20;
	[sflag:s22] =	ssyncset.done $0x0  }
0xa6: {  	[sflag:s22] =	ssyncadd.s32 s4;
	_ =	sdelay $0x1  }
0xa7: {  	s23 =	simm.s32 $0x1B8B  }
0xa8: {  	_ =	swait.ge [sflag:s23], $0x1  }
0xa9: {  	[sflag:s23] =	ssyncset.done $0x0  }
0xaa: {  	s25 =	simm.s32 $0x1B8E;
	s24 =	sld [smem:$0x3FFE];
	[sflag:s23] =	ssyncadd.s32 $0xFFFFFFFF  }
0xab: {  	s26 =	simm.s32 $execute0_lowered;
	[smem:$0x3FD2] =	sst s25  }
0xac: {  	s5 =	sshll.u32 s26, $0x1;
	_ =	strace $0x80000046;
	[dreg:$0x1] =	wrdreg $0xFFFFFFFF  }
0xad: {  	s28 =	simm.s32 $_size_execute0_lowered;
	s3 =	sadd.s32 s3, s5;
	[dreg:$0x0] =	wrdreg $0x0  }
0xae: {  	s5 =	sshll.u32 s28, $0x1;
	[dreg:$0x2] =	wrdreg s3  }
0xaf: {  	[dreg:$0x3] =	wrdreg s5  }
0xb0: {  	[dreg:$0x4] =	wrdreg $0xC0  }
0xb1: {  	_ =	task [dreg:s7], $0x5FFFF  }
0xb2: {  	[dreg:$0x1] =	wrdreg $0xFFFFFFFF  }
0xb3: {  	[dreg:$0x0] =	wrdreg $0x60  }
0xb4: {  	[dreg:$0x2] =	wrdreg s16  }
0xb5: {  	[dreg:$0x3] =	wrdreg s24  }
0xb6: {  	[dreg:$0x4] =	wrdreg $0xA  }
0xb7: {  	_ =	task.clear_ibuf [dreg:s7], $0x5FFFF;
	_ =	strace $0x90000046  }
0xb8: {  	s29 =	simm.s32 $0xA;
	_ =	strace $0x80000048  }
0xb9: {  	_ =	swait.ge [sflag:s29], $0x1  }
0xba: {  	[sflag:s29] =	ssyncadd.s32 $0xFFFFFFFF  }
0xbb: {  	_ =	strace $0x90000048  }
0xbc: {  	_ =	sfence  }
0xbd: {  	s30 =	sld [smem:$0x0];
	_ =	sdelay $0x2  }
0xbe: {  	s31 =	sshll.u32 s1, $0xD;
	s1 =	sshrl.u32 s1, $0x2  }
0xbf: {  	s3 =	sand.u32 $0x4000, s31;
	s1 =	sadd.s32 s1, s30  }
0xc0: {  	s0 =	sor.u32 s3, s0;
	s1 =	sshll.u32 s1, $0x11  }
0xc1: {  	s0 =	sor.u32 s1, s0  }
0xc2: {  	s0 =	sadd.s32 $0x8F2B, s0  }
0xc3: {  	[sflag:s0] =	ssyncadd.remote.s32 $0x1  }
0xc4: {  	_ =	sfence.sel $0xFFFF  }
0xc5: {  	[dreg:$0x0] =	wrdreg $0xFFFFFFFF;
	(pc) =	sbr.abs _section_cstart, $3  }
0xc6: {  	[dreg:$0x1] =	wrdreg $0xFFFFFFFF  }
0xc7: {  	_ =	task.clear_ibuf [dreg:s7], $0x2FFFF;
	_ =	strace $0x9FFFFFFF  }
0xc8: {  	(tm) =	ssettm $0x7FFFFFFF  }
0xc9: {  	_ =	shalt  }
tec
execute0_lowered:
.L_overlay_start_1:
0x0: {  	(tag) =	ssettag $0x1  }
0x1: {  	s1 =	rddreg [dreg:$0x0]  }
0x2: {  	s5 =	rddreg [dreg:$0x1]  }
0x3: {  	s0 =	rddreg [dreg:$0x2];
	s2 =	simm.s32 $0x0;
	s3 =	srdreg.scid  }
0x4: {  	s10 =	simm.s32 $0x1;
	s11 =	simm.s32 $0x4080;
	s12 =	simm.s32 $0x0  }
0x5: {  	[smem:$0x7FF] =	sst s2;
	s6 =	sand.u32 $0x1, s3;
	s4 =	sadd.s32 $0x600, s5  }
0x6: {  	s3 =	stileid.u32;
	s5 =	sadd.s32 $0x2600, s5;
	s7 =	ssub.s32 $0x2, s6  }
0x7: {  	s9 =	sshll.u32 s3, $0x8;
	s6 =	sshll.u32 s6, $0x7;
	s8 =	sshrl.u32 s7, $0x1  }
0x8: {  	_ =	strace $0x80000047;
	s6 =	sor.u32 s6, s9;
	s7 =	ssub.s32 s7, s8  }
0x9: {  	s9 =	simm.s32 $0x80;
	s8 =	simm.s32 $0x2;
	s7 =	smax.u32 s7, $0x1  }
.LBB2_1:
0xa: {  	s13 =	simm.s32 $0x0  }
.LBB2_2:
0xb: {  	s14 =	sshll.u32 s13, $0x3  }
0xc: {  	s14 =	sadd.s32 s6, s14  }
0xd: {  	s15 =	sshll.u32 s14, $0x1  }
0xe: {  	s16 =	simm.s32 $0x0;
	s15 =	sadd.s32 s4, s15  }
0xf: {  	[tilespmem:s16], [sflag:$0x2] =	stream.linear.gather [hbm4b:s15+s16], $0x80, $0x38;
	[tilespmem:$0x4480] =	vst v63  }
0x10: {  	_ =	swait.ge [sflag:s8], $0x80  }
0x11: {  	[sflag:s8] =	ssyncset.done $0x0  }
0x12: {  	[sflag:s8] =	ssyncadd.s32 $0xFFFFFF80  }
0x13: {  	[tilespmem:s9], [sflag:$0x1] =	stream.indirect.gather [hbm4b:s1+s9], $0x80, s16, s9, $0xb8;
	[tilespmem:$0x4480] =	vst v63  }
0x14: {  	_ =	swait.ge [sflag:s10], $0x4000  }
0x15: {  	[sflag:s10] =	ssyncset.done $0x0  }
0x16: {  	[sflag:s10] =	ssyncadd.s32 $0xFFFFC000  }
0x17: {  	v8 =	vld [tilespmem:$0x80]  }
0x18: {  	v10 =	vld [tilespmem:$0x90]  }
0x19: {  	v11 =	vld [tilespmem:$0xA0]  }
0x1a: {  	v7 =	vld [tilespmem:$0xB0]  }
0x1b: {  	s31 =	simm.s32 $0x0  }
0x1c: {  	v0 =	vld [tilespmem:s31+$0x130]  }
0x1d: {  	v2 =	vld [tilespmem:s31+$0x100]  }
0x1e: {  	v4 =	vld [tilespmem:s31+$0x110]  }
0x1f: {  	s15 =	simm.s32 $0x200;
	v3 =	vld [tilespmem:s31+$0x120];
	v1 =	vmovc v7;
	v9 =	vmov v8;
	v6 =	vmov v10;
	v5 =	vmov v11  }
.LBB2_3:
0x20: {  	p0 =	sne.s32 s15, $0x1C00  }
.Ltmp0:
0x21: {  	s16 =	sshra.s32 s15, $0x2;
	s15 =	sadd.s32 $0x200, s15;
	v7 =	vadd.f32 v0, v7;
	v1 =	vmax.f32 v1, v0;
	(pc) =	sbr.rel @p0 .LBB2_3-.Ltmp0, $4  }
0x22: {  	v0 =	vld [tilespmem:s16+$0x130];
	v8 =	vadd.f32 v2, v8;
	v9 =	vmax.f32 v9, v2  }
0x23: {  	v2 =	vld [tilespmem:s16+$0x100];
	v10 =	vadd.f32 v4, v10;
	v6 =	vmax.f32 v6, v4  }
0x24: {  	v4 =	vld [tilespmem:s16+$0x110];
	v11 =	vadd.f32 v3, v11;
	v5 =	vmax.f32 v5, v3  }
0x25: {  	v3 =	vld [tilespmem:s16+$0x120]  }
0x26: {  	_ =	sdelay $0x1  }
0x27: {  	v8 =	vadd.f32 v2, v8  }
0x28: {  	v7 =	vadd.f32 v0, v7;
	v0 =	vmax.f32 v1, v0  }
0x29: {  	[tilespmem:$0x40F0] =	vst v0;
	v6 =	vmax.f32 v6, v4;
	v11 =	vadd.f32 v3, v11;
	v8 =	vmul.f32 $6.250000000e-02, v8  }
0x2a: {  	v7 =	vmul.f32 $6.250000000e-02, v7;
	[tilespmem:$0x40D0] =	vst v6  }
0x2b: {  	[tilespmem:$0x4080] =	vst v8;
	v8 =	vmul.f32 $6.250000000e-02, v11  }
0x2c: {  	v10 =	vadd.f32 v4, v10;
	v4 =	vld [tilespmem:$0x890];
	[tilespmem:$0x40B0] =	vst v7  }
0x2d: {  	v3 =	vmax.f32 v5, v3;
	[tilespmem:$0x40A0] =	vst v8;
	v8 =	vmax.f32 v9, v2;
	v2 =	vld [tilespmem:$0x880]  }
0x2e: {  	v10 =	vmul.f32 $6.250000000e-02, v10;
	[tilespmem:$0x40E0] =	vst v3;
	v9 =	vld [tilespmem:$0x8B0]  }
0x2f: {  	[tilespmem:$0x40C0] =	vst v8;
	v8 =	vld [tilespmem:$0x8A0]  }
0x30: {  	s16 =	simm.s32 $0x0;
	[tilespmem:$0x4090] =	vst v10  }
0x31: {  	v0 =	vld [tilespmem:s16+$0x930]  }
0x32: {  	v7 =	vld [tilespmem:s16+$0x900]  }
0x33: {  	v5 =	vld [tilespmem:s16+$0x910]  }
0x34: {  	s15 =	simm.s32 $0x200;
	v10 =	vmovc v4;
	v3 =	vld [tilespmem:s16+$0x920];
	v1 =	vmov v9;
	v11 =	vmov v2;
	v6 =	vmov v8  }
.LBB2_5:
0x35: {  	p0 =	sne.s32 s15, $0x1C00  }
.Ltmp1:
0x36: {  	s16 =	sshra.s32 s15, $0x2;
	s15 =	sadd.s32 $0x200, s15;
	v9 =	vadd.f32 v0, v9;
	v1 =	vmax.f32 v1, v0;
	(pc) =	sbr.rel @p0 .LBB2_5-.Ltmp1, $4  }
0x37: {  	v0 =	vld [tilespmem:s16+$0x930];
	v2 =	vadd.f32 v7, v2;
	v11 =	vmax.f32 v11, v7  }
0x38: {  	v7 =	vld [tilespmem:s16+$0x900];
	v4 =	vadd.f32 v5, v4;
	v10 =	vmax.f32 v10, v5  }
0x39: {  	v5 =	vld [tilespmem:s16+$0x910];
	v8 =	vadd.f32 v3, v8;
	v6 =	vmax.f32 v6, v3  }
0x3a: {  	v3 =	vld [tilespmem:s16+$0x920]  }
0x3b: {  	_ =	sdelay $0x1  }
0x3c: {  	v9 =	vadd.f32 v0, v9;
	v0 =	vmax.f32 v1, v0;
	v2 =	vadd.f32 v7, v2  }
0x3d: {  	v7 =	vmax.f32 v11, v7;
	[tilespmem:$0x4170] =	vst v0;
	v4 =	vadd.f32 v5, v4  }
0x3e: {  	v5 =	vmax.f32 v10, v5;
	[tilespmem:$0x4140] =	vst v7;
	v8 =	vadd.f32 v3, v8;
	v2 =	vmul.f32 $6.250000000e-02, v2  }
0x3f: {  	[tilespmem:$0x4150] =	vst v5;
	v4 =	vmul.f32 $6.250000000e-02, v4  }
0x40: {  	[tilespmem:$0x4100] =	vst v2;
	v2 =	vmul.f32 $6.250000000e-02, v8;
	v8 =	vld [tilespmem:$0x10A0]  }
0x41: {  	[tilespmem:$0x4110] =	vst v4;
	v4 =	vmul.f32 $6.250000000e-02, v9;
	v9 =	vld [tilespmem:$0x10B0]  }
0x42: {  	[tilespmem:$0x4120] =	vst v2;
	v2 =	vld [tilespmem:$0x1080]  }
0x43: {  	v3 =	vmax.f32 v6, v3;
	[tilespmem:$0x4130] =	vst v4;
	v4 =	vld [tilespmem:$0x1090]  }
0x44: {  	s16 =	simm.s32 $0x0;
	[tilespmem:$0x4160] =	vst v3  }
0x45: {  	v0 =	vld [tilespmem:s16+$0x1130]  }
0x46: {  	v7 =	vld [tilespmem:s16+$0x1100]  }
0x47: {  	v5 =	vld [tilespmem:s16+$0x1110]  }
0x48: {  	s15 =	simm.s32 $0x200;
	v3 =	vld [tilespmem:s16+$0x1120];
	v6 =	vmovc v8;
	v1 =	vmov v9;
	v11 =	vmov v2;
	v10 =	vmov v4  }
.LBB2_7:
0x49: {  	p0 =	sne.s32 s15, $0x1C00  }
.Ltmp2:
0x4a: {  	s16 =	sshra.s32 s15, $0x2;
	s15 =	sadd.s32 $0x200, s15;
	v9 =	vadd.f32 v0, v9;
	v1 =	vmax.f32 v1, v0;
	(pc) =	sbr.rel @p0 .LBB2_7-.Ltmp2, $4  }
0x4b: {  	v0 =	vld [tilespmem:s16+$0x1130];
	v2 =	vadd.f32 v7, v2;
	v11 =	vmax.f32 v11, v7  }
0x4c: {  	v7 =	vld [tilespmem:s16+$0x1100];
	v4 =	vadd.f32 v5, v4;
	v10 =	vmax.f32 v10, v5  }
0x4d: {  	v5 =	vld [tilespmem:s16+$0x1110];
	v8 =	vadd.f32 v3, v8;
	v6 =	vmax.f32 v6, v3  }
0x4e: {  	v3 =	vld [tilespmem:s16+$0x1120]  }
0x4f: {  	_ =	sdelay $0x1  }
0x50: {  	v9 =	vadd.f32 v0, v9;
	v0 =	vmax.f32 v1, v0;
	v2 =	vadd.f32 v7, v2  }
0x51: {  	v7 =	vmax.f32 v11, v7;
	[tilespmem:$0x41F0] =	vst v0;
	v4 =	vadd.f32 v5, v4  }
0x52: {  	v5 =	vmax.f32 v10, v5;
	[tilespmem:$0x41C0] =	vst v7;
	v8 =	vadd.f32 v3, v8;
	v2 =	vmul.f32 $6.250000000e-02, v2  }
0x53: {  	[tilespmem:$0x41D0] =	vst v5;
	v4 =	vmul.f32 $6.250000000e-02, v4  }
0x54: {  	[tilespmem:$0x4180] =	vst v2;
	v2 =	vmul.f32 $6.250000000e-02, v8;
	v8 =	vld [tilespmem:$0x18A0]  }
0x55: {  	[tilespmem:$0x4190] =	vst v4;
	v4 =	vmul.f32 $6.250000000e-02, v9;
	v9 =	vld [tilespmem:$0x18B0]  }
0x56: {  	[tilespmem:$0x41A0] =	vst v2;
	v2 =	vld [tilespmem:$0x1880]  }
0x57: {  	v3 =	vmax.f32 v6, v3;
	[tilespmem:$0x41B0] =	vst v4;
	v4 =	vld [tilespmem:$0x1890]  }
0x58: {  	s16 =	simm.s32 $0x0;
	[tilespmem:$0x41E0] =	vst v3  }
0x59: {  	v0 =	vld [tilespmem:s16+$0x1930]  }
0x5a: {  	v7 =	vld [tilespmem:s16+$0x1900]  }
0x5b: {  	v5 =	vld [tilespmem:s16+$0x1910]  }
0x5c: {  	s15 =	simm.s32 $0x200;
	v3 =	vld [tilespmem:s16+$0x1920];
	v6 =	vmovc v8;
	v1 =	vmov v9;
	v11 =	vmov v2;
	v10 =	vmov v4  }
.LBB2_9:
0x5d: {  	p0 =	sne.s32 s15, $0x1C00  }
.Ltmp3:
0x5e: {  	s16 =	sshra.s32 s15, $0x2;
	s15 =	sadd.s32 $0x200, s15;
	v9 =	vadd.f32 v0, v9;
	v1 =	vmax.f32 v1, v0;
	(pc) =	sbr.rel @p0 .LBB2_9-.Ltmp3, $4  }
0x5f: {  	v0 =	vld [tilespmem:s16+$0x1930];
	v2 =	vadd.f32 v7, v2;
	v11 =	vmax.f32 v11, v7  }
0x60: {  	v7 =	vld [tilespmem:s16+$0x1900];
	v4 =	vadd.f32 v5, v4;
	v10 =	vmax.f32 v10, v5  }
0x61: {  	v5 =	vld [tilespmem:s16+$0x1910];
	v8 =	vadd.f32 v3, v8;
	v6 =	vmax.f32 v6, v3  }
0x62: {  	v3 =	vld [tilespmem:s16+$0x1920]  }
0x63: {  	_ =	sdelay $0x1  }
0x64: {  	v9 =	vadd.f32 v0, v9;
	v0 =	vmax.f32 v1, v0;
	v2 =	vadd.f32 v7, v2  }
0x65: {  	v7 =	vmax.f32 v11, v7;
	[tilespmem:$0x4270] =	vst v0;
	v4 =	vadd.f32 v5, v4  }
0x66: {  	v5 =	vmax.f32 v10, v5;
	[tilespmem:$0x4240] =	vst v7;
	v8 =	vadd.f32 v3, v8;
	v2 =	vmul.f32 $6.250000000e-02, v2  }
0x67: {  	[tilespmem:$0x4250] =	vst v5;
	v4 =	vmul.f32 $6.250000000e-02, v4  }
0x68: {  	[tilespmem:$0x4200] =	vst v2;
	v2 =	vmul.f32 $6.250000000e-02, v8;
	v8 =	vld [tilespmem:$0x20A0]  }
0x69: {  	[tilespmem:$0x4210] =	vst v4;
	v4 =	vmul.f32 $6.250000000e-02, v9;
	v9 =	vld [tilespmem:$0x20B0]  }
0x6a: {  	[tilespmem:$0x4220] =	vst v2;
	v2 =	vld [tilespmem:$0x2080]  }
0x6b: {  	v3 =	vmax.f32 v6, v3;
	[tilespmem:$0x4230] =	vst v4;
	v4 =	vld [tilespmem:$0x2090]  }
0x6c: {  	s16 =	simm.s32 $0x0;
	[tilespmem:$0x4260] =	vst v3  }
0x6d: {  	v0 =	vld [tilespmem:s16+$0x2130]  }
0x6e: {  	v7 =	vld [tilespmem:s16+$0x2100]  }
0x6f: {  	v5 =	vld [tilespmem:s16+$0x2110]  }
0x70: {  	s15 =	simm.s32 $0x200;
	v3 =	vld [tilespmem:s16+$0x2120];
	v6 =	vmovc v8;
	v1 =	vmov v9;
	v11 =	vmov v2;
	v10 =	vmov v4  }
.LBB2_11:
0x71: {  	p0 =	sne.s32 s15, $0x1C00  }
.Ltmp4:
0x72: {  	s16 =	sshra.s32 s15, $0x2;
	s15 =	sadd.s32 $0x200, s15;
	v9 =	vadd.f32 v0, v9;
	v1 =	vmax.f32 v1, v0;
	(pc) =	sbr.rel @p0 .LBB2_11-.Ltmp4, $4  }
0x73: {  	v0 =	vld [tilespmem:s16+$0x2130];
	v2 =	vadd.f32 v7, v2;
	v11 =	vmax.f32 v11, v7  }
0x74: {  	v7 =	vld [tilespmem:s16+$0x2100];
	v4 =	vadd.f32 v5, v4;
	v10 =	vmax.f32 v10, v5  }
0x75: {  	v5 =	vld [tilespmem:s16+$0x2110];
	v8 =	vadd.f32 v3, v8;
	v6 =	vmax.f32 v6, v3  }
0x76: {  	v3 =	vld [tilespmem:s16+$0x2120]  }
0x77: {  	_ =	sdelay $0x1  }
0x78: {  	v9 =	vadd.f32 v0, v9;
	v0 =	vmax.f32 v1, v0;
	v2 =	vadd.f32 v7, v2  }
0x79: {  	v7 =	vmax.f32 v11, v7;
	[tilespmem:$0x42F0] =	vst v0;
	v4 =	vadd.f32 v5, v4  }
0x7a: {  	v5 =	vmax.f32 v10, v5;
	[tilespmem:$0x42C0] =	vst v7;
	v8 =	vadd.f32 v3, v8;
	v2 =	vmul.f32 $6.250000000e-02, v2  }
0x7b: {  	[tilespmem:$0x42D0] =	vst v5;
	v4 =	vmul.f32 $6.250000000e-02, v4  }
0x7c: {  	[tilespmem:$0x4280] =	vst v2;
	v2 =	vmul.f32 $6.250000000e-02, v8;
	v8 =	vld [tilespmem:$0x28A0]  }
0x7d: {  	[tilespmem:$0x4290] =	vst v4;
	v4 =	vmul.f32 $6.250000000e-02, v9;
	v9 =	vld [tilespmem:$0x28B0]  }
0x7e: {  	[tilespmem:$0x42A0] =	vst v2;
	v2 =	vld [tilespmem:$0x2880]  }
0x7f: {  	v3 =	vmax.f32 v6, v3;
	[tilespmem:$0x42B0] =	vst v4;
	v4 =	vld [tilespmem:$0x2890]  }
0x80: {  	s16 =	simm.s32 $0x0;
	[tilespmem:$0x42E0] =	vst v3  }
0x81: {  	v0 =	vld [tilespmem:s16+$0x2930]  }
0x82: {  	v7 =	vld [tilespmem:s16+$0x2900]  }
0x83: {  	v5 =	vld [tilespmem:s16+$0x2910]  }
0x84: {  	s15 =	simm.s32 $0x200;
	v3 =	vld [tilespmem:s16+$0x2920];
	v6 =	vmovc v8;
	v1 =	vmov v9;
	v11 =	vmov v2;
	v10 =	vmov v4  }
.LBB2_13:
0x85: {  	p0 =	sne.s32 s15, $0x1C00  }
.Ltmp5:
0x86: {  	s16 =	sshra.s32 s15, $0x2;
	s15 =	sadd.s32 $0x200, s15;
	v9 =	vadd.f32 v0, v9;
	v1 =	vmax.f32 v1, v0;
	(pc) =	sbr.rel @p0 .LBB2_13-.Ltmp5, $4  }
0x87: {  	v0 =	vld [tilespmem:s16+$0x2930];
	v2 =	vadd.f32 v7, v2;
	v11 =	vmax.f32 v11, v7  }
0x88: {  	v7 =	vld [tilespmem:s16+$0x2900];
	v4 =	vadd.f32 v5, v4;
	v10 =	vmax.f32 v10, v5  }
0x89: {  	v5 =	vld [tilespmem:s16+$0x2910];
	v8 =	vadd.f32 v3, v8;
	v6 =	vmax.f32 v6, v3  }
0x8a: {  	v3 =	vld [tilespmem:s16+$0x2920]  }
0x8b: {  	_ =	sdelay $0x1  }
0x8c: {  	v9 =	vadd.f32 v0, v9;
	v0 =	vmax.f32 v1, v0;
	v2 =	vadd.f32 v7, v2  }
0x8d: {  	v7 =	vmax.f32 v11, v7;
	[tilespmem:$0x4370] =	vst v0;
	v4 =	vadd.f32 v5, v4  }
0x8e: {  	v5 =	vmax.f32 v10, v5;
	[tilespmem:$0x4340] =	vst v7;
	v8 =	vadd.f32 v3, v8;
	v2 =	vmul.f32 $6.250000000e-02, v2  }
0x8f: {  	[tilespmem:$0x4350] =	vst v5;
	v4 =	vmul.f32 $6.250000000e-02, v4  }
0x90: {  	[tilespmem:$0x4300] =	vst v2;
	v2 =	vmul.f32 $6.250000000e-02, v8;
	v8 =	vld [tilespmem:$0x30A0]  }
0x91: {  	[tilespmem:$0x4310] =	vst v4;
	v4 =	vmul.f32 $6.250000000e-02, v9;
	v9 =	vld [tilespmem:$0x30B0]  }
0x92: {  	[tilespmem:$0x4320] =	vst v2;
	v2 =	vld [tilespmem:$0x3080]  }
0x93: {  	v3 =	vmax.f32 v6, v3;
	[tilespmem:$0x4330] =	vst v4;
	v4 =	vld [tilespmem:$0x3090]  }
0x94: {  	s16 =	simm.s32 $0x0;
	[tilespmem:$0x4360] =	vst v3  }
0x95: {  	v0 =	vld [tilespmem:s16+$0x3130]  }
0x96: {  	v7 =	vld [tilespmem:s16+$0x3100]  }
0x97: {  	v5 =	vld [tilespmem:s16+$0x3110]  }
0x98: {  	s15 =	simm.s32 $0x200;
	v3 =	vld [tilespmem:s16+$0x3120];
	v6 =	vmovc v8;
	v1 =	vmov v9;
	v11 =	vmov v2;
	v10 =	vmov v4  }
.LBB2_15:
0x99: {  	p0 =	sne.s32 s15, $0x1C00  }
.Ltmp6:
0x9a: {  	s16 =	sshra.s32 s15, $0x2;
	s15 =	sadd.s32 $0x200, s15;
	v9 =	vadd.f32 v0, v9;
	v1 =	vmax.f32 v1, v0;
	(pc) =	sbr.rel @p0 .LBB2_15-.Ltmp6, $4  }
0x9b: {  	v0 =	vld [tilespmem:s16+$0x3130];
	v2 =	vadd.f32 v7, v2;
	v11 =	vmax.f32 v11, v7  }
0x9c: {  	v7 =	vld [tilespmem:s16+$0x3100];
	v4 =	vadd.f32 v5, v4;
	v10 =	vmax.f32 v10, v5  }
0x9d: {  	v5 =	vld [tilespmem:s16+$0x3110];
	v8 =	vadd.f32 v3, v8;
	v6 =	vmax.f32 v6, v3  }
0x9e: {  	v3 =	vld [tilespmem:s16+$0x3120]  }
0x9f: {  	_ =	sdelay $0x1  }
0xa0: {  	v9 =	vadd.f32 v0, v9;
	v0 =	vmax.f32 v1, v0;
	v2 =	vadd.f32 v7, v2  }
0xa1: {  	v7 =	vmax.f32 v11, v7;
	[tilespmem:$0x43F0] =	vst v0;
	v4 =	vadd.f32 v5, v4  }
0xa2: {  	v5 =	vmax.f32 v10, v5;
	[tilespmem:$0x43C0] =	vst v7;
	v8 =	vadd.f32 v3, v8;
	v2 =	vmul.f32 $6.250000000e-02, v2  }
0xa3: {  	[tilespmem:$0x43D0] =	vst v5;
	v4 =	vmul.f32 $6.250000000e-02, v4  }
0xa4: {  	v7 =	vld [tilespmem:$0x38A0];
	[tilespmem:$0x4380] =	vst v2;
	v2 =	vmul.f32 $6.250000000e-02, v8  }
0xa5: {  	v8 =	vld [tilespmem:$0x38B0];
	[tilespmem:$0x4390] =	vst v4;
	v4 =	vmul.f32 $6.250000000e-02, v9  }
0xa6: {  	[tilespmem:$0x43A0] =	vst v2;
	v2 =	vld [tilespmem:$0x3880]  }
0xa7: {  	v3 =	vmax.f32 v6, v3;
	[tilespmem:$0x43B0] =	vst v4;
	v4 =	vld [tilespmem:$0x3890]  }
0xa8: {  	s16 =	simm.s32 $0x0;
	[tilespmem:$0x43E0] =	vst v3  }
0xa9: {  	v0 =	vld [tilespmem:s16+$0x3930]  }
0xaa: {  	v6 =	vld [tilespmem:s16+$0x3900]  }
0xab: {  	v3 =	vld [tilespmem:s16+$0x3910]  }
0xac: {  	s15 =	simm.s32 $0x200;
	v9 =	vmovc v7;
	v5 =	vld [tilespmem:s16+$0x3920];
	v1 =	vmov v8;
	v11 =	vmov v2;
	v10 =	vmov v4  }
.LBB2_17:
0xad: {  	p0 =	sne.s32 s15, $0x1C00  }
.Ltmp7:
0xae: {  	s16 =	sshra.s32 s15, $0x2;
	s15 =	sadd.s32 $0x200, s15;
	v8 =	vadd.f32 v0, v8;
	v1 =	vmax.f32 v1, v0;
	(pc) =	sbr.rel @p0 .LBB2_17-.Ltmp7, $4  }
0xaf: {  	v0 =	vld [tilespmem:s16+$0x3930];
	v2 =	vadd.f32 v6, v2;
	v11 =	vmax.f32 v11, v6  }
0xb0: {  	v6 =	vld [tilespmem:s16+$0x3900];
	v4 =	vadd.f32 v3, v4;
	v10 =	vmax.f32 v10, v3  }
0xb1: {  	v3 =	vld [tilespmem:s16+$0x3910];
	v7 =	vadd.f32 v5, v7;
	v9 =	vmax.f32 v9, v5  }
0xb2: {  	v5 =	vld [tilespmem:s16+$0x3920]  }
0xb3: {  	_ = 	snop  }
0xb4: {  	v8 =	vadd.f32 v0, v8;
	v63 =	vmax.f32 v1, v0  }
0xb5: {  	v60 =	vmax.f32 v11, v6;
	[tilespmem:$0x4470] =	vst v63  }
0xb6: {  	v2 =	vadd.f32 v6, v2;
	v59 =	vmul.f32 $6.250000000e-02, v8;
	v61 =	vmax.f32 v10, v3;
	[tilespmem:$0x4440] =	vst v60  }
0xb7: {  	v4 =	vadd.f32 v3, v4;
	[tilespmem:$0x4450] =	vst v61  }
0xb8: {  	v7 =	vadd.f32 v5, v7;
	v2 =	vmul.f32 $6.250000000e-02, v2;
	v62 =	vmax.f32 v9, v5;
	[tilespmem:$0x4430] =	vst v59  }
0xb9: {  	v4 =	vmul.f32 $6.250000000e-02, v4;
	[tilespmem:$0x4460] =	vst v62  }
0xba: {  	s13 =	sadd.s32 $0x1, s13;
	[tilespmem:$0x4400] =	vst v2;
	v58 =	vmul.f32 $6.250000000e-02, v7  }
0xbb: {  	s14 =	sshll.u32 s14, $0x4;
	p0 =	sne.s32 s13, $0x10;
	[tilespmem:$0x4410] =	vst v4  }
.Ltmp8:
0xbc: {  	s14 =	sadd.s32 s5, s14;
	[tilespmem:$0x4420] =	vst v58;
	(pc) =	sbr.rel @p0 .LBB2_2-.Ltmp8, $4  }
0xbd: {  	[hbm4b:s14+s2] =	stream.linear.scatter [tilespmem:s11], [sflag:$0x2], $0x400, $0x38;
	[tilespmem:$0x4480] =	vst v63  }
0xbe: {  	_ =	swait.ge [sflag:s8], $0x400  }
0xbf: {  	[sflag:s8] =	ssyncset.done $0x0  }
0xc0: {  	[sflag:s8] =	ssyncadd.s32 $0xFFFFFC00  }
0xc1: {  	s12 =	sadd.s32 $0x1, s12  }
0xc2: {  	p0 =	sne.s32 s12, s7  }
.Ltmp9:
0xc3: {  	_ = 	snop;
	(pc) =	sbr.rel @p0 .LBB2_1-.Ltmp9, $1  }
0xc4: {  	_ =	sdelay $0x3  }
0xc5: {  	_ =	sfence.sel $0x180000  }
0xc6: {  	[bflag:$0x0] =	sbarrier.arrive $0xFFFF  }
0xc7: {  	p0 =	sne.s32 s3, $0x0;
	_ =	strace $0x90000047  }
0xc8: {  	s0 =	sadd.s32 @!p0 $0x100000, s0;
	[bflag:$0x2] =	sbarrier.arrive $0xFFFF  }
0xc9: {  	[sflag:s0] =	ssyncadd.tile.s32 @!p0 $0x1;
	_ =	shalt  }
.Lfunc_end2:
_tile_overlayer_lowered:
.L_overlay_start_2:
0xca: {  	(tag) =	ssettag $0x2  }
0xcb: {  	s0 =	rddreg [dreg:$0x0];
	s2 =	stileid.u32  }
0xcc: {  	s1 =	rddreg [dreg:$0x1];
	p0 =	sne.s32 s2, $0x0  }
0xcd: {  	s3 =	rddreg [dreg:$0x2];
	[bflag:$0x3] =	sbarrier.arrive $0xFFFF;
	s2 =	simm.s32 @!p0 $0x1C02  }
0xce: {  	[timem:s3], [sflag:s2] =	dma.local @!p0 [hbm:s0], s1  }
0xcf: {  	s0 =	simm.s32 @!p0 $0x2  }
0xd0: {  	_ =	swait.ge @!p0 [sflag:s0], s1  }
0xd1: {  	s1 =	ssub.s32 @!p0 $0x0, s1;
	[sflag:s0] =	ssyncset.done @!p0 $0x0  }
0xd2: {  	[sflag:s0] =	ssyncadd.s32 @!p0 s1  }
0xd3: {  	[bflag:$0x3] =	sbarrier.arrive $0xFFFF  }
0xd4: {  	_ =	shalt  }

</sc_bundles>
